<compile_context>
chip_gen: v7x
topology: tpu7x:2x2x1
jax: 0.10.2.dev20260603
libtpu: 0.0.44.dev20260713+nightly
codegen_flags: <defaults>
</compile_context>

<pallas_src>
import jax
import jax.numpy as jnp
from jax import lax
from jax.experimental import pallas as pl
from jax.experimental.pallas import tpu as pltpu
from jax.experimental.pallas import tpu_sc as plsc

BATCH = 16384
FACTOR = 16
VOCAB = 1000000
NUM_WORKERS = 32
PER_W = BATCH // NUM_WORKERS
CHUNKS = PER_W // 16
BLK = 256


def _body(user_hbm, item_hbm, avg_hbm, euT_hbm, eiT_hbm, ub_hbm, ib_hbm,
          out_hbm, idx_u, idx_i, u_blk, i_blk, bu, bi, avg_v, out_v,
          s0, s2, s3):
    wid = lax.axis_index("s") * 2 + lax.axis_index("c")
    base = wid * PER_W

    pltpu.sync_copy(user_hbm.at[pl.ds(base, PER_W)], idx_u)
    pltpu.sync_copy(item_hbm.at[pl.ds(base, PER_W)], idx_i)

    c_bu = pltpu.async_copy(ub_hbm.at[idx_u], bu, s2)
    c_bi = pltpu.async_copy(ib_hbm.at[idx_i], bi, s3)

    pltpu.sync_copy(avg_hbm.at[pl.ds(base, PER_W)], avg_v)
    c_bu.wait()
    c_bi.wait()

    lane = lax.iota(jnp.int32, 16)

    def step(c, carry):
        @pl.when(c < CHUNKS)
        def _fire():
            s = c * 16
            pb = lax.rem(c, 2) * BLK
            u16a = idx_u[pl.ds(s, 16)] & -16
            v16a = idx_i[pl.ds(s, 16)] & -16
            for l in range(16):
                u0 = pl.multiple_of(u16a[l], 16)
                v0 = pl.multiple_of(v16a[l], 16)
                dst = pb + l * 16
                pltpu.async_copy(
                    euT_hbm.at[pl.ds(0, 2), pl.ds(0, 8), pl.ds(u0, 16)],
                    u_blk.at[pl.ds(0, 2), pl.ds(0, 8), pl.ds(dst, 16)], s0)
                pltpu.async_copy(
                    eiT_hbm.at[pl.ds(0, 2), pl.ds(0, 8), pl.ds(v0, 16)],
                    i_blk.at[pl.ds(0, 2), pl.ds(0, 8), pl.ds(dst, 16)], s0)

        @pl.when(c > 0)
        def _drain_and_compute():
            cc = c - 1
            s = cc * 16
            qb = lax.rem(cc, 2) * BLK
            dummy_src = euT_hbm.at[pl.ds(0, 2), pl.ds(0, 8), pl.ds(0, BLK)]
            for blk in (u_blk, i_blk):
                pltpu.make_async_copy(
                    dummy_src,
                    blk.at[pl.ds(0, 2), pl.ds(0, 8), pl.ds(0, BLK)],
                    s0).wait()

            u16 = idx_u[pl.ds(s, 16)]
            v16 = idx_i[pl.ds(s, 16)]
            ucol = qb + lane * 16 + (u16 & 15)
            vcol = qb + lane * 16 + (v16 & 15)
            acc = avg_v[pl.ds(s, 16)] + bu[pl.ds(s, 16)] + bi[pl.ds(s, 16)]
            for f in range(FACTOR):
                fh = jnp.full((16,), f // 8, jnp.int32)
                fr = jnp.full((16,), f % 8, jnp.int32)
                uu = plsc.load_gather(u_blk, [fh, fr, ucol])
                vv = plsc.load_gather(i_blk, [fh, fr, vcol])
                acc = acc + uu * vv
            out_v[pl.ds(s, 16)] = acc

        return carry

    lax.fori_loop(0, CHUNKS + 1, step, 0)

    pltpu.sync_copy(out_v, out_hbm.at[pl.ds(base, PER_W)])


@jax.jit
def _cdcf(user, item, average, embed_user, embed_item, user_bias, item_bias):
    mesh = plsc.VectorSubcoreMesh(core_axis_name="c", subcore_axis_name="s")
    fn = pl.kernel(
        _body,
        out_type=jax.ShapeDtypeStruct((BATCH,), jnp.float32),
        mesh=mesh,
        scratch_types=[
            pltpu.VMEM((PER_W,), jnp.int32),
            pltpu.VMEM((PER_W,), jnp.int32),
            pltpu.VMEM((2, 8, 2 * BLK), jnp.float32),
            pltpu.VMEM((2, 8, 2 * BLK), jnp.float32),
            pltpu.VMEM((PER_W,), jnp.float32),
            pltpu.VMEM((PER_W,), jnp.float32),
            pltpu.VMEM((PER_W,), jnp.float32),
            pltpu.VMEM((PER_W,), jnp.float32),
            pltpu.SemaphoreType.DMA,
            pltpu.SemaphoreType.DMA,
            pltpu.SemaphoreType.DMA,
        ],
        compiler_params=pltpu.CompilerParams(needs_layout_passes=False,
                                             use_tc_tiling_on_sc=True,
                                             disable_bounds_checks=True,
                                             skip_device_barrier=True),
    )
    euT = embed_user.T.reshape(2, 8, VOCAB)
    eiT = embed_item.T.reshape(2, 8, VOCAB)
    return fn(user, item, average, euT, eiT, user_bias, item_bias)


def kernel(user, item, average, embed_user, embed_item, user_bias, item_bias):
    return _cdcf(user.astype(jnp.int32), item.astype(jnp.int32), average,
                 embed_user, embed_item, user_bias, item_bias)

# --- scband reference (transcript-rebuilt; emitter-appended) ---
"""Pipeline reference for scband-cdcf-26113401160410 (READ-ONLY COPY).

The authoritative reference and input builder live on the scoring server;
editing this copy changes nothing except your own understanding.
"""

import jax, jax.numpy as jnp
import numpy as np

USERNUM = 1000000
ITEMNUM = 1000000
FACTOR_NUM = 16
BATCH = 16384

def setup_inputs(seed: int = 0) -> dict:
    key = jax.random.key(seed)
    k1, k2, k3, k4, k5 = jax.random.split(key, 5)
    user = jax.random.randint(k1, (BATCH,), 0, USERNUM, dtype=jnp.int64) if jax.config.jax_enable_x64 else jax.random.randint(k1, (BATCH,), 0, USERNUM, dtype=jnp.int32)
    item = jax.random.randint(k2, (BATCH,), 0, ITEMNUM, dtype=jnp.int32)
    average = jax.random.uniform(k3, (BATCH,), dtype=jnp.float32)
    embed_user = jax.random.normal(k4, (USERNUM, FACTOR_NUM), dtype=jnp.float32) * 0.01
    embed_item = jax.random.normal(k5, (ITEMNUM, FACTOR_NUM), dtype=jnp.float32) * 0.01
    user_bias = jnp.zeros((USERNUM,), dtype=jnp.float32)
    item_bias = jnp.zeros((ITEMNUM,), dtype=jnp.float32)
    return {"user": user, "item": item, "average": average,
            "embed_user": embed_user, "embed_item": embed_item,
            "user_bias": user_bias, "item_bias": item_bias}

def reference(user, item, average, embed_user, embed_item, user_bias, item_bias):
    # Collaborative-filtering rating prediction (the faithful intent of CDCF):
    #   r_hat = average + b_u + b_i + <p_u, q_i>
    u_emb = jnp.take(embed_user, user, axis=0)   # [B, F] gather
    i_emb = jnp.take(embed_item, item, axis=0)   # [B, F] gather
    b_u = jnp.take(user_bias, user, axis=0)      # [B] gather
    b_i = jnp.take(item_bias, item, axis=0)      # [B] gather
    pred = average + b_u + b_i + jnp.sum(u_emb * i_emb, axis=-1)
    return pred

if __name__ == "__main__":
    import jax
    _d = setup_inputs()
    print(jax.jit(kernel)(*tuple(_d.values())))

</pallas_src>

<mosaic_0001>
#map = affine_map<(d0, d1) -> (0)>
#map1 = affine_map<(d0, d1) -> (0, 0, 0)>
module attributes {stable_mosaic.version = 14 : i64} {
  func.func @_body(%arg0: i32, %arg1: i32, %arg2: memref<16384xi32, #tpu.memory_space<hbm>>, %arg3: memref<16384xi32, #tpu.memory_space<hbm>>, %arg4: memref<16384xf32, #tpu.memory_space<hbm>>, %arg5: memref<2x8x1000000xf32, #tpu.memory_space<hbm>>, %arg6: memref<2x8x1000000xf32, #tpu.memory_space<hbm>>, %arg7: memref<1000000xf32, #tpu.memory_space<hbm>>, %arg8: memref<1000000xf32, #tpu.memory_space<hbm>>, %arg9: memref<16384xf32, #tpu.memory_space<hbm>>, %arg10: memref<512xi32, #tpu.memory_space<vmem>>, %arg11: memref<512xi32, #tpu.memory_space<vmem>>, %arg12: memref<2x8x512xf32, #tpu.memory_space<vmem>>, %arg13: memref<2x8x512xf32, #tpu.memory_space<vmem>>, %arg14: memref<512xf32, #tpu.memory_space<vmem>>, %arg15: memref<512xf32, #tpu.memory_space<vmem>>, %arg16: memref<512xf32, #tpu.memory_space<vmem>>, %arg17: memref<512xf32, #tpu.memory_space<vmem>>, %arg18: memref<!tpu.dma_semaphore, #tpu.memory_space<semaphore_mem>>, %arg19: memref<!tpu.dma_semaphore, #tpu.memory_space<semaphore_mem>>, %arg20: memref<!tpu.dma_semaphore, #tpu.memory_space<semaphore_mem>>) attributes {dimension_semantics = [#tpu.dimension_semantics<core_parallel>, #tpu.dimension_semantics<subcore_parallel>], iteration_bounds = array<i64: 2, 16>, scalar_prefetch = 0 : i64, scratch_operands = 11 : i64, tpu.core_type = #tpu.core_type<sc_vector_subcore>, window_params = [{transform_indices = #map}, {transform_indices = #map}, {transform_indices = #map}, {transform_indices = #map1}, {transform_indices = #map1}, {transform_indices = #map}, {transform_indices = #map}, {transform_indices = #map}]} {
    %mul3A = arith.constant 2 : i32
    %mul3A_0 = arith.muli %arg1, %mul3A : i32
    %add3A = arith.addi %mul3A_0, %arg0 : i32
    %mul3A_1 = arith.constant 512 : i32
    %mul3A_2 = arith.muli %add3A, %mul3A_1 : i32
    "tpu.region"() ({
      %run_scoped3A = tpu.sem_alloc : memref<!tpu.dma_semaphore, #tpu.memory_space<semaphore_mem>>
      %dma_start3A_14 = tpu.memref_slice %arg2[%mul3A_2] : memref<16384xi32, #tpu.memory_space<hbm>> -> memref<512xi32, #tpu.memory_space<hbm>>
      %dma_start3A_15 = tpu.memref_slice %arg2[%mul3A_2] : memref<16384xi32, #tpu.memory_space<hbm>> -> memref<512xi32, #tpu.memory_space<hbm>>
      tpu.enqueue_dma source(%dma_start3A_15 : memref<512xi32, #tpu.memory_space<hbm>>) target(%arg10 : memref<512xi32, #tpu.memory_space<vmem>>) target_semaphore(%run_scoped3A : memref<!tpu.dma_semaphore, #tpu.memory_space<semaphore_mem>>)
      %dma_wait3A_16 = tpu.memref_slice %arg2[%mul3A_2] : memref<16384xi32, #tpu.memory_space<hbm>> -> memref<512xi32, #tpu.memory_space<hbm>>
      %dma_wait3A_17 = tpu.memref_slice %arg2[%mul3A_2] : memref<16384xi32, #tpu.memory_space<hbm>> -> memref<512xi32, #tpu.memory_space<hbm>>
      tpu.wait_dma2 semaphore(%run_scoped3A : memref<!tpu.dma_semaphore, #tpu.memory_space<semaphore_mem>>) src(%dma_wait3A_17 : memref<512xi32, #tpu.memory_space<hbm>>) dst(%arg10 : memref<512xi32, #tpu.memory_space<vmem>>)
      tpu.yield
    }) : () -> ()
    "tpu.region"() ({
      %run_scoped3A = tpu.sem_alloc : memref<!tpu.dma_semaphore, #tpu.memory_space<semaphore_mem>>
      %dma_start3A_14 = tpu.memref_slice %arg3[%mul3A_2] : memref<16384xi32, #tpu.memory_space<hbm>> -> memref<512xi32, #tpu.memory_space<hbm>>
      %dma_start3A_15 = tpu.memref_slice %arg3[%mul3A_2] : memref<16384xi32, #tpu.memory_space<hbm>> -> memref<512xi32, #tpu.memory_space<hbm>>
      tpu.enqueue_dma source(%dma_start3A_15 : memref<512xi32, #tpu.memory_space<hbm>>) target(%arg11 : memref<512xi32, #tpu.memory_space<vmem>>) target_semaphore(%run_scoped3A : memref<!tpu.dma_semaphore, #tpu.memory_space<semaphore_mem>>)
      %dma_wait3A_16 = tpu.memref_slice %arg3[%mul3A_2] : memref<16384xi32, #tpu.memory_space<hbm>> -> memref<512xi32, #tpu.memory_space<hbm>>
      %dma_wait3A_17 = tpu.memref_slice %arg3[%mul3A_2] : memref<16384xi32, #tpu.memory_space<hbm>> -> memref<512xi32, #tpu.memory_space<hbm>>
      tpu.wait_dma2 semaphore(%run_scoped3A : memref<!tpu.dma_semaphore, #tpu.memory_space<semaphore_mem>>) src(%dma_wait3A_17 : memref<512xi32, #tpu.memory_space<hbm>>) dst(%arg11 : memref<512xi32, #tpu.memory_space<vmem>>)
      tpu.yield
    }) : () -> ()
    %dma_start3A = arith.constant 0 : i32
    %dma_start3A_3 = tpu.memref_slice %arg7[%dma_start3A] : memref<1000000xf32, #tpu.memory_space<hbm>> -> memref<1000000xf32, #tpu.memory_space<hbm>>
    tpu.enqueue_indirect_dma source(%dma_start3A_3 : memref<1000000xf32, #tpu.memory_space<hbm>>) target(%arg14 : memref<512xf32, #tpu.memory_space<vmem>>) offsets(%arg10 : memref<512xi32, #tpu.memory_space<vmem>>) semaphore(%arg19 : memref<!tpu.dma_semaphore, #tpu.memory_space<semaphore_mem>>)
    %dma_start3A_4 = arith.constant 0 : i32
    %dma_start3A_5 = tpu.memref_slice %arg8[%dma_start3A_4] : memref<1000000xf32, #tpu.memory_space<hbm>> -> memref<1000000xf32, #tpu.memory_space<hbm>>
    tpu.enqueue_indirect_dma source(%dma_start3A_5 : memref<1000000xf32, #tpu.memory_space<hbm>>) target(%arg15 : memref<512xf32, #tpu.memory_space<vmem>>) offsets(%arg11 : memref<512xi32, #tpu.memory_space<vmem>>) semaphore(%arg20 : memref<!tpu.dma_semaphore, #tpu.memory_space<semaphore_mem>>)
    "tpu.region"() ({
      %run_scoped3A = tpu.sem_alloc : memref<!tpu.dma_semaphore, #tpu.memory_space<semaphore_mem>>
      %dma_start3A_14 = tpu.memref_slice %arg4[%mul3A_2] : memref<16384xf32, #tpu.memory_space<hbm>> -> memref<512xf32, #tpu.memory_space<hbm>>
      %dma_start3A_15 = tpu.memref_slice %arg4[%mul3A_2] : memref<16384xf32, #tpu.memory_space<hbm>> -> memref<512xf32, #tpu.memory_space<hbm>>
      tpu.enqueue_dma source(%dma_start3A_15 : memref<512xf32, #tpu.memory_space<hbm>>) target(%arg16 : memref<512xf32, #tpu.memory_space<vmem>>) target_semaphore(%run_scoped3A : memref<!tpu.dma_semaphore, #tpu.memory_space<semaphore_mem>>)
      %dma_wait3A_16 = tpu.memref_slice %arg4[%mul3A_2] : memref<16384xf32, #tpu.memory_space<hbm>> -> memref<512xf32, #tpu.memory_space<hbm>>
      %dma_wait3A_17 = tpu.memref_slice %arg4[%mul3A_2] : memref<16384xf32, #tpu.memory_space<hbm>> -> memref<512xf32, #tpu.memory_space<hbm>>
      tpu.wait_dma2 semaphore(%run_scoped3A : memref<!tpu.dma_semaphore, #tpu.memory_space<semaphore_mem>>) src(%dma_wait3A_17 : memref<512xf32, #tpu.memory_space<hbm>>) dst(%arg16 : memref<512xf32, #tpu.memory_space<vmem>>)
      tpu.yield
    }) : () -> ()
    %dma_wait3A = arith.constant 0 : i32
    %dma_wait3A_6 = tpu.memref_slice %arg7[%dma_wait3A] : memref<1000000xf32, #tpu.memory_space<hbm>> -> memref<1000000xf32, #tpu.memory_space<hbm>>
    tpu.wait_indirect_dma semaphore(%arg19 : memref<!tpu.dma_semaphore, #tpu.memory_space<semaphore_mem>>) src(%dma_wait3A_6 : memref<1000000xf32, #tpu.memory_space<hbm>>) dst(%arg14 : memref<512xf32, #tpu.memory_space<vmem>>)
    %dma_wait3A_7 = arith.constant 0 : i32
    %dma_wait3A_8 = tpu.memref_slice %arg8[%dma_wait3A_7] : memref<1000000xf32, #tpu.memory_space<hbm>> -> memref<1000000xf32, #tpu.memory_space<hbm>>
    tpu.wait_indirect_dma semaphore(%arg20 : memref<!tpu.dma_semaphore, #tpu.memory_space<semaphore_mem>>) src(%dma_wait3A_8 : memref<1000000xf32, #tpu.memory_space<hbm>>) dst(%arg15 : memref<512xf32, #tpu.memory_space<vmem>>)
    %iota3A = tpu.iota {dimensions = array<i32: 0>} : vector<16xi32>
    %scan3A = arith.constant 0 : i32
    %scan3A_9 = arith.constant 0 : i32
    %scan3A_10 = arith.constant 33 : i32
    %scan3A_11 = arith.addi %scan3A_9, %scan3A_10 : i32
    %scan3A_12 = arith.constant 1 : i32
    scf.for %scan3A_14 = %scan3A_9 to %scan3A_11 step %scan3A_12  : i32 {
      %lt3A = arith.constant 32 : i32
      %lt3A_15 = arith.cmpi slt, %scan3A_14, %lt3A : i32
      %convert_element_type3A = arith.extui %lt3A_15 : i1 to i32
      %cond3A = arith.constant 0 : i32
      %cond3A_16 = arith.cmpi ne, %convert_element_type3A, %cond3A : i32
      scf.if %cond3A_16 {
        %mul3A_21 = arith.constant 16 : i32
        %mul3A_22 = arith.muli %scan3A_14, %mul3A_21 : i32
        %rem3A = arith.constant 2 : i32
        %rem3A_23 = arith.remsi %scan3A_14, %rem3A : i32
        %mul3A_24 = arith.constant 256 : i32
        %mul3A_25 = arith.muli %rem3A_23, %mul3A_24 : i32
        %get3A = arith.index_cast %mul3A_22 : i32 to index
        %get3A_26 = tpu.vector_load %arg10[%get3A] {strides = array<i32>} : memref<512xi32, #tpu.memory_space<vmem>>, vector<16xi32>,
        %and3A = arith.constant -16 : i32
        %and3A_27 = vector.broadcast %and3A : i32 to vector<16xi32>
        %and3A_28 = arith.andi %get3A_26, %and3A_27 : vector<16xi32>
        %get3A_29 = arith.index_cast %mul3A_22 : i32 to index
        %get3A_30 = tpu.vector_load %arg11[%get3A_29] {strides = array<i32>} : memref<512xi32, #tpu.memory_space<vmem>>, vector<16xi32>,
        %and3A_31 = arith.constant -16 : i32
        %and3A_32 = vector.broadcast %and3A_31 : i32 to vector<16xi32>
        %and3A_33 = arith.andi %get3A_30, %and3A_32 : vector<16xi32>
        %slice3A = vector.extract_strided_slice %and3A_28 {offsets = [0], sizes = [1], strides = [1]} : vector<16xi32> to vector<1xi32>
        %squeeze3A = vector.extract %slice3A[0] : i32 from vector<1xi32>
        %multiple_of3A = tpu.assume_multiple %squeeze3A, 16 : i32
        %slice3A_34 = vector.extract_strided_slice %and3A_33 {offsets = [0], sizes = [1], strides = [1]} : vector<16xi32> to vector<1xi32>
        %squeeze3A_35 = vector.extract %slice3A_34[0] : i32 from vector<1xi32>
        %multiple_of3A_36 = tpu.assume_multiple %squeeze3A_35, 16 : i32
        %add3A_37 = arith.constant 0 : i32
        %add3A_38 = arith.addi %mul3A_25, %add3A_37 : i32
        %dma_start3A_39 = arith.constant 0 : i32
        %dma_start3A_40 = arith.constant 0 : i32
        %dma_start3A_41 = tpu.memref_slice %arg12[%dma_start3A_39, %dma_start3A_40, %add3A_38] : memref<2x8x512xf32, #tpu.memory_space<vmem>> -> memref<2x8x16xf32, #tpu.memory_space<vmem>>
        %dma_start3A_42 = arith.constant 0 : i32
        %dma_start3A_43 = arith.constant 0 : i32
        %dma_start3A_44 = tpu.memref_slice %arg5[%dma_start3A_42, %dma_start3A_43, %multiple_of3A] : memref<2x8x1000000xf32, #tpu.memory_space<hbm>> -> memref<2x8x16xf32, #tpu.memory_space<hbm>>
        %dma_start3A_45 = arith.constant 0 : i32
        %dma_start3A_46 = arith.constant 0 : i32
        %dma_start3A_47 = tpu.memref_slice %arg12[%dma_start3A_45, %dma_start3A_46, %add3A_38] : memref<2x8x512xf32, #tpu.memory_space<vmem>> -> memref<2x8x16xf32, #tpu.memory_space<vmem>>
        %dma_start3A_48 = arith.constant 0 : i32
        %dma_start3A_49 = arith.constant 0 : i32
        %dma_start3A_50 = tpu.memref_slice %arg5[%dma_start3A_48, %dma_start3A_49, %multiple_of3A] : memref<2x8x1000000xf32, #tpu.memory_space<hbm>> -> memref<2x8x16xf32, #tpu.memory_space<hbm>>
        tpu.enqueue_dma source(%dma_start3A_50 : memref<2x8x16xf32, #tpu.memory_space<hbm>>) target(%dma_start3A_47 : memref<2x8x16xf32, #tpu.memory_space<vmem>>) target_semaphore(%arg18 : memref<!tpu.dma_semaphore, #tpu.memory_space<semaphore_mem>>)
        %dma_start3A_51 = arith.constant 0 : i32
        %dma_start3A_52 = arith.constant 0 : i32
        %dma_start3A_53 = tpu.memref_slice %arg13[%dma_start3A_51, %dma_start3A_52, %add3A_38] : memref<2x8x512xf32, #tpu.memory_space<vmem>> -> memref<2x8x16xf32, #tpu.memory_space<vmem>>
        %dma_start3A_54 = arith.constant 0 : i32
        %dma_start3A_55 = arith.constant 0 : i32
        %dma_start3A_56 = tpu.memref_slice %arg6[%dma_start3A_54, %dma_start3A_55, %multiple_of3A_36] : memref<2x8x1000000xf32, #tpu.memory_space<hbm>> -> memref<2x8x16xf32, #tpu.memory_space<hbm>>
        %dma_start3A_57 = arith.constant 0 : i32
        %dma_start3A_58 = arith.constant 0 : i32
        %dma_start3A_59 = tpu.memref_slice %arg13[%dma_start3A_57, %dma_start3A_58, %add3A_38] : memref<2x8x512xf32, #tpu.memory_space<vmem>> -> memref<2x8x16xf32, #tpu.memory_space<vmem>>
        %dma_start3A_60 = arith.constant 0 : i32
        %dma_start3A_61 = arith.constant 0 : i32
        %dma_start3A_62 = tpu.memref_slice %arg6[%dma_start3A_60, %dma_start3A_61, %multiple_of3A_36] : memref<2x8x1000000xf32, #tpu.memory_space<hbm>> -> memref<2x8x16xf32, #tpu.memory_space<hbm>>
        tpu.enqueue_dma source(%dma_start3A_62 : memref<2x8x16xf32, #tpu.memory_space<hbm>>) target(%dma_start3A_59 : memref<2x8x16xf32, #tpu.memory_space<vmem>>) target_semaphore(%arg18 : memref<!tpu.dma_semaphore, #tpu.memory_space<semaphore_mem>>)
        %slice3A_63 = vector.extract_strided_slice %and3A_28 {offsets = [1], sizes = [1], strides = [1]} : vector<16xi32> to vector<1xi32>
        %squeeze3A_64 = vector.extract %slice3A_63[0] : i32 from vector<1xi32>
        %multiple_of3A_65 = tpu.assume_multiple %squeeze3A_64, 16 : i32
        %slice3A_66 = vector.extract_strided_slice %and3A_33 {offsets = [1], sizes = [1], strides = [1]} : vector<16xi32> to vector<1xi32>
        %squeeze3A_67 = vector.extract %slice3A_66[0] : i32 from vector<1xi32>
        %multiple_of3A_68 = tpu.assume_multiple %squeeze3A_67, 16 : i32
        %add3A_69 = arith.constant 16 : i32
        %add3A_70 = arith.addi %mul3A_25, %add3A_69 : i32
        %dma_start3A_71 = arith.constant 0 : i32
        %dma_start3A_72 = arith.constant 0 : i32
        %dma_start3A_73 = tpu.memref_slice %arg12[%dma_start3A_71, %dma_start3A_72, %add3A_70] : memref<2x8x512xf32, #tpu.memory_space<vmem>> -> memref<2x8x16xf32, #tpu.memory_space<vmem>>
        %dma_start3A_74 = arith.constant 0 : i32
        %dma_start3A_75 = arith.constant 0 : i32
        %dma_start3A_76 = tpu.memref_slice %arg5[%dma_start3A_74, %dma_start3A_75, %multiple_of3A_65] : memref<2x8x1000000xf32, #tpu.memory_space<hbm>> -> memref<2x8x16xf32, #tpu.memory_space<hbm>>
        %dma_start3A_77 = arith.constant 0 : i32
        %dma_start3A_78 = arith.constant 0 : i32
        %dma_start3A_79 = tpu.memref_slice %arg12[%dma_start3A_77, %dma_start3A_78, %add3A_70] : memref<2x8x512xf32, #tpu.memory_space<vmem>> -> memref<2x8x16xf32, #tpu.memory_space<vmem>>
        %dma_start3A_80 = arith.constant 0 : i32
        %dma_start3A_81 = arith.constant 0 : i32
        %dma_start3A_82 = tpu.memref_slice %arg5[%dma_start3A_80, %dma_start3A_81, %multiple_of3A_65] : memref<2x8x1000000xf32, #tpu.memory_space<hbm>> -> memref<2x8x16xf32, #tpu.memory_space<hbm>>
        tpu.enqueue_dma source(%dma_start3A_82 : memref<2x8x16xf32, #tpu.memory_space<hbm>>) target(%dma_start3A_79 : memref<2x8x16xf32, #tpu.memory_space<vmem>>) target_semaphore(%arg18 : memref<!tpu.dma_semaphore, #tpu.memory_space<semaphore_mem>>)
        %dma_start3A_83 = arith.constant 0 : i32
        %dma_start3A_84 = arith.constant 0 : i32
        %dma_start3A_85 = tpu.memref_slice %arg13[%dma_start3A_83, %dma_start3A_84, %add3A_70] : memref<2x8x512xf32, #tpu.memory_space<vmem>> -> memref<2x8x16xf32, #tpu.memory_space<vmem>>
        %dma_start3A_86 = arith.constant 0 : i32
        %dma_start3A_87 = arith.constant 0 : i32
        %dma_start3A_88 = tpu.memref_slice %arg6[%dma_start3A_86, %dma_start3A_87, %multiple_of3A_68] : memref<2x8x1000000xf32, #tpu.memory_space<hbm>> -> memref<2x8x16xf32, #tpu.memory_space<hbm>>
        %dma_start3A_89 = arith.constant 0 : i32
        %dma_start3A_90 = arith.constant 0 : i32
        %dma_start3A_91 = tpu.memref_slice %arg13[%dma_start3A_89, %dma_start3A_90, %add3A_70] : memref<2x8x512xf32, #tpu.memory_space<vmem>> -> memref<2x8x16xf32, #tpu.memory_space<vmem>>
        %dma_start3A_92 = arith.constant 0 : i32
        %dma_start3A_93 = arith.constant 0 : i32
        %dma_start3A_94 = tpu.memref_slice %arg6[%dma_start3A_92, %dma_start3A_93, %multiple_of3A_68] : memref<2x8x1000000xf32, #tpu.memory_space<hbm>> -> memref<2x8x16xf32, #tpu.memory_space<hbm>>
        tpu.enqueue_dma source(%dma_start3A_94 : memref<2x8x16xf32, #tpu.memory_space<hbm>>) target(%dma_start3A_91 : memref<2x8x16xf32, #tpu.memory_space<vmem>>) target_semaphore(%arg18 : memref<!tpu.dma_semaphore, #tpu.memory_space<semaphore_mem>>)
        %slice3A_95 = vector.extract_strided_slice %and3A_28 {offsets = [2], sizes = [1], strides = [1]} : vector<16xi32> to vector<1xi32>
        %squeeze3A_96 = vector.extract %slice3A_95[0] : i32 from vector<1xi32>
        %multiple_of3A_97 = tpu.assume_multiple %squeeze3A_96, 16 : i32
        %slice3A_98 = vector.extract_strided_slice %and3A_33 {offsets = [2], sizes = [1], strides = [1]} : vector<16xi32> to vector<1xi32>
        %squeeze3A_99 = vector.extract %slice3A_98[0] : i32 from vector<1xi32>
        %multiple_of3A_100 = tpu.assume_multiple %squeeze3A_99, 16 : i32
        %add3A_101 = arith.constant 32 : i32
        %add3A_102 = arith.addi %mul3A_25, %add3A_101 : i32
        %dma_start3A_103 = arith.constant 0 : i32
        %dma_start3A_104 = arith.constant 0 : i32
        %dma_start3A_105 = tpu.memref_slice %arg12[%dma_start3A_103, %dma_start3A_104, %add3A_102] : memref<2x8x512xf32, #tpu.memory_space<vmem>> -> memref<2x8x16xf32, #tpu.memory_space<vmem>>
        %dma_start3A_106 = arith.constant 0 : i32
        %dma_start3A_107 = arith.constant 0 : i32
        %dma_start3A_108 = tpu.memref_slice %arg5[%dma_start3A_106, %dma_start3A_107, %multiple_of3A_97] : memref<2x8x1000000xf32, #tpu.memory_space<hbm>> -> memref<2x8x16xf32, #tpu.memory_space<hbm>>
        %dma_start3A_109 = arith.constant 0 : i32
        %dma_start3A_110 = arith.constant 0 : i32
        %dma_start3A_111 = tpu.memref_slice %arg12[%dma_start3A_109, %dma_start3A_110, %add3A_102] : memref<2x8x512xf32, #tpu.memory_space<vmem>> -> memref<2x8x16xf32, #tpu.memory_space<vmem>>
        %dma_start3A_112 = arith.constant 0 : i32
        %dma_start3A_113 = arith.constant 0 : i32
        %dma_start3A_114 = tpu.memref_slice %arg5[%dma_start3A_112, %dma_start3A_113, %multiple_of3A_97] : memref<2x8x1000000xf32, #tpu.memory_space<hbm>> -> memref<2x8x16xf32, #tpu.memory_space<hbm>>
        tpu.enqueue_dma source(%dma_start3A_114 : memref<2x8x16xf32, #tpu.memory_space<hbm>>) target(%dma_start3A_111 : memref<2x8x16xf32, #tpu.memory_space<vmem>>) target_semaphore(%arg18 : memref<!tpu.dma_semaphore, #tpu.memory_space<semaphore_mem>>)
        %dma_start3A_115 = arith.constant 0 : i32
        %dma_start3A_116 = arith.constant 0 : i32
        %dma_start3A_117 = tpu.memref_slice %arg13[%dma_start3A_115, %dma_start3A_116, %add3A_102] : memref<2x8x512xf32, #tpu.memory_space<vmem>> -> memref<2x8x16xf32, #tpu.memory_space<vmem>>
        %dma_start3A_118 = arith.constant 0 : i32
        %dma_start3A_119 = arith.constant 0 : i32
        %dma_start3A_120 = tpu.memref_slice %arg6[%dma_start3A_118, %dma_start3A_119, %multiple_of3A_100] : memref<2x8x1000000xf32, #tpu.memory_space<hbm>> -> memref<2x8x16xf32, #tpu.memory_space<hbm>>
        %dma_start3A_121 = arith.constant 0 : i32
        %dma_start3A_122 = arith.constant 0 : i32
        %dma_start3A_123 = tpu.memref_slice %arg13[%dma_start3A_121, %dma_start3A_122, %add3A_102] : memref<2x8x512xf32, #tpu.memory_space<vmem>> -> memref<2x8x16xf32, #tpu.memory_space<vmem>>
        %dma_start3A_124 = arith.constant 0 : i32
        %dma_start3A_125 = arith.constant 0 : i32
        %dma_start3A_126 = tpu.memref_slice %arg6[%dma_start3A_124, %dma_start3A_125, %multiple_of3A_100] : memref<2x8x1000000xf32, #tpu.memory_space<hbm>> -> memref<2x8x16xf32, #tpu.memory_space<hbm>>
        tpu.enqueue_dma source(%dma_start3A_126 : memref<2x8x16xf32, #tpu.memory_space<hbm>>) target(%dma_start3A_123 : memref<2x8x16xf32, #tpu.memory_space<vmem>>) target_semaphore(%arg18 : memref<!tpu.dma_semaphore, #tpu.memory_space<semaphore_mem>>)
        %slice3A_127 = vector.extract_strided_slice %and3A_28 {offsets = [3], sizes = [1], strides = [1]} : vector<16xi32> to vector<1xi32>
        %squeeze3A_128 = vector.extract %slice3A_127[0] : i32 from vector<1xi32>
        %multiple_of3A_129 = tpu.assume_multiple %squeeze3A_128, 16 : i32
        %slice3A_130 = vector.extract_strided_slice %and3A_33 {offsets = [3], sizes = [1], strides = [1]} : vector<16xi32> to vector<1xi32>
        %squeeze3A_131 = vector.extract %slice3A_130[0] : i32 from vector<1xi32>
        %multiple_of3A_132 = tpu.assume_multiple %squeeze3A_131, 16 : i32
        %add3A_133 = arith.constant 48 : i32
        %add3A_134 = arith.addi %mul3A_25, %add3A_133 : i32
        %dma_start3A_135 = arith.constant 0 : i32
        %dma_start3A_136 = arith.constant 0 : i32
        %dma_start3A_137 = tpu.memref_slice %arg12[%dma_start3A_135, %dma_start3A_136, %add3A_134] : memref<2x8x512xf32, #tpu.memory_space<vmem>> -> memref<2x8x16xf32, #tpu.memory_space<vmem>>
        %dma_start3A_138 = arith.constant 0 : i32
        %dma_start3A_139 = arith.constant 0 : i32
        %dma_start3A_140 = tpu.memref_slice %arg5[%dma_start3A_138, %dma_start3A_139, %multiple_of3A_129] : memref<2x8x1000000xf32, #tpu.memory_space<hbm>> -> memref<2x8x16xf32, #tpu.memory_space<hbm>>
        %dma_start3A_141 = arith.constant 0 : i32
        %dma_start3A_142 = arith.constant 0 : i32
        %dma_start3A_143 = tpu.memref_slice %arg12[%dma_start3A_141, %dma_start3A_142, %add3A_134] : memref<2x8x512xf32, #tpu.memory_space<vmem>> -> memref<2x8x16xf32, #tpu.memory_space<vmem>>
        %dma_start3A_144 = arith.constant 0 : i32
        %dma_start3A_145 = arith.constant 0 : i32
        %dma_start3A_146 = tpu.memref_slice %arg5[%dma_start3A_144, %dma_start3A_145, %multiple_of3A_129] : memref<2x8x1000000xf32, #tpu.memory_space<hbm>> -> memref<2x8x16xf32, #tpu.memory_space<hbm>>
        tpu.enqueue_dma source(%dma_start3A_146 : memref<2x8x16xf32, #tpu.memory_space<hbm>>) target(%dma_start3A_143 : memref<2x8x16xf32, #tpu.memory_space<vmem>>) target_semaphore(%arg18 : memref<!tpu.dma_semaphore, #tpu.memory_space<semaphore_mem>>)
        %dma_start3A_147 = arith.constant 0 : i32
        %dma_start3A_148 = arith.constant 0 : i32
        %dma_start3A_149 = tpu.memref_slice %arg13[%dma_start3A_147, %dma_start3A_148, %add3A_134] : memref<2x8x512xf32, #tpu.memory_space<vmem>> -> memref<2x8x16xf32, #tpu.memory_space<vmem>>
        %dma_start3A_150 = arith.constant 0 : i32
        %dma_start3A_151 = arith.constant 0 : i32
        %dma_start3A_152 = tpu.memref_slice %arg6[%dma_start3A_150, %dma_start3A_151, %multiple_of3A_132] : memref<2x8x1000000xf32, #tpu.memory_space<hbm>> -> memref<2x8x16xf32, #tpu.memory_space<hbm>>
        %dma_start3A_153 = arith.constant 0 : i32
        %dma_start3A_154 = arith.constant 0 : i32
        %dma_start3A_155 = tpu.memref_slice %arg13[%dma_start3A_153, %dma_start3A_154, %add3A_134] : memref<2x8x512xf32, #tpu.memory_space<vmem>> -> memref<2x8x16xf32, #tpu.memory_space<vmem>>
        %dma_start3A_156 = arith.constant 0 : i32
        %dma_start3A_157 = arith.constant 0 : i32
        %dma_start3A_158 = tpu.memref_slice %arg6[%dma_start3A_156, %dma_start3A_157, %multiple_of3A_132] : memref<2x8x1000000xf32, #tpu.memory_space<hbm>> -> memref<2x8x16xf32, #tpu.memory_space<hbm>>
        tpu.enqueue_dma source(%dma_start3A_158 : memref<2x8x16xf32, #tpu.memory_space<hbm>>) target(%dma_start3A_155 : memref<2x8x16xf32, #tpu.memory_space<vmem>>) target_semaphore(%arg18 : memref<!tpu.dma_semaphore, #tpu.memory_space<semaphore_mem>>)
        %slice3A_159 = vector.extract_strided_slice %and3A_28 {offsets = [4], sizes = [1], strides = [1]} : vector<16xi32> to vector<1xi32>
        %squeeze3A_160 = vector.extract %slice3A_159[0] : i32 from vector<1xi32>
        %multiple_of3A_161 = tpu.assume_multiple %squeeze3A_160, 16 : i32
        %slice3A_162 = vector.extract_strided_slice %and3A_33 {offsets = [4], sizes = [1], strides = [1]} : vector<16xi32> to vector<1xi32>
        %squeeze3A_163 = vector.extract %slice3A_162[0] : i32 from vector<1xi32>
        %multiple_of3A_164 = tpu.assume_multiple %squeeze3A_163, 16 : i32
        %add3A_165 = arith.constant 64 : i32
        %add3A_166 = arith.addi %mul3A_25, %add3A_165 : i32
        %dma_start3A_167 = arith.constant 0 : i32
        %dma_start3A_168 = arith.constant 0 : i32
        %dma_start3A_169 = tpu.memref_slice %arg12[%dma_start3A_167, %dma_start3A_168, %add3A_166] : memref<2x8x512xf32, #tpu.memory_space<vmem>> -> memref<2x8x16xf32, #tpu.memory_space<vmem>>
        %dma_start3A_170 = arith.constant 0 : i32
        %dma_start3A_171 = arith.constant 0 : i32
        %dma_start3A_172 = tpu.memref_slice %arg5[%dma_start3A_170, %dma_start3A_171, %multiple_of3A_161] : memref<2x8x1000000xf32, #tpu.memory_space<hbm>> -> memref<2x8x16xf32, #tpu.memory_space<hbm>>
        %dma_start3A_173 = arith.constant 0 : i32
        %dma_start3A_174 = arith.constant 0 : i32
        %dma_start3A_175 = tpu.memref_slice %arg12[%dma_start3A_173, %dma_start3A_174, %add3A_166] : memref<2x8x512xf32, #tpu.memory_space<vmem>> -> memref<2x8x16xf32, #tpu.memory_space<vmem>>
        %dma_start3A_176 = arith.constant 0 : i32
        %dma_start3A_177 = arith.constant 0 : i32
        %dma_start3A_178 = tpu.memref_slice %arg5[%dma_start3A_176, %dma_start3A_177, %multiple_of3A_161] : memref<2x8x1000000xf32, #tpu.memory_space<hbm>> -> memref<2x8x16xf32, #tpu.memory_space<hbm>>
        tpu.enqueue_dma source(%dma_start3A_178 : memref<2x8x16xf32, #tpu.memory_space<hbm>>) target(%dma_start3A_175 : memref<2x8x16xf32, #tpu.memory_space<vmem>>) target_semaphore(%arg18 : memref<!tpu.dma_semaphore, #tpu.memory_space<semaphore_mem>>)
        %dma_start3A_179 = arith.constant 0 : i32
        %dma_start3A_180 = arith.constant 0 : i32
        %dma_start3A_181 = tpu.memref_slice %arg13[%dma_start3A_179, %dma_start3A_180, %add3A_166] : memref<2x8x512xf32, #tpu.memory_space<vmem>> -> memref<2x8x16xf32, #tpu.memory_space<vmem>>
        %dma_start3A_182 = arith.constant 0 : i32
        %dma_start3A_183 = arith.constant 0 : i32
        %dma_start3A_184 = tpu.memref_slice %arg6[%dma_start3A_182, %dma_start3A_183, %multiple_of3A_164] : memref<2x8x1000000xf32, #tpu.memory_space<hbm>> -> memref<2x8x16xf32, #tpu.memory_space<hbm>>
        %dma_start3A_185 = arith.constant 0 : i32
        %dma_start3A_186 = arith.constant 0 : i32
        %dma_start3A_187 = tpu.memref_slice %arg13[%dma_start3A_185, %dma_start3A_186, %add3A_166] : memref<2x8x512xf32, #tpu.memory_space<vmem>> -> memref<2x8x16xf32, #tpu.memory_space<vmem>>
        %dma_start3A_188 = arith.constant 0 : i32
        %dma_start3A_189 = arith.constant 0 : i32
        %dma_start3A_190 = tpu.memref_slice %arg6[%dma_start3A_188, %dma_start3A_189, %multiple_of3A_164] : memref<2x8x1000000xf32, #tpu.memory_space<hbm>> -> memref<2x8x16xf32, #tpu.memory_space<hbm>>
        tpu.enqueue_dma source(%dma_start3A_190 : memref<2x8x16xf32, #tpu.memory_space<hbm>>) target(%dma_start3A_187 : memref<2x8x16xf32, #tpu.memory_space<vmem>>) target_semaphore(%arg18 : memref<!tpu.dma_semaphore, #tpu.memory_space<semaphore_mem>>)
        %slice3A_191 = vector.extract_strided_slice %and3A_28 {offsets = [5], sizes = [1], strides = [1]} : vector<16xi32> to vector<1xi32>
        %squeeze3A_192 = vector.extract %slice3A_191[0] : i32 from vector<1xi32>
        %multiple_of3A_193 = tpu.assume_multiple %squeeze3A_192, 16 : i32
        %slice3A_194 = vector.extract_strided_slice %and3A_33 {offsets = [5], sizes = [1], strides = [1]} : vector<16xi32> to vector<1xi32>
        %squeeze3A_195 = vector.extract %slice3A_194[0] : i32 from vector<1xi32>
        %multiple_of3A_196 = tpu.assume_multiple %squeeze3A_195, 16 : i32
        %add3A_197 = arith.constant 80 : i32
        %add3A_198 = arith.addi %mul3A_25, %add3A_197 : i32
        %dma_start3A_199 = arith.constant 0 : i32
        %dma_start3A_200 = arith.constant 0 : i32
        %dma_start3A_201 = tpu.memref_slice %arg12[%dma_start3A_199, %dma_start3A_200, %add3A_198] : memref<2x8x512xf32, #tpu.memory_space<vmem>> -> memref<2x8x16xf32, #tpu.memory_space<vmem>>
        %dma_start3A_202 = arith.constant 0 : i32
        %dma_start3A_203 = arith.constant 0 : i32
        %dma_start3A_204 = tpu.memref_slice %arg5[%dma_start3A_202, %dma_start3A_203, %multiple_of3A_193] : memref<2x8x1000000xf32, #tpu.memory_space<hbm>> -> memref<2x8x16xf32, #tpu.memory_space<hbm>>
        %dma_start3A_205 = arith.constant 0 : i32
        %dma_start3A_206 = arith.constant 0 : i32
        %dma_start3A_207 = tpu.memref_slice %arg12[%dma_start3A_205, %dma_start3A_206, %add3A_198] : memref<2x8x512xf32, #tpu.memory_space<vmem>> -> memref<2x8x16xf32, #tpu.memory_space<vmem>>
        %dma_start3A_208 = arith.constant 0 : i32
        %dma_start3A_209 = arith.constant 0 : i32
        %dma_start3A_210 = tpu.memref_slice %arg5[%dma_start3A_208, %dma_start3A_209, %multiple_of3A_193] : memref<2x8x1000000xf32, #tpu.memory_space<hbm>> -> memref<2x8x16xf32, #tpu.memory_space<hbm>>
        tpu.enqueue_dma source(%dma_start3A_210 : memref<2x8x16xf32, #tpu.memory_space<hbm>>) target(%dma_start3A_207 : memref<2x8x16xf32, #tpu.memory_space<vmem>>) target_semaphore(%arg18 : memref<!tpu.dma_semaphore, #tpu.memory_space<semaphore_mem>>)
        %dma_start3A_211 = arith.constant 0 : i32
        %dma_start3A_212 = arith.constant 0 : i32
        %dma_start3A_213 = tpu.memref_slice %arg13[%dma_start3A_211, %dma_start3A_212, %add3A_198] : memref<2x8x512xf32, #tpu.memory_space<vmem>> -> memref<2x8x16xf32, #tpu.memory_space<vmem>>
        %dma_start3A_214 = arith.constant 0 : i32
        %dma_start3A_215 = arith.constant 0 : i32
        %dma_start3A_216 = tpu.memref_slice %arg6[%dma_start3A_214, %dma_start3A_215, %multiple_of3A_196] : memref<2x8x1000000xf32, #tpu.memory_space<hbm>> -> memref<2x8x16xf32, #tpu.memory_space<hbm>>
        %dma_start3A_217 = arith.constant 0 : i32
        %dma_start3A_218 = arith.constant 0 : i32
        %dma_start3A_219 = tpu.memref_slice %arg13[%dma_start3A_217, %dma_start3A_218, %add3A_198] : memref<2x8x512xf32, #tpu.memory_space<vmem>> -> memref<2x8x16xf32, #tpu.memory_space<vmem>>
        %dma_start3A_220 = arith.constant 0 : i32
        %dma_start3A_221 = arith.constant 0 : i32
        %dma_start3A_222 = tpu.memref_slice %arg6[%dma_start3A_220, %dma_start3A_221, %multiple_of3A_196] : memref<2x8x1000000xf32, #tpu.memory_space<hbm>> -> memref<2x8x16xf32, #tpu.memory_space<hbm>>
        tpu.enqueue_dma source(%dma_start3A_222 : memref<2x8x16xf32, #tpu.memory_space<hbm>>) target(%dma_start3A_219 : memref<2x8x16xf32, #tpu.memory_space<vmem>>) target_semaphore(%arg18 : memref<!tpu.dma_semaphore, #tpu.memory_space<semaphore_mem>>)
        %slice3A_223 = vector.extract_strided_slice %and3A_28 {offsets = [6], sizes = [1], strides = [1]} : vector<16xi32> to vector<1xi32>
        %squeeze3A_224 = vector.extract %slice3A_223[0] : i32 from vector<1xi32>
        %multiple_of3A_225 = tpu.assume_multiple %squeeze3A_224, 16 : i32
        %slice3A_226 = vector.extract_strided_slice %and3A_33 {offsets = [6], sizes = [1], strides = [1]} : vector<16xi32> to vector<1xi32>
        %squeeze3A_227 = vector.extract %slice3A_226[0] : i32 from vector<1xi32>
        %multiple_of3A_228 = tpu.assume_multiple %squeeze3A_227, 16 : i32
        %add3A_229 = arith.constant 96 : i32
        %add3A_230 = arith.addi %mul3A_25, %add3A_229 : i32
        %dma_start3A_231 = arith.constant 0 : i32
        %dma_start3A_232 = arith.constant 0 : i32
        %dma_start3A_233 = tpu.memref_slice %arg12[%dma_start3A_231, %dma_start3A_232, %add3A_230] : memref<2x8x512xf32, #tpu.memory_space<vmem>> -> memref<2x8x16xf32, #tpu.memory_space<vmem>>
        %dma_start3A_234 = arith.constant 0 : i32
        %dma_start3A_235 = arith.constant 0 : i32
        %dma_start3A_236 = tpu.memref_slice %arg5[%dma_start3A_234, %dma_start3A_235, %multiple_of3A_225] : memref<2x8x1000000xf32, #tpu.memory_space<hbm>> -> memref<2x8x16xf32, #tpu.memory_space<hbm>>
        %dma_start3A_237 = arith.constant 0 : i32
        %dma_start3A_238 = arith.constant 0 : i32
        %dma_start3A_239 = tpu.memref_slice %arg12[%dma_start3A_237, %dma_start3A_238, %add3A_230] : memref<2x8x512xf32, #tpu.memory_space<vmem>> -> memref<2x8x16xf32, #tpu.memory_space<vmem>>
        %dma_start3A_240 = arith.constant 0 : i32
        %dma_start3A_241 = arith.constant 0 : i32
        %dma_start3A_242 = tpu.memref_slice %arg5[%dma_start3A_240, %dma_start3A_241, %multiple_of3A_225] : memref<2x8x1000000xf32, #tpu.memory_space<hbm>> -> memref<2x8x16xf32, #tpu.memory_space<hbm>>
        tpu.enqueue_dma source(%dma_start3A_242 : memref<2x8x16xf32, #tpu.memory_space<hbm>>) target(%dma_start3A_239 : memref<2x8x16xf32, #tpu.memory_space<vmem>>) target_semaphore(%arg18 : memref<!tpu.dma_semaphore, #tpu.memory_space<semaphore_mem>>)
        %dma_start3A_243 = arith.constant 0 : i32
        %dma_start3A_244 = arith.constant 0 : i32
        %dma_start3A_245 = tpu.memref_slice %arg13[%dma_start3A_243, %dma_start3A_244, %add3A_230] : memref<2x8x512xf32, #tpu.memory_space<vmem>> -> memref<2x8x16xf32, #tpu.memory_space<vmem>>
        %dma_start3A_246 = arith.constant 0 : i32
        %dma_start3A_247 = arith.constant 0 : i32
        %dma_start3A_248 = tpu.memref_slice %arg6[%dma_start3A_246, %dma_start3A_247, %multiple_of3A_228] : memref<2x8x1000000xf32, #tpu.memory_space<hbm>> -> memref<2x8x16xf32, #tpu.memory_space<hbm>>
        %dma_start3A_249 = arith.constant 0 : i32
        %dma_start3A_250 = arith.constant 0 : i32
        %dma_start3A_251 = tpu.memref_slice %arg13[%dma_start3A_249, %dma_start3A_250, %add3A_230] : memref<2x8x512xf32, #tpu.memory_space<vmem>> -> memref<2x8x16xf32, #tpu.memory_space<vmem>>
        %dma_start3A_252 = arith.constant 0 : i32
        %dma_start3A_253 = arith.constant 0 : i32
        %dma_start3A_254 = tpu.memref_slice %arg6[%dma_start3A_252, %dma_start3A_253, %multiple_of3A_228] : memref<2x8x1000000xf32, #tpu.memory_space<hbm>> -> memref<2x8x16xf32, #tpu.memory_space<hbm>>
        tpu.enqueue_dma source(%dma_start3A_254 : memref<2x8x16xf32, #tpu.memory_space<hbm>>) target(%dma_start3A_251 : memref<2x8x16xf32, #tpu.memory_space<vmem>>) target_semaphore(%arg18 : memref<!tpu.dma_semaphore, #tpu.memory_space<semaphore_mem>>)
        %slice3A_255 = vector.extract_strided_slice %and3A_28 {offsets = [7], sizes = [1], strides = [1]} : vector<16xi32> to vector<1xi32>
        %squeeze3A_256 = vector.extract %slice3A_255[0] : i32 from vector<1xi32>
        %multiple_of3A_257 = tpu.assume_multiple %squeeze3A_256, 16 : i32
        %slice3A_258 = vector.extract_strided_slice %and3A_33 {offsets = [7], sizes = [1], strides = [1]} : vector<16xi32> to vector<1xi32>
        %squeeze3A_259 = vector.extract %slice3A_258[0] : i32 from vector<1xi32>
        %multiple_of3A_260 = tpu.assume_multiple %squeeze3A_259, 16 : i32
        %add3A_261 = arith.constant 112 : i32
        %add3A_262 = arith.addi %mul3A_25, %add3A_261 : i32
        %dma_start3A_263 = arith.constant 0 : i32
        %dma_start3A_264 = arith.constant 0 : i32
        %dma_start3A_265 = tpu.memref_slice %arg12[%dma_start3A_263, %dma_start3A_264, %add3A_262] : memref<2x8x512xf32, #tpu.memory_space<vmem>> -> memref<2x8x16xf32, #tpu.memory_space<vmem>>
        %dma_start3A_266 = arith.constant 0 : i32
        %dma_start3A_267 = arith.constant 0 : i32
        %dma_start3A_268 = tpu.memref_slice %arg5[%dma_start3A_266, %dma_start3A_267, %multiple_of3A_257] : memref<2x8x1000000xf32, #tpu.memory_space<hbm>> -> memref<2x8x16xf32, #tpu.memory_space<hbm>>
        %dma_start3A_269 = arith.constant 0 : i32
        %dma_start3A_270 = arith.constant 0 : i32
        %dma_start3A_271 = tpu.memref_slice %arg12[%dma_start3A_269, %dma_start3A_270, %add3A_262] : memref<2x8x512xf32, #tpu.memory_space<vmem>> -> memref<2x8x16xf32, #tpu.memory_space<vmem>>
        %dma_start3A_272 = arith.constant 0 : i32
        %dma_start3A_273 = arith.constant 0 : i32
        %dma_start3A_274 = tpu.memref_slice %arg5[%dma_start3A_272, %dma_start3A_273, %multiple_of3A_257] : memref<2x8x1000000xf32, #tpu.memory_space<hbm>> -> memref<2x8x16xf32, #tpu.memory_space<hbm>>
        tpu.enqueue_dma source(%dma_start3A_274 : memref<2x8x16xf32, #tpu.memory_space<hbm>>) target(%dma_start3A_271 : memref<2x8x16xf32, #tpu.memory_space<vmem>>) target_semaphore(%arg18 : memref<!tpu.dma_semaphore, #tpu.memory_space<semaphore_mem>>)
        %dma_start3A_275 = arith.constant 0 : i32
        %dma_start3A_276 = arith.constant 0 : i32
        %dma_start3A_277 = tpu.memref_slice %arg13[%dma_start3A_275, %dma_start3A_276, %add3A_262] : memref<2x8x512xf32, #tpu.memory_space<vmem>> -> memref<2x8x16xf32, #tpu.memory_space<vmem>>
        %dma_start3A_278 = arith.constant 0 : i32
        %dma_start3A_279 = arith.constant 0 : i32
        %dma_start3A_280 = tpu.memref_slice %arg6[%dma_start3A_278, %dma_start3A_279, %multiple_of3A_260] : memref<2x8x1000000xf32, #tpu.memory_space<hbm>> -> memref<2x8x16xf32, #tpu.memory_space<hbm>>
        %dma_start3A_281 = arith.constant 0 : i32
        %dma_start3A_282 = arith.constant 0 : i32
        %dma_start3A_283 = tpu.memref_slice %arg13[%dma_start3A_281, %dma_start3A_282, %add3A_262] : memref<2x8x512xf32, #tpu.memory_space<vmem>> -> memref<2x8x16xf32, #tpu.memory_space<vmem>>
        %dma_start3A_284 = arith.constant 0 : i32
        %dma_start3A_285 = arith.constant 0 : i32
        %dma_start3A_286 = tpu.memref_slice %arg6[%dma_start3A_284, %dma_start3A_285, %multiple_of3A_260] : memref<2x8x1000000xf32, #tpu.memory_space<hbm>> -> memref<2x8x16xf32, #tpu.memory_space<hbm>>
        tpu.enqueue_dma source(%dma_start3A_286 : memref<2x8x16xf32, #tpu.memory_space<hbm>>) target(%dma_start3A_283 : memref<2x8x16xf32, #tpu.memory_space<vmem>>) target_semaphore(%arg18 : memref<!tpu.dma_semaphore, #tpu.memory_space<semaphore_mem>>)
        %slice3A_287 = vector.extract_strided_slice %and3A_28 {offsets = [8], sizes = [1], strides = [1]} : vector<16xi32> to vector<1xi32>
        %squeeze3A_288 = vector.extract %slice3A_287[0] : i32 from vector<1xi32>
        %multiple_of3A_289 = tpu.assume_multiple %squeeze3A_288, 16 : i32
        %slice3A_290 = vector.extract_strided_slice %and3A_33 {offsets = [8], sizes = [1], strides = [1]} : vector<16xi32> to vector<1xi32>
        %squeeze3A_291 = vector.extract %slice3A_290[0] : i32 from vector<1xi32>
        %multiple_of3A_292 = tpu.assume_multiple %squeeze3A_291, 16 : i32
        %add3A_293 = arith.constant 128 : i32
        %add3A_294 = arith.addi %mul3A_25, %add3A_293 : i32
        %dma_start3A_295 = arith.constant 0 : i32
        %dma_start3A_296 = arith.constant 0 : i32
        %dma_start3A_297 = tpu.memref_slice %arg12[%dma_start3A_295, %dma_start3A_296, %add3A_294] : memref<2x8x512xf32, #tpu.memory_space<vmem>> -> memref<2x8x16xf32, #tpu.memory_space<vmem>>
        %dma_start3A_298 = arith.constant 0 : i32
        %dma_start3A_299 = arith.constant 0 : i32
        %dma_start3A_300 = tpu.memref_slice %arg5[%dma_start3A_298, %dma_start3A_299, %multiple_of3A_289] : memref<2x8x1000000xf32, #tpu.memory_space<hbm>> -> memref<2x8x16xf32, #tpu.memory_space<hbm>>
        %dma_start3A_301 = arith.constant 0 : i32
        %dma_start3A_302 = arith.constant 0 : i32
        %dma_start3A_303 = tpu.memref_slice %arg12[%dma_start3A_301, %dma_start3A_302, %add3A_294] : memref<2x8x512xf32, #tpu.memory_space<vmem>> -> memref<2x8x16xf32, #tpu.memory_space<vmem>>
        %dma_start3A_304 = arith.constant 0 : i32
        %dma_start3A_305 = arith.constant 0 : i32
        %dma_start3A_306 = tpu.memref_slice %arg5[%dma_start3A_304, %dma_start3A_305, %multiple_of3A_289] : memref<2x8x1000000xf32, #tpu.memory_space<hbm>> -> memref<2x8x16xf32, #tpu.memory_space<hbm>>
        tpu.enqueue_dma source(%dma_start3A_306 : memref<2x8x16xf32, #tpu.memory_space<hbm>>) target(%dma_start3A_303 : memref<2x8x16xf32, #tpu.memory_space<vmem>>) target_semaphore(%arg18 : memref<!tpu.dma_semaphore, #tpu.memory_space<semaphore_mem>>)
        %dma_start3A_307 = arith.constant 0 : i32
        %dma_start3A_308 = arith.constant 0 : i32
        %dma_start3A_309 = tpu.memref_slice %arg13[%dma_start3A_307, %dma_start3A_308, %add3A_294] : memref<2x8x512xf32, #tpu.memory_space<vmem>> -> memref<2x8x16xf32, #tpu.memory_space<vmem>>
        %dma_start3A_310 = arith.constant 0 : i32
        %dma_start3A_311 = arith.constant 0 : i32
        %dma_start3A_312 = tpu.memref_slice %arg6[%dma_start3A_310, %dma_start3A_311, %multiple_of3A_292] : memref<2x8x1000000xf32, #tpu.memory_space<hbm>> -> memref<2x8x16xf32, #tpu.memory_space<hbm>>
        %dma_start3A_313 = arith.constant 0 : i32
        %dma_start3A_314 = arith.constant 0 : i32
        %dma_start3A_315 = tpu.memref_slice %arg13[%dma_start3A_313, %dma_start3A_314, %add3A_294] : memref<2x8x512xf32, #tpu.memory_space<vmem>> -> memref<2x8x16xf32, #tpu.memory_space<vmem>>
        %dma_start3A_316 = arith.constant 0 : i32
        %dma_start3A_317 = arith.constant 0 : i32
        %dma_start3A_318 = tpu.memref_slice %arg6[%dma_start3A_316, %dma_start3A_317, %multiple_of3A_292] : memref<2x8x1000000xf32, #tpu.memory_space<hbm>> -> memref<2x8x16xf32, #tpu.memory_space<hbm>>
        tpu.enqueue_dma source(%dma_start3A_318 : memref<2x8x16xf32, #tpu.memory_space<hbm>>) target(%dma_start3A_315 : memref<2x8x16xf32, #tpu.memory_space<vmem>>) target_semaphore(%arg18 : memref<!tpu.dma_semaphore, #tpu.memory_space<semaphore_mem>>)
        %slice3A_319 = vector.extract_strided_slice %and3A_28 {offsets = [9], sizes = [1], strides = [1]} : vector<16xi32> to vector<1xi32>
        %squeeze3A_320 = vector.extract %slice3A_319[0] : i32 from vector<1xi32>
        %multiple_of3A_321 = tpu.assume_multiple %squeeze3A_320, 16 : i32
        %slice3A_322 = vector.extract_strided_slice %and3A_33 {offsets = [9], sizes = [1], strides = [1]} : vector<16xi32> to vector<1xi32>
        %squeeze3A_323 = vector.extract %slice3A_322[0] : i32 from vector<1xi32>
        %multiple_of3A_324 = tpu.assume_multiple %squeeze3A_323, 16 : i32
        %add3A_325 = arith.constant 144 : i32
        %add3A_326 = arith.addi %mul3A_25, %add3A_325 : i32
        %dma_start3A_327 = arith.constant 0 : i32
        %dma_start3A_328 = arith.constant 0 : i32
        %dma_start3A_329 = tpu.memref_slice %arg12[%dma_start3A_327, %dma_start3A_328, %add3A_326] : memref<2x8x512xf32, #tpu.memory_space<vmem>> -> memref<2x8x16xf32, #tpu.memory_space<vmem>>
        %dma_start3A_330 = arith.constant 0 : i32
        %dma_start3A_331 = arith.constant 0 : i32
        %dma_start3A_332 = tpu.memref_slice %arg5[%dma_start3A_330, %dma_start3A_331, %multiple_of3A_321] : memref<2x8x1000000xf32, #tpu.memory_space<hbm>> -> memref<2x8x16xf32, #tpu.memory_space<hbm>>
        %dma_start3A_333 = arith.constant 0 : i32
        %dma_start3A_334 = arith.constant 0 : i32
        %dma_start3A_335 = tpu.memref_slice %arg12[%dma_start3A_333, %dma_start3A_334, %add3A_326] : memref<2x8x512xf32, #tpu.memory_space<vmem>> -> memref<2x8x16xf32, #tpu.memory_space<vmem>>
        %dma_start3A_336 = arith.constant 0 : i32
        %dma_start3A_337 = arith.constant 0 : i32
        %dma_start3A_338 = tpu.memref_slice %arg5[%dma_start3A_336, %dma_start3A_337, %multiple_of3A_321] : memref<2x8x1000000xf32, #tpu.memory_space<hbm>> -> memref<2x8x16xf32, #tpu.memory_space<hbm>>
        tpu.enqueue_dma source(%dma_start3A_338 : memref<2x8x16xf32, #tpu.memory_space<hbm>>) target(%dma_start3A_335 : memref<2x8x16xf32, #tpu.memory_space<vmem>>) target_semaphore(%arg18 : memref<!tpu.dma_semaphore, #tpu.memory_space<semaphore_mem>>)
        %dma_start3A_339 = arith.constant 0 : i32
        %dma_start3A_340 = arith.constant 0 : i32
        %dma_start3A_341 = tpu.memref_slice %arg13[%dma_start3A_339, %dma_start3A_340, %add3A_326] : memref<2x8x512xf32, #tpu.memory_space<vmem>> -> memref<2x8x16xf32, #tpu.memory_space<vmem>>
        %dma_start3A_342 = arith.constant 0 : i32
        %dma_start3A_343 = arith.constant 0 : i32
        %dma_start3A_344 = tpu.memref_slice %arg6[%dma_start3A_342, %dma_start3A_343, %multiple_of3A_324] : memref<2x8x1000000xf32, #tpu.memory_space<hbm>> -> memref<2x8x16xf32, #tpu.memory_space<hbm>>
        %dma_start3A_345 = arith.constant 0 : i32
        %dma_start3A_346 = arith.constant 0 : i32
        %dma_start3A_347 = tpu.memref_slice %arg13[%dma_start3A_345, %dma_start3A_346, %add3A_326] : memref<2x8x512xf32, #tpu.memory_space<vmem>> -> memref<2x8x16xf32, #tpu.memory_space<vmem>>
        %dma_start3A_348 = arith.constant 0 : i32
        %dma_start3A_349 = arith.constant 0 : i32
        %dma_start3A_350 = tpu.memref_slice %arg6[%dma_start3A_348, %dma_start3A_349, %multiple_of3A_324] : memref<2x8x1000000xf32, #tpu.memory_space<hbm>> -> memref<2x8x16xf32, #tpu.memory_space<hbm>>
        tpu.enqueue_dma source(%dma_start3A_350 : memref<2x8x16xf32, #tpu.memory_space<hbm>>) target(%dma_start3A_347 : memref<2x8x16xf32, #tpu.memory_space<vmem>>) target_semaphore(%arg18 : memref<!tpu.dma_semaphore, #tpu.memory_space<semaphore_mem>>)
        %slice3A_351 = vector.extract_strided_slice %and3A_28 {offsets = [10], sizes = [1], strides = [1]} : vector<16xi32> to vector<1xi32>
        %squeeze3A_352 = vector.extract %slice3A_351[0] : i32 from vector<1xi32>
        %multiple_of3A_353 = tpu.assume_multiple %squeeze3A_352, 16 : i32
        %slice3A_354 = vector.extract_strided_slice %and3A_33 {offsets = [10], sizes = [1], strides = [1]} : vector<16xi32> to vector<1xi32>
        %squeeze3A_355 = vector.extract %slice3A_354[0] : i32 from vector<1xi32>
        %multiple_of3A_356 = tpu.assume_multiple %squeeze3A_355, 16 : i32
        %add3A_357 = arith.constant 160 : i32
        %add3A_358 = arith.addi %mul3A_25, %add3A_357 : i32
        %dma_start3A_359 = arith.constant 0 : i32
        %dma_start3A_360 = arith.constant 0 : i32
        %dma_start3A_361 = tpu.memref_slice %arg12[%dma_start3A_359, %dma_start3A_360, %add3A_358] : memref<2x8x512xf32, #tpu.memory_space<vmem>> -> memref<2x8x16xf32, #tpu.memory_space<vmem>>
        %dma_start3A_362 = arith.constant 0 : i32
        %dma_start3A_363 = arith.constant 0 : i32
        %dma_start3A_364 = tpu.memref_slice %arg5[%dma_start3A_362, %dma_start3A_363, %multiple_of3A_353] : memref<2x8x1000000xf32, #tpu.memory_space<hbm>> -> memref<2x8x16xf32, #tpu.memory_space<hbm>>
        %dma_start3A_365 = arith.constant 0 : i32
        %dma_start3A_366 = arith.constant 0 : i32
        %dma_start3A_367 = tpu.memref_slice %arg12[%dma_start3A_365, %dma_start3A_366, %add3A_358] : memref<2x8x512xf32, #tpu.memory_space<vmem>> -> memref<2x8x16xf32, #tpu.memory_space<vmem>>
        %dma_start3A_368 = arith.constant 0 : i32
        %dma_start3A_369 = arith.constant 0 : i32
        %dma_start3A_370 = tpu.memref_slice %arg5[%dma_start3A_368, %dma_start3A_369, %multiple_of3A_353] : memref<2x8x1000000xf32, #tpu.memory_space<hbm>> -> memref<2x8x16xf32, #tpu.memory_space<hbm>>
        tpu.enqueue_dma source(%dma_start3A_370 : memref<2x8x16xf32, #tpu.memory_space<hbm>>) target(%dma_start3A_367 : memref<2x8x16xf32, #tpu.memory_space<vmem>>) target_semaphore(%arg18 : memref<!tpu.dma_semaphore, #tpu.memory_space<semaphore_mem>>)
        %dma_start3A_371 = arith.constant 0 : i32
        %dma_start3A_372 = arith.constant 0 : i32
        %dma_start3A_373 = tpu.memref_slice %arg13[%dma_start3A_371, %dma_start3A_372, %add3A_358] : memref<2x8x512xf32, #tpu.memory_space<vmem>> -> memref<2x8x16xf32, #tpu.memory_space<vmem>>
        %dma_start3A_374 = arith.constant 0 : i32
        %dma_start3A_375 = arith.constant 0 : i32
        %dma_start3A_376 = tpu.memref_slice %arg6[%dma_start3A_374, %dma_start3A_375, %multiple_of3A_356] : memref<2x8x1000000xf32, #tpu.memory_space<hbm>> -> memref<2x8x16xf32, #tpu.memory_space<hbm>>
        %dma_start3A_377 = arith.constant 0 : i32
        %dma_start3A_378 = arith.constant 0 : i32
        %dma_start3A_379 = tpu.memref_slice %arg13[%dma_start3A_377, %dma_start3A_378, %add3A_358] : memref<2x8x512xf32, #tpu.memory_space<vmem>> -> memref<2x8x16xf32, #tpu.memory_space<vmem>>
        %dma_start3A_380 = arith.constant 0 : i32
        %dma_start3A_381 = arith.constant 0 : i32
        %dma_start3A_382 = tpu.memref_slice %arg6[%dma_start3A_380, %dma_start3A_381, %multiple_of3A_356] : memref<2x8x1000000xf32, #tpu.memory_space<hbm>> -> memref<2x8x16xf32, #tpu.memory_space<hbm>>
        tpu.enqueue_dma source(%dma_start3A_382 : memref<2x8x16xf32, #tpu.memory_space<hbm>>) target(%dma_start3A_379 : memref<2x8x16xf32, #tpu.memory_space<vmem>>) target_semaphore(%arg18 : memref<!tpu.dma_semaphore, #tpu.memory_space<semaphore_mem>>)
        %slice3A_383 = vector.extract_strided_slice %and3A_28 {offsets = [11], sizes = [1], strides = [1]} : vector<16xi32> to vector<1xi32>
        %squeeze3A_384 = vector.extract %slice3A_383[0] : i32 from vector<1xi32>
        %multiple_of3A_385 = tpu.assume_multiple %squeeze3A_384, 16 : i32
        %slice3A_386 = vector.extract_strided_slice %and3A_33 {offsets = [11], sizes = [1], strides = [1]} : vector<16xi32> to vector<1xi32>
        %squeeze3A_387 = vector.extract %slice3A_386[0] : i32 from vector<1xi32>
        %multiple_of3A_388 = tpu.assume_multiple %squeeze3A_387, 16 : i32
        %add3A_389 = arith.constant 176 : i32
        %add3A_390 = arith.addi %mul3A_25, %add3A_389 : i32
        %dma_start3A_391 = arith.constant 0 : i32
        %dma_start3A_392 = arith.constant 0 : i32
        %dma_start3A_393 = tpu.memref_slice %arg12[%dma_start3A_391, %dma_start3A_392, %add3A_390] : memref<2x8x512xf32, #tpu.memory_space<vmem>> -> memref<2x8x16xf32, #tpu.memory_space<vmem>>
        %dma_start3A_394 = arith.constant 0 : i32
        %dma_start3A_395 = arith.constant 0 : i32
        %dma_start3A_396 = tpu.memref_slice %arg5[%dma_start3A_394, %dma_start3A_395, %multiple_of3A_385] : memref<2x8x1000000xf32, #tpu.memory_space<hbm>> -> memref<2x8x16xf32, #tpu.memory_space<hbm>>
        %dma_start3A_397 = arith.constant 0 : i32
        %dma_start3A_398 = arith.constant 0 : i32
        %dma_start3A_399 = tpu.memref_slice %arg12[%dma_start3A_397, %dma_start3A_398, %add3A_390] : memref<2x8x512xf32, #tpu.memory_space<vmem>> -> memref<2x8x16xf32, #tpu.memory_space<vmem>>
        %dma_start3A_400 = arith.constant 0 : i32
        %dma_start3A_401 = arith.constant 0 : i32
        %dma_start3A_402 = tpu.memref_slice %arg5[%dma_start3A_400, %dma_start3A_401, %multiple_of3A_385] : memref<2x8x1000000xf32, #tpu.memory_space<hbm>> -> memref<2x8x16xf32, #tpu.memory_space<hbm>>
        tpu.enqueue_dma source(%dma_start3A_402 : memref<2x8x16xf32, #tpu.memory_space<hbm>>) target(%dma_start3A_399 : memref<2x8x16xf32, #tpu.memory_space<vmem>>) target_semaphore(%arg18 : memref<!tpu.dma_semaphore, #tpu.memory_space<semaphore_mem>>)
        %dma_start3A_403 = arith.constant 0 : i32
        %dma_start3A_404 = arith.constant 0 : i32
        %dma_start3A_405 = tpu.memref_slice %arg13[%dma_start3A_403, %dma_start3A_404, %add3A_390] : memref<2x8x512xf32, #tpu.memory_space<vmem>> -> memref<2x8x16xf32, #tpu.memory_space<vmem>>
        %dma_start3A_406 = arith.constant 0 : i32
        %dma_start3A_407 = arith.constant 0 : i32
        %dma_start3A_408 = tpu.memref_slice %arg6[%dma_start3A_406, %dma_start3A_407, %multiple_of3A_388] : memref<2x8x1000000xf32, #tpu.memory_space<hbm>> -> memref<2x8x16xf32, #tpu.memory_space<hbm>>
        %dma_start3A_409 = arith.constant 0 : i32
        %dma_start3A_410 = arith.constant 0 : i32
        %dma_start3A_411 = tpu.memref_slice %arg13[%dma_start3A_409, %dma_start3A_410, %add3A_390] : memref<2x8x512xf32, #tpu.memory_space<vmem>> -> memref<2x8x16xf32, #tpu.memory_space<vmem>>
        %dma_start3A_412 = arith.constant 0 : i32
        %dma_start3A_413 = arith.constant 0 : i32
        %dma_start3A_414 = tpu.memref_slice %arg6[%dma_start3A_412, %dma_start3A_413, %multiple_of3A_388] : memref<2x8x1000000xf32, #tpu.memory_space<hbm>> -> memref<2x8x16xf32, #tpu.memory_space<hbm>>
        tpu.enqueue_dma source(%dma_start3A_414 : memref<2x8x16xf32, #tpu.memory_space<hbm>>) target(%dma_start3A_411 : memref<2x8x16xf32, #tpu.memory_space<vmem>>) target_semaphore(%arg18 : memref<!tpu.dma_semaphore, #tpu.memory_space<semaphore_mem>>)
        %slice3A_415 = vector.extract_strided_slice %and3A_28 {offsets = [12], sizes = [1], strides = [1]} : vector<16xi32> to vector<1xi32>
        %squeeze3A_416 = vector.extract %slice3A_415[0] : i32 from vector<1xi32>
        %multiple_of3A_417 = tpu.assume_multiple %squeeze3A_416, 16 : i32
        %slice3A_418 = vector.extract_strided_slice %and3A_33 {offsets = [12], sizes = [1], strides = [1]} : vector<16xi32> to vector<1xi32>
        %squeeze3A_419 = vector.extract %slice3A_418[0] : i32 from vector<1xi32>
        %multiple_of3A_420 = tpu.assume_multiple %squeeze3A_419, 16 : i32
        %add3A_421 = arith.constant 192 : i32
        %add3A_422 = arith.addi %mul3A_25, %add3A_421 : i32
        %dma_start3A_423 = arith.constant 0 : i32
        %dma_start3A_424 = arith.constant 0 : i32
        %dma_start3A_425 = tpu.memref_slice %arg12[%dma_start3A_423, %dma_start3A_424, %add3A_422] : memref<2x8x512xf32, #tpu.memory_space<vmem>> -> memref<2x8x16xf32, #tpu.memory_space<vmem>>
        %dma_start3A_426 = arith.constant 0 : i32
        %dma_start3A_427 = arith.constant 0 : i32
        %dma_start3A_428 = tpu.memref_slice %arg5[%dma_start3A_426, %dma_start3A_427, %multiple_of3A_417] : memref<2x8x1000000xf32, #tpu.memory_space<hbm>> -> memref<2x8x16xf32, #tpu.memory_space<hbm>>
        %dma_start3A_429 = arith.constant 0 : i32
        %dma_start3A_430 = arith.constant 0 : i32
        %dma_start3A_431 = tpu.memref_slice %arg12[%dma_start3A_429, %dma_start3A_430, %add3A_422] : memref<2x8x512xf32, #tpu.memory_space<vmem>> -> memref<2x8x16xf32, #tpu.memory_space<vmem>>
        %dma_start3A_432 = arith.constant 0 : i32
        %dma_start3A_433 = arith.constant 0 : i32
        %dma_start3A_434 = tpu.memref_slice %arg5[%dma_start3A_432, %dma_start3A_433, %multiple_of3A_417] : memref<2x8x1000000xf32, #tpu.memory_space<hbm>> -> memref<2x8x16xf32, #tpu.memory_space<hbm>>
        tpu.enqueue_dma source(%dma_start3A_434 : memref<2x8x16xf32, #tpu.memory_space<hbm>>) target(%dma_start3A_431 : memref<2x8x16xf32, #tpu.memory_space<vmem>>) target_semaphore(%arg18 : memref<!tpu.dma_semaphore, #tpu.memory_space<semaphore_mem>>)
        %dma_start3A_435 = arith.constant 0 : i32
        %dma_start3A_436 = arith.constant 0 : i32
        %dma_start3A_437 = tpu.memref_slice %arg13[%dma_start3A_435, %dma_start3A_436, %add3A_422] : memref<2x8x512xf32, #tpu.memory_space<vmem>> -> memref<2x8x16xf32, #tpu.memory_space<vmem>>
        %dma_start3A_438 = arith.constant 0 : i32
        %dma_start3A_439 = arith.constant 0 : i32
        %dma_start3A_440 = tpu.memref_slice %arg6[%dma_start3A_438, %dma_start3A_439, %multiple_of3A_420] : memref<2x8x1000000xf32, #tpu.memory_space<hbm>> -> memref<2x8x16xf32, #tpu.memory_space<hbm>>
        %dma_start3A_441 = arith.constant 0 : i32
        %dma_start3A_442 = arith.constant 0 : i32
        %dma_start3A_443 = tpu.memref_slice %arg13[%dma_start3A_441, %dma_start3A_442, %add3A_422] : memref<2x8x512xf32, #tpu.memory_space<vmem>> -> memref<2x8x16xf32, #tpu.memory_space<vmem>>
        %dma_start3A_444 = arith.constant 0 : i32
        %dma_start3A_445 = arith.constant 0 : i32
        %dma_start3A_446 = tpu.memref_slice %arg6[%dma_start3A_444, %dma_start3A_445, %multiple_of3A_420] : memref<2x8x1000000xf32, #tpu.memory_space<hbm>> -> memref<2x8x16xf32, #tpu.memory_space<hbm>>
        tpu.enqueue_dma source(%dma_start3A_446 : memref<2x8x16xf32, #tpu.memory_space<hbm>>) target(%dma_start3A_443 : memref<2x8x16xf32, #tpu.memory_space<vmem>>) target_semaphore(%arg18 : memref<!tpu.dma_semaphore, #tpu.memory_space<semaphore_mem>>)
        %slice3A_447 = vector.extract_strided_slice %and3A_28 {offsets = [13], sizes = [1], strides = [1]} : vector<16xi32> to vector<1xi32>
        %squeeze3A_448 = vector.extract %slice3A_447[0] : i32 from vector<1xi32>
        %multiple_of3A_449 = tpu.assume_multiple %squeeze3A_448, 16 : i32
        %slice3A_450 = vector.extract_strided_slice %and3A_33 {offsets = [13], sizes = [1], strides = [1]} : vector<16xi32> to vector<1xi32>
        %squeeze3A_451 = vector.extract %slice3A_450[0] : i32 from vector<1xi32>
        %multiple_of3A_452 = tpu.assume_multiple %squeeze3A_451, 16 : i32
        %add3A_453 = arith.constant 208 : i32
        %add3A_454 = arith.addi %mul3A_25, %add3A_453 : i32
        %dma_start3A_455 = arith.constant 0 : i32
        %dma_start3A_456 = arith.constant 0 : i32
        %dma_start3A_457 = tpu.memref_slice %arg12[%dma_start3A_455, %dma_start3A_456, %add3A_454] : memref<2x8x512xf32, #tpu.memory_space<vmem>> -> memref<2x8x16xf32, #tpu.memory_space<vmem>>
        %dma_start3A_458 = arith.constant 0 : i32
        %dma_start3A_459 = arith.constant 0 : i32
        %dma_start3A_460 = tpu.memref_slice %arg5[%dma_start3A_458, %dma_start3A_459, %multiple_of3A_449] : memref<2x8x1000000xf32, #tpu.memory_space<hbm>> -> memref<2x8x16xf32, #tpu.memory_space<hbm>>
        %dma_start3A_461 = arith.constant 0 : i32
        %dma_start3A_462 = arith.constant 0 : i32
        %dma_start3A_463 = tpu.memref_slice %arg12[%dma_start3A_461, %dma_start3A_462, %add3A_454] : memref<2x8x512xf32, #tpu.memory_space<vmem>> -> memref<2x8x16xf32, #tpu.memory_space<vmem>>
        %dma_start3A_464 = arith.constant 0 : i32
        %dma_start3A_465 = arith.constant 0 : i32
        %dma_start3A_466 = tpu.memref_slice %arg5[%dma_start3A_464, %dma_start3A_465, %multiple_of3A_449] : memref<2x8x1000000xf32, #tpu.memory_space<hbm>> -> memref<2x8x16xf32, #tpu.memory_space<hbm>>
        tpu.enqueue_dma source(%dma_start3A_466 : memref<2x8x16xf32, #tpu.memory_space<hbm>>) target(%dma_start3A_463 : memref<2x8x16xf32, #tpu.memory_space<vmem>>) target_semaphore(%arg18 : memref<!tpu.dma_semaphore, #tpu.memory_space<semaphore_mem>>)
        %dma_start3A_467 = arith.constant 0 : i32
        %dma_start3A_468 = arith.constant 0 : i32
        %dma_start3A_469 = tpu.memref_slice %arg13[%dma_start3A_467, %dma_start3A_468, %add3A_454] : memref<2x8x512xf32, #tpu.memory_space<vmem>> -> memref<2x8x16xf32, #tpu.memory_space<vmem>>
        %dma_start3A_470 = arith.constant 0 : i32
        %dma_start3A_471 = arith.constant 0 : i32
        %dma_start3A_472 = tpu.memref_slice %arg6[%dma_start3A_470, %dma_start3A_471, %multiple_of3A_452] : memref<2x8x1000000xf32, #tpu.memory_space<hbm>> -> memref<2x8x16xf32, #tpu.memory_space<hbm>>
        %dma_start3A_473 = arith.constant 0 : i32
        %dma_start3A_474 = arith.constant 0 : i32
        %dma_start3A_475 = tpu.memref_slice %arg13[%dma_start3A_473, %dma_start3A_474, %add3A_454] : memref<2x8x512xf32, #tpu.memory_space<vmem>> -> memref<2x8x16xf32, #tpu.memory_space<vmem>>
        %dma_start3A_476 = arith.constant 0 : i32
        %dma_start3A_477 = arith.constant 0 : i32
        %dma_start3A_478 = tpu.memref_slice %arg6[%dma_start3A_476, %dma_start3A_477, %multiple_of3A_452] : memref<2x8x1000000xf32, #tpu.memory_space<hbm>> -> memref<2x8x16xf32, #tpu.memory_space<hbm>>
        tpu.enqueue_dma source(%dma_start3A_478 : memref<2x8x16xf32, #tpu.memory_space<hbm>>) target(%dma_start3A_475 : memref<2x8x16xf32, #tpu.memory_space<vmem>>) target_semaphore(%arg18 : memref<!tpu.dma_semaphore, #tpu.memory_space<semaphore_mem>>)
        %slice3A_479 = vector.extract_strided_slice %and3A_28 {offsets = [14], sizes = [1], strides = [1]} : vector<16xi32> to vector<1xi32>
        %squeeze3A_480 = vector.extract %slice3A_479[0] : i32 from vector<1xi32>
        %multiple_of3A_481 = tpu.assume_multiple %squeeze3A_480, 16 : i32
        %slice3A_482 = vector.extract_strided_slice %and3A_33 {offsets = [14], sizes = [1], strides = [1]} : vector<16xi32> to vector<1xi32>
        %squeeze3A_483 = vector.extract %slice3A_482[0] : i32 from vector<1xi32>
        %multiple_of3A_484 = tpu.assume_multiple %squeeze3A_483, 16 : i32
        %add3A_485 = arith.constant 224 : i32
        %add3A_486 = arith.addi %mul3A_25, %add3A_485 : i32
        %dma_start3A_487 = arith.constant 0 : i32
        %dma_start3A_488 = arith.constant 0 : i32
        %dma_start3A_489 = tpu.memref_slice %arg12[%dma_start3A_487, %dma_start3A_488, %add3A_486] : memref<2x8x512xf32, #tpu.memory_space<vmem>> -> memref<2x8x16xf32, #tpu.memory_space<vmem>>
        %dma_start3A_490 = arith.constant 0 : i32
        %dma_start3A_491 = arith.constant 0 : i32
        %dma_start3A_492 = tpu.memref_slice %arg5[%dma_start3A_490, %dma_start3A_491, %multiple_of3A_481] : memref<2x8x1000000xf32, #tpu.memory_space<hbm>> -> memref<2x8x16xf32, #tpu.memory_space<hbm>>
        %dma_start3A_493 = arith.constant 0 : i32
        %dma_start3A_494 = arith.constant 0 : i32
        %dma_start3A_495 = tpu.memref_slice %arg12[%dma_start3A_493, %dma_start3A_494, %add3A_486] : memref<2x8x512xf32, #tpu.memory_space<vmem>> -> memref<2x8x16xf32, #tpu.memory_space<vmem>>
        %dma_start3A_496 = arith.constant 0 : i32
        %dma_start3A_497 = arith.constant 0 : i32
        %dma_start3A_498 = tpu.memref_slice %arg5[%dma_start3A_496, %dma_start3A_497, %multiple_of3A_481] : memref<2x8x1000000xf32, #tpu.memory_space<hbm>> -> memref<2x8x16xf32, #tpu.memory_space<hbm>>
        tpu.enqueue_dma source(%dma_start3A_498 : memref<2x8x16xf32, #tpu.memory_space<hbm>>) target(%dma_start3A_495 : memref<2x8x16xf32, #tpu.memory_space<vmem>>) target_semaphore(%arg18 : memref<!tpu.dma_semaphore, #tpu.memory_space<semaphore_mem>>)
        %dma_start3A_499 = arith.constant 0 : i32
        %dma_start3A_500 = arith.constant 0 : i32
        %dma_start3A_501 = tpu.memref_slice %arg13[%dma_start3A_499, %dma_start3A_500, %add3A_486] : memref<2x8x512xf32, #tpu.memory_space<vmem>> -> memref<2x8x16xf32, #tpu.memory_space<vmem>>
        %dma_start3A_502 = arith.constant 0 : i32
        %dma_start3A_503 = arith.constant 0 : i32
        %dma_start3A_504 = tpu.memref_slice %arg6[%dma_start3A_502, %dma_start3A_503, %multiple_of3A_484] : memref<2x8x1000000xf32, #tpu.memory_space<hbm>> -> memref<2x8x16xf32, #tpu.memory_space<hbm>>
        %dma_start3A_505 = arith.constant 0 : i32
        %dma_start3A_506 = arith.constant 0 : i32
        %dma_start3A_507 = tpu.memref_slice %arg13[%dma_start3A_505, %dma_start3A_506, %add3A_486] : memref<2x8x512xf32, #tpu.memory_space<vmem>> -> memref<2x8x16xf32, #tpu.memory_space<vmem>>
        %dma_start3A_508 = arith.constant 0 : i32
        %dma_start3A_509 = arith.constant 0 : i32
        %dma_start3A_510 = tpu.memref_slice %arg6[%dma_start3A_508, %dma_start3A_509, %multiple_of3A_484] : memref<2x8x1000000xf32, #tpu.memory_space<hbm>> -> memref<2x8x16xf32, #tpu.memory_space<hbm>>
        tpu.enqueue_dma source(%dma_start3A_510 : memref<2x8x16xf32, #tpu.memory_space<hbm>>) target(%dma_start3A_507 : memref<2x8x16xf32, #tpu.memory_space<vmem>>) target_semaphore(%arg18 : memref<!tpu.dma_semaphore, #tpu.memory_space<semaphore_mem>>)
        %slice3A_511 = vector.extract_strided_slice %and3A_28 {offsets = [15], sizes = [1], strides = [1]} : vector<16xi32> to vector<1xi32>
        %squeeze3A_512 = vector.extract %slice3A_511[0] : i32 from vector<1xi32>
        %multiple_of3A_513 = tpu.assume_multiple %squeeze3A_512, 16 : i32
        %slice3A_514 = vector.extract_strided_slice %and3A_33 {offsets = [15], sizes = [1], strides = [1]} : vector<16xi32> to vector<1xi32>
        %squeeze3A_515 = vector.extract %slice3A_514[0] : i32 from vector<1xi32>
        %multiple_of3A_516 = tpu.assume_multiple %squeeze3A_515, 16 : i32
        %add3A_517 = arith.constant 240 : i32
        %add3A_518 = arith.addi %mul3A_25, %add3A_517 : i32
        %dma_start3A_519 = arith.constant 0 : i32
        %dma_start3A_520 = arith.constant 0 : i32
        %dma_start3A_521 = tpu.memref_slice %arg12[%dma_start3A_519, %dma_start3A_520, %add3A_518] : memref<2x8x512xf32, #tpu.memory_space<vmem>> -> memref<2x8x16xf32, #tpu.memory_space<vmem>>
        %dma_start3A_522 = arith.constant 0 : i32
        %dma_start3A_523 = arith.constant 0 : i32
        %dma_start3A_524 = tpu.memref_slice %arg5[%dma_start3A_522, %dma_start3A_523, %multiple_of3A_513] : memref<2x8x1000000xf32, #tpu.memory_space<hbm>> -> memref<2x8x16xf32, #tpu.memory_space<hbm>>
        %dma_start3A_525 = arith.constant 0 : i32
        %dma_start3A_526 = arith.constant 0 : i32
        %dma_start3A_527 = tpu.memref_slice %arg12[%dma_start3A_525, %dma_start3A_526, %add3A_518] : memref<2x8x512xf32, #tpu.memory_space<vmem>> -> memref<2x8x16xf32, #tpu.memory_space<vmem>>
        %dma_start3A_528 = arith.constant 0 : i32
        %dma_start3A_529 = arith.constant 0 : i32
        %dma_start3A_530 = tpu.memref_slice %arg5[%dma_start3A_528, %dma_start3A_529, %multiple_of3A_513] : memref<2x8x1000000xf32, #tpu.memory_space<hbm>> -> memref<2x8x16xf32, #tpu.memory_space<hbm>>
        tpu.enqueue_dma source(%dma_start3A_530 : memref<2x8x16xf32, #tpu.memory_space<hbm>>) target(%dma_start3A_527 : memref<2x8x16xf32, #tpu.memory_space<vmem>>) target_semaphore(%arg18 : memref<!tpu.dma_semaphore, #tpu.memory_space<semaphore_mem>>)
        %dma_start3A_531 = arith.constant 0 : i32
        %dma_start3A_532 = arith.constant 0 : i32
        %dma_start3A_533 = tpu.memref_slice %arg13[%dma_start3A_531, %dma_start3A_532, %add3A_518] : memref<2x8x512xf32, #tpu.memory_space<vmem>> -> memref<2x8x16xf32, #tpu.memory_space<vmem>>
        %dma_start3A_534 = arith.constant 0 : i32
        %dma_start3A_535 = arith.constant 0 : i32
        %dma_start3A_536 = tpu.memref_slice %arg6[%dma_start3A_534, %dma_start3A_535, %multiple_of3A_516] : memref<2x8x1000000xf32, #tpu.memory_space<hbm>> -> memref<2x8x16xf32, #tpu.memory_space<hbm>>
        %dma_start3A_537 = arith.constant 0 : i32
        %dma_start3A_538 = arith.constant 0 : i32
        %dma_start3A_539 = tpu.memref_slice %arg13[%dma_start3A_537, %dma_start3A_538, %add3A_518] : memref<2x8x512xf32, #tpu.memory_space<vmem>> -> memref<2x8x16xf32, #tpu.memory_space<vmem>>
        %dma_start3A_540 = arith.constant 0 : i32
        %dma_start3A_541 = arith.constant 0 : i32
        %dma_start3A_542 = tpu.memref_slice %arg6[%dma_start3A_540, %dma_start3A_541, %multiple_of3A_516] : memref<2x8x1000000xf32, #tpu.memory_space<hbm>> -> memref<2x8x16xf32, #tpu.memory_space<hbm>>
        tpu.enqueue_dma source(%dma_start3A_542 : memref<2x8x16xf32, #tpu.memory_space<hbm>>) target(%dma_start3A_539 : memref<2x8x16xf32, #tpu.memory_space<vmem>>) target_semaphore(%arg18 : memref<!tpu.dma_semaphore, #tpu.memory_space<semaphore_mem>>)
      } else {
      }
      %gt3A = arith.constant 0 : i32
      %gt3A_17 = arith.cmpi sgt, %scan3A_14, %gt3A : i32
      %convert_element_type3A_18 = arith.extui %gt3A_17 : i1 to i32
      %cond3A_19 = arith.constant 0 : i32
      %cond3A_20 = arith.cmpi ne, %convert_element_type3A_18, %cond3A_19 : i32
      scf.if %cond3A_20 {
        %sub3A = arith.constant 1 : i32
        %sub3A_21 = arith.subi %scan3A_14, %sub3A : i32
        %mul3A_22 = arith.constant 16 : i32
        %mul3A_23 = arith.muli %sub3A_21, %mul3A_22 : i32
        %rem3A = arith.constant 2 : i32
        %rem3A_24 = arith.remsi %sub3A_21, %rem3A : i32
        %mul3A_25 = arith.constant 256 : i32
        %mul3A_26 = arith.muli %rem3A_24, %mul3A_25 : i32
        %dma_wait3A_27 = arith.constant 0 : i32
        %dma_wait3A_28 = arith.constant 0 : i32
        %dma_wait3A_29 = arith.constant 0 : i32
        %dma_wait3A_30 = tpu.memref_slice %arg12[%dma_wait3A_27, %dma_wait3A_28, %dma_wait3A_29] : memref<2x8x512xf32, #tpu.memory_space<vmem>> -> memref<2x8x256xf32, #tpu.memory_space<vmem>>
        %dma_wait3A_31 = arith.constant 0 : i32
        %dma_wait3A_32 = arith.constant 0 : i32
        %dma_wait3A_33 = arith.constant 0 : i32
        %dma_wait3A_34 = tpu.memref_slice %arg5[%dma_wait3A_31, %dma_wait3A_32, %dma_wait3A_33] : memref<2x8x1000000xf32, #tpu.memory_space<hbm>> -> memref<2x8x256xf32, #tpu.memory_space<hbm>>
        %dma_wait3A_35 = arith.constant 0 : i32
        %dma_wait3A_36 = arith.constant 0 : i32
        %dma_wait3A_37 = arith.constant 0 : i32
        %dma_wait3A_38 = tpu.memref_slice %arg12[%dma_wait3A_35, %dma_wait3A_36, %dma_wait3A_37] : memref<2x8x512xf32, #tpu.memory_space<vmem>> -> memref<2x8x256xf32, #tpu.memory_space<vmem>>
        %dma_wait3A_39 = arith.constant 0 : i32
        %dma_wait3A_40 = arith.constant 0 : i32
        %dma_wait3A_41 = arith.constant 0 : i32
        %dma_wait3A_42 = tpu.memref_slice %arg5[%dma_wait3A_39, %dma_wait3A_40, %dma_wait3A_41] : memref<2x8x1000000xf32, #tpu.memory_space<hbm>> -> memref<2x8x256xf32, #tpu.memory_space<hbm>>
        tpu.wait_dma2 semaphore(%arg18 : memref<!tpu.dma_semaphore, #tpu.memory_space<semaphore_mem>>) src(%dma_wait3A_42 : memref<2x8x256xf32, #tpu.memory_space<hbm>>) dst(%dma_wait3A_38 : memref<2x8x256xf32, #tpu.memory_space<vmem>>)
        %dma_wait3A_43 = arith.constant 0 : i32
        %dma_wait3A_44 = arith.constant 0 : i32
        %dma_wait3A_45 = arith.constant 0 : i32
        %dma_wait3A_46 = tpu.memref_slice %arg13[%dma_wait3A_43, %dma_wait3A_44, %dma_wait3A_45] : memref<2x8x512xf32, #tpu.memory_space<vmem>> -> memref<2x8x256xf32, #tpu.memory_space<vmem>>
        %dma_wait3A_47 = arith.constant 0 : i32
        %dma_wait3A_48 = arith.constant 0 : i32
        %dma_wait3A_49 = arith.constant 0 : i32
        %dma_wait3A_50 = tpu.memref_slice %arg5[%dma_wait3A_47, %dma_wait3A_48, %dma_wait3A_49] : memref<2x8x1000000xf32, #tpu.memory_space<hbm>> -> memref<2x8x256xf32, #tpu.memory_space<hbm>>
        %dma_wait3A_51 = arith.constant 0 : i32
        %dma_wait3A_52 = arith.constant 0 : i32
        %dma_wait3A_53 = arith.constant 0 : i32
        %dma_wait3A_54 = tpu.memref_slice %arg13[%dma_wait3A_51, %dma_wait3A_52, %dma_wait3A_53] : memref<2x8x512xf32, #tpu.memory_space<vmem>> -> memref<2x8x256xf32, #tpu.memory_space<vmem>>
        %dma_wait3A_55 = arith.constant 0 : i32
        %dma_wait3A_56 = arith.constant 0 : i32
        %dma_wait3A_57 = arith.constant 0 : i32
        %dma_wait3A_58 = tpu.memref_slice %arg5[%dma_wait3A_55, %dma_wait3A_56, %dma_wait3A_57] : memref<2x8x1000000xf32, #tpu.memory_space<hbm>> -> memref<2x8x256xf32, #tpu.memory_space<hbm>>
        tpu.wait_dma2 semaphore(%arg18 : memref<!tpu.dma_semaphore, #tpu.memory_space<semaphore_mem>>) src(%dma_wait3A_58 : memref<2x8x256xf32, #tpu.memory_space<hbm>>) dst(%dma_wait3A_54 : memref<2x8x256xf32, #tpu.memory_space<vmem>>)
        %get3A = arith.index_cast %mul3A_23 : i32 to index
        %get3A_59 = tpu.vector_load %arg10[%get3A] {strides = array<i32>} : memref<512xi32, #tpu.memory_space<vmem>>, vector<16xi32>,
        %get3A_60 = arith.index_cast %mul3A_23 : i32 to index
        %get3A_61 = tpu.vector_load %arg11[%get3A_60] {strides = array<i32>} : memref<512xi32, #tpu.memory_space<vmem>>, vector<16xi32>,
        %mul3A_62 = arith.constant 16 : i32
        %mul3A_63 = vector.broadcast %mul3A_62 : i32 to vector<16xi32>
        %mul3A_64 = arith.muli %iota3A, %mul3A_63 : vector<16xi32>
        %add3A_65 = vector.broadcast %mul3A_26 : i32 to vector<16xi32>
        %add3A_66 = arith.addi %add3A_65, %mul3A_64 : vector<16xi32>
        %and3A = arith.constant 15 : i32
        %and3A_67 = vector.broadcast %and3A : i32 to vector<16xi32>
        %and3A_68 = arith.andi %get3A_59, %and3A_67 : vector<16xi32>
        %add3A_69 = arith.addi %add3A_66, %and3A_68 : vector<16xi32>
        %mul3A_70 = arith.constant 16 : i32
        %mul3A_71 = vector.broadcast %mul3A_70 : i32 to vector<16xi32>
        %mul3A_72 = arith.muli %iota3A, %mul3A_71 : vector<16xi32>
        %add3A_73 = vector.broadcast %mul3A_26 : i32 to vector<16xi32>
        %add3A_74 = arith.addi %add3A_73, %mul3A_72 : vector<16xi32>
        %and3A_75 = arith.constant 15 : i32
        %and3A_76 = vector.broadcast %and3A_75 : i32 to vector<16xi32>
        %and3A_77 = arith.andi %get3A_61, %and3A_76 : vector<16xi32>
        %add3A_78 = arith.addi %add3A_74, %and3A_77 : vector<16xi32>
        %get3A_79 = arith.index_cast %mul3A_23 : i32 to index
        %get3A_80 = tpu.vector_load %arg16[%get3A_79] {strides = array<i32>} : memref<512xf32, #tpu.memory_space<vmem>>, vector<16xf32>,
        %get3A_81 = arith.index_cast %mul3A_23 : i32 to index
        %get3A_82 = tpu.vector_load %arg14[%get3A_81] {strides = array<i32>} : memref<512xf32, #tpu.memory_space<vmem>>, vector<16xf32>,
        %add3A_83 = arith.addf %get3A_80, %get3A_82 : vector<16xf32>
        %get3A_84 = arith.index_cast %mul3A_23 : i32 to index
        %get3A_85 = tpu.vector_load %arg15[%get3A_84] {strides = array<i32>} : memref<512xf32, #tpu.memory_space<vmem>>, vector<16xf32>,
        %add3A_86 = arith.addf %add3A_83, %get3A_85 : vector<16xf32>
        %broadcast_in_dim3A = arith.constant 0 : i32
        %broadcast_in_dim3A_87 = vector.broadcast %broadcast_in_dim3A : i32 to vector<16xi32>
        %broadcast_in_dim3A_88 = arith.constant 0 : i32
        %broadcast_in_dim3A_89 = vector.broadcast %broadcast_in_dim3A_88 : i32 to vector<16xi32>
        %gather3A = tpu.vector_load_idx %arg12[%broadcast_in_dim3A_87, %broadcast_in_dim3A_89, %add3A_69] : memref<2x8x512xf32, #tpu.memory_space<vmem>>[vector<16xi32>, vector<16xi32>, vector<16xi32>], vector<16xf32>,
        %gather3A_90 = tpu.vector_load_idx %arg13[%broadcast_in_dim3A_87, %broadcast_in_dim3A_89, %add3A_78] : memref<2x8x512xf32, #tpu.memory_space<vmem>>[vector<16xi32>, vector<16xi32>, vector<16xi32>], vector<16xf32>,
        %mul3A_91 = arith.mulf %gather3A, %gather3A_90 : vector<16xf32>
        %add3A_92 = arith.addf %add3A_86, %mul3A_91 : vector<16xf32>
        %broadcast_in_dim3A_93 = arith.constant 0 : i32
        %broadcast_in_dim3A_94 = vector.broadcast %broadcast_in_dim3A_93 : i32 to vector<16xi32>
        %broadcast_in_dim3A_95 = arith.constant 1 : i32
        %broadcast_in_dim3A_96 = vector.broadcast %broadcast_in_dim3A_95 : i32 to vector<16xi32>
        %gather3A_97 = tpu.vector_load_idx %arg12[%broadcast_in_dim3A_94, %broadcast_in_dim3A_96, %add3A_69] : memref<2x8x512xf32, #tpu.memory_space<vmem>>[vector<16xi32>, vector<16xi32>, vector<16xi32>], vector<16xf32>,
        %gather3A_98 = tpu.vector_load_idx %arg13[%broadcast_in_dim3A_94, %broadcast_in_dim3A_96, %add3A_78] : memref<2x8x512xf32, #tpu.memory_space<vmem>>[vector<16xi32>, vector<16xi32>, vector<16xi32>], vector<16xf32>,
        %mul3A_99 = arith.mulf %gather3A_97, %gather3A_98 : vector<16xf32>
        %add3A_100 = arith.addf %add3A_92, %mul3A_99 : vector<16xf32>
        %broadcast_in_dim3A_101 = arith.constant 0 : i32
        %broadcast_in_dim3A_102 = vector.broadcast %broadcast_in_dim3A_101 : i32 to vector<16xi32>
        %broadcast_in_dim3A_103 = arith.constant 2 : i32
        %broadcast_in_dim3A_104 = vector.broadcast %broadcast_in_dim3A_103 : i32 to vector<16xi32>
        %gather3A_105 = tpu.vector_load_idx %arg12[%broadcast_in_dim3A_102, %broadcast_in_dim3A_104, %add3A_69] : memref<2x8x512xf32, #tpu.memory_space<vmem>>[vector<16xi32>, vector<16xi32>, vector<16xi32>], vector<16xf32>,
        %gather3A_106 = tpu.vector_load_idx %arg13[%broadcast_in_dim3A_102, %broadcast_in_dim3A_104, %add3A_78] : memref<2x8x512xf32, #tpu.memory_space<vmem>>[vector<16xi32>, vector<16xi32>, vector<16xi32>], vector<16xf32>,
        %mul3A_107 = arith.mulf %gather3A_105, %gather3A_106 : vector<16xf32>
        %add3A_108 = arith.addf %add3A_100, %mul3A_107 : vector<16xf32>
        %broadcast_in_dim3A_109 = arith.constant 0 : i32
        %broadcast_in_dim3A_110 = vector.broadcast %broadcast_in_dim3A_109 : i32 to vector<16xi32>
        %broadcast_in_dim3A_111 = arith.constant 3 : i32
        %broadcast_in_dim3A_112 = vector.broadcast %broadcast_in_dim3A_111 : i32 to vector<16xi32>
        %gather3A_113 = tpu.vector_load_idx %arg12[%broadcast_in_dim3A_110, %broadcast_in_dim3A_112, %add3A_69] : memref<2x8x512xf32, #tpu.memory_space<vmem>>[vector<16xi32>, vector<16xi32>, vector<16xi32>], vector<16xf32>,
        %gather3A_114 = tpu.vector_load_idx %arg13[%broadcast_in_dim3A_110, %broadcast_in_dim3A_112, %add3A_78] : memref<2x8x512xf32, #tpu.memory_space<vmem>>[vector<16xi32>, vector<16xi32>, vector<16xi32>], vector<16xf32>,
        %mul3A_115 = arith.mulf %gather3A_113, %gather3A_114 : vector<16xf32>
        %add3A_116 = arith.addf %add3A_108, %mul3A_115 : vector<16xf32>
        %broadcast_in_dim3A_117 = arith.constant 0 : i32
        %broadcast_in_dim3A_118 = vector.broadcast %broadcast_in_dim3A_117 : i32 to vector<16xi32>
        %broadcast_in_dim3A_119 = arith.constant 4 : i32
        %broadcast_in_dim3A_120 = vector.broadcast %broadcast_in_dim3A_119 : i32 to vector<16xi32>
        %gather3A_121 = tpu.vector_load_idx %arg12[%broadcast_in_dim3A_118, %broadcast_in_dim3A_120, %add3A_69] : memref<2x8x512xf32, #tpu.memory_space<vmem>>[vector<16xi32>, vector<16xi32>, vector<16xi32>], vector<16xf32>,
        %gather3A_122 = tpu.vector_load_idx %arg13[%broadcast_in_dim3A_118, %broadcast_in_dim3A_120, %add3A_78] : memref<2x8x512xf32, #tpu.memory_space<vmem>>[vector<16xi32>, vector<16xi32>, vector<16xi32>], vector<16xf32>,
        %mul3A_123 = arith.mulf %gather3A_121, %gather3A_122 : vector<16xf32>
        %add3A_124 = arith.addf %add3A_116, %mul3A_123 : vector<16xf32>
        %broadcast_in_dim3A_125 = arith.constant 0 : i32
        %broadcast_in_dim3A_126 = vector.broadcast %broadcast_in_dim3A_125 : i32 to vector<16xi32>
        %broadcast_in_dim3A_127 = arith.constant 5 : i32
        %broadcast_in_dim3A_128 = vector.broadcast %broadcast_in_dim3A_127 : i32 to vector<16xi32>
        %gather3A_129 = tpu.vector_load_idx %arg12[%broadcast_in_dim3A_126, %broadcast_in_dim3A_128, %add3A_69] : memref<2x8x512xf32, #tpu.memory_space<vmem>>[vector<16xi32>, vector<16xi32>, vector<16xi32>], vector<16xf32>,
        %gather3A_130 = tpu.vector_load_idx %arg13[%broadcast_in_dim3A_126, %broadcast_in_dim3A_128, %add3A_78] : memref<2x8x512xf32, #tpu.memory_space<vmem>>[vector<16xi32>, vector<16xi32>, vector<16xi32>], vector<16xf32>,
        %mul3A_131 = arith.mulf %gather3A_129, %gather3A_130 : vector<16xf32>
        %add3A_132 = arith.addf %add3A_124, %mul3A_131 : vector<16xf32>
        %broadcast_in_dim3A_133 = arith.constant 0 : i32
        %broadcast_in_dim3A_134 = vector.broadcast %broadcast_in_dim3A_133 : i32 to vector<16xi32>
        %broadcast_in_dim3A_135 = arith.constant 6 : i32
        %broadcast_in_dim3A_136 = vector.broadcast %broadcast_in_dim3A_135 : i32 to vector<16xi32>
        %gather3A_137 = tpu.vector_load_idx %arg12[%broadcast_in_dim3A_134, %broadcast_in_dim3A_136, %add3A_69] : memref<2x8x512xf32, #tpu.memory_space<vmem>>[vector<16xi32>, vector<16xi32>, vector<16xi32>], vector<16xf32>,
        %gather3A_138 = tpu.vector_load_idx %arg13[%broadcast_in_dim3A_134, %broadcast_in_dim3A_136, %add3A_78] : memref<2x8x512xf32, #tpu.memory_space<vmem>>[vector<16xi32>, vector<16xi32>, vector<16xi32>], vector<16xf32>,
        %mul3A_139 = arith.mulf %gather3A_137, %gather3A_138 : vector<16xf32>
        %add3A_140 = arith.addf %add3A_132, %mul3A_139 : vector<16xf32>
        %broadcast_in_dim3A_141 = arith.constant 0 : i32
        %broadcast_in_dim3A_142 = vector.broadcast %broadcast_in_dim3A_141 : i32 to vector<16xi32>
        %broadcast_in_dim3A_143 = arith.constant 7 : i32
        %broadcast_in_dim3A_144 = vector.broadcast %broadcast_in_dim3A_143 : i32 to vector<16xi32>
        %gather3A_145 = tpu.vector_load_idx %arg12[%broadcast_in_dim3A_142, %broadcast_in_dim3A_144, %add3A_69] : memref<2x8x512xf32, #tpu.memory_space<vmem>>[vector<16xi32>, vector<16xi32>, vector<16xi32>], vector<16xf32>,
        %gather3A_146 = tpu.vector_load_idx %arg13[%broadcast_in_dim3A_142, %broadcast_in_dim3A_144, %add3A_78] : memref<2x8x512xf32, #tpu.memory_space<vmem>>[vector<16xi32>, vector<16xi32>, vector<16xi32>], vector<16xf32>,
        %mul3A_147 = arith.mulf %gather3A_145, %gather3A_146 : vector<16xf32>
        %add3A_148 = arith.addf %add3A_140, %mul3A_147 : vector<16xf32>
        %broadcast_in_dim3A_149 = arith.constant 1 : i32
        %broadcast_in_dim3A_150 = vector.broadcast %broadcast_in_dim3A_149 : i32 to vector<16xi32>
        %broadcast_in_dim3A_151 = arith.constant 0 : i32
        %broadcast_in_dim3A_152 = vector.broadcast %broadcast_in_dim3A_151 : i32 to vector<16xi32>
        %gather3A_153 = tpu.vector_load_idx %arg12[%broadcast_in_dim3A_150, %broadcast_in_dim3A_152, %add3A_69] : memref<2x8x512xf32, #tpu.memory_space<vmem>>[vector<16xi32>, vector<16xi32>, vector<16xi32>], vector<16xf32>,
        %gather3A_154 = tpu.vector_load_idx %arg13[%broadcast_in_dim3A_150, %broadcast_in_dim3A_152, %add3A_78] : memref<2x8x512xf32, #tpu.memory_space<vmem>>[vector<16xi32>, vector<16xi32>, vector<16xi32>], vector<16xf32>,
        %mul3A_155 = arith.mulf %gather3A_153, %gather3A_154 : vector<16xf32>
        %add3A_156 = arith.addf %add3A_148, %mul3A_155 : vector<16xf32>
        %broadcast_in_dim3A_157 = arith.constant 1 : i32
        %broadcast_in_dim3A_158 = vector.broadcast %broadcast_in_dim3A_157 : i32 to vector<16xi32>
        %broadcast_in_dim3A_159 = arith.constant 1 : i32
        %broadcast_in_dim3A_160 = vector.broadcast %broadcast_in_dim3A_159 : i32 to vector<16xi32>
        %gather3A_161 = tpu.vector_load_idx %arg12[%broadcast_in_dim3A_158, %broadcast_in_dim3A_160, %add3A_69] : memref<2x8x512xf32, #tpu.memory_space<vmem>>[vector<16xi32>, vector<16xi32>, vector<16xi32>], vector<16xf32>,
        %gather3A_162 = tpu.vector_load_idx %arg13[%broadcast_in_dim3A_158, %broadcast_in_dim3A_160, %add3A_78] : memref<2x8x512xf32, #tpu.memory_space<vmem>>[vector<16xi32>, vector<16xi32>, vector<16xi32>], vector<16xf32>,
        %mul3A_163 = arith.mulf %gather3A_161, %gather3A_162 : vector<16xf32>
        %add3A_164 = arith.addf %add3A_156, %mul3A_163 : vector<16xf32>
        %broadcast_in_dim3A_165 = arith.constant 1 : i32
        %broadcast_in_dim3A_166 = vector.broadcast %broadcast_in_dim3A_165 : i32 to vector<16xi32>
        %broadcast_in_dim3A_167 = arith.constant 2 : i32
        %broadcast_in_dim3A_168 = vector.broadcast %broadcast_in_dim3A_167 : i32 to vector<16xi32>
        %gather3A_169 = tpu.vector_load_idx %arg12[%broadcast_in_dim3A_166, %broadcast_in_dim3A_168, %add3A_69] : memref<2x8x512xf32, #tpu.memory_space<vmem>>[vector<16xi32>, vector<16xi32>, vector<16xi32>], vector<16xf32>,
        %gather3A_170 = tpu.vector_load_idx %arg13[%broadcast_in_dim3A_166, %broadcast_in_dim3A_168, %add3A_78] : memref<2x8x512xf32, #tpu.memory_space<vmem>>[vector<16xi32>, vector<16xi32>, vector<16xi32>], vector<16xf32>,
        %mul3A_171 = arith.mulf %gather3A_169, %gather3A_170 : vector<16xf32>
        %add3A_172 = arith.addf %add3A_164, %mul3A_171 : vector<16xf32>
        %broadcast_in_dim3A_173 = arith.constant 1 : i32
        %broadcast_in_dim3A_174 = vector.broadcast %broadcast_in_dim3A_173 : i32 to vector<16xi32>
        %broadcast_in_dim3A_175 = arith.constant 3 : i32
        %broadcast_in_dim3A_176 = vector.broadcast %broadcast_in_dim3A_175 : i32 to vector<16xi32>
        %gather3A_177 = tpu.vector_load_idx %arg12[%broadcast_in_dim3A_174, %broadcast_in_dim3A_176, %add3A_69] : memref<2x8x512xf32, #tpu.memory_space<vmem>>[vector<16xi32>, vector<16xi32>, vector<16xi32>], vector<16xf32>,
        %gather3A_178 = tpu.vector_load_idx %arg13[%broadcast_in_dim3A_174, %broadcast_in_dim3A_176, %add3A_78] : memref<2x8x512xf32, #tpu.memory_space<vmem>>[vector<16xi32>, vector<16xi32>, vector<16xi32>], vector<16xf32>,
        %mul3A_179 = arith.mulf %gather3A_177, %gather3A_178 : vector<16xf32>
        %add3A_180 = arith.addf %add3A_172, %mul3A_179 : vector<16xf32>
        %broadcast_in_dim3A_181 = arith.constant 1 : i32
        %broadcast_in_dim3A_182 = vector.broadcast %broadcast_in_dim3A_181 : i32 to vector<16xi32>
        %broadcast_in_dim3A_183 = arith.constant 4 : i32
        %broadcast_in_dim3A_184 = vector.broadcast %broadcast_in_dim3A_183 : i32 to vector<16xi32>
        %gather3A_185 = tpu.vector_load_idx %arg12[%broadcast_in_dim3A_182, %broadcast_in_dim3A_184, %add3A_69] : memref<2x8x512xf32, #tpu.memory_space<vmem>>[vector<16xi32>, vector<16xi32>, vector<16xi32>], vector<16xf32>,
        %gather3A_186 = tpu.vector_load_idx %arg13[%broadcast_in_dim3A_182, %broadcast_in_dim3A_184, %add3A_78] : memref<2x8x512xf32, #tpu.memory_space<vmem>>[vector<16xi32>, vector<16xi32>, vector<16xi32>], vector<16xf32>,
        %mul3A_187 = arith.mulf %gather3A_185, %gather3A_186 : vector<16xf32>
        %add3A_188 = arith.addf %add3A_180, %mul3A_187 : vector<16xf32>
        %broadcast_in_dim3A_189 = arith.constant 1 : i32
        %broadcast_in_dim3A_190 = vector.broadcast %broadcast_in_dim3A_189 : i32 to vector<16xi32>
        %broadcast_in_dim3A_191 = arith.constant 5 : i32
        %broadcast_in_dim3A_192 = vector.broadcast %broadcast_in_dim3A_191 : i32 to vector<16xi32>
        %gather3A_193 = tpu.vector_load_idx %arg12[%broadcast_in_dim3A_190, %broadcast_in_dim3A_192, %add3A_69] : memref<2x8x512xf32, #tpu.memory_space<vmem>>[vector<16xi32>, vector<16xi32>, vector<16xi32>], vector<16xf32>,
        %gather3A_194 = tpu.vector_load_idx %arg13[%broadcast_in_dim3A_190, %broadcast_in_dim3A_192, %add3A_78] : memref<2x8x512xf32, #tpu.memory_space<vmem>>[vector<16xi32>, vector<16xi32>, vector<16xi32>], vector<16xf32>,
        %mul3A_195 = arith.mulf %gather3A_193, %gather3A_194 : vector<16xf32>
        %add3A_196 = arith.addf %add3A_188, %mul3A_195 : vector<16xf32>
        %broadcast_in_dim3A_197 = arith.constant 1 : i32
        %broadcast_in_dim3A_198 = vector.broadcast %broadcast_in_dim3A_197 : i32 to vector<16xi32>
        %broadcast_in_dim3A_199 = arith.constant 6 : i32
        %broadcast_in_dim3A_200 = vector.broadcast %broadcast_in_dim3A_199 : i32 to vector<16xi32>
        %gather3A_201 = tpu.vector_load_idx %arg12[%broadcast_in_dim3A_198, %broadcast_in_dim3A_200, %add3A_69] : memref<2x8x512xf32, #tpu.memory_space<vmem>>[vector<16xi32>, vector<16xi32>, vector<16xi32>], vector<16xf32>,
        %gather3A_202 = tpu.vector_load_idx %arg13[%broadcast_in_dim3A_198, %broadcast_in_dim3A_200, %add3A_78] : memref<2x8x512xf32, #tpu.memory_space<vmem>>[vector<16xi32>, vector<16xi32>, vector<16xi32>], vector<16xf32>,
        %mul3A_203 = arith.mulf %gather3A_201, %gather3A_202 : vector<16xf32>
        %add3A_204 = arith.addf %add3A_196, %mul3A_203 : vector<16xf32>
        %broadcast_in_dim3A_205 = arith.constant 1 : i32
        %broadcast_in_dim3A_206 = vector.broadcast %broadcast_in_dim3A_205 : i32 to vector<16xi32>
        %broadcast_in_dim3A_207 = arith.constant 7 : i32
        %broadcast_in_dim3A_208 = vector.broadcast %broadcast_in_dim3A_207 : i32 to vector<16xi32>
        %gather3A_209 = tpu.vector_load_idx %arg12[%broadcast_in_dim3A_206, %broadcast_in_dim3A_208, %add3A_69] : memref<2x8x512xf32, #tpu.memory_space<vmem>>[vector<16xi32>, vector<16xi32>, vector<16xi32>], vector<16xf32>,
        %gather3A_210 = tpu.vector_load_idx %arg13[%broadcast_in_dim3A_206, %broadcast_in_dim3A_208, %add3A_78] : memref<2x8x512xf32, #tpu.memory_space<vmem>>[vector<16xi32>, vector<16xi32>, vector<16xi32>], vector<16xf32>,
        %mul3A_211 = arith.mulf %gather3A_209, %gather3A_210 : vector<16xf32>
        %add3A_212 = arith.addf %add3A_204, %mul3A_211 : vector<16xf32>
        %swap3A = arith.index_cast %mul3A_23 : i32 to index
        %swap3A_213 = tpu.vector_load %arg17[%swap3A] {strides = array<i32>} : memref<512xf32, #tpu.memory_space<vmem>>, vector<16xf32>,
        tpu.vector_store %arg17[%swap3A], %add3A_212 {strides = array<i32>} : memref<512xf32, #tpu.memory_space<vmem>>, vector<16xf32>,
      } else {
      }
    }
    %scan3A_13 = arith.constant 33 : i32
    "tpu.region"() ({
      %run_scoped3A = tpu.sem_alloc : memref<!tpu.dma_semaphore, #tpu.memory_space<semaphore_mem>>
      %dma_start3A_14 = tpu.memref_slice %arg9[%mul3A_2] : memref<16384xf32, #tpu.memory_space<hbm>> -> memref<512xf32, #tpu.memory_space<hbm>>
      %dma_start3A_15 = tpu.memref_slice %arg9[%mul3A_2] : memref<16384xf32, #tpu.memory_space<hbm>> -> memref<512xf32, #tpu.memory_space<hbm>>
      tpu.enqueue_dma source(%arg17 : memref<512xf32, #tpu.memory_space<vmem>>) target(%dma_start3A_15 : memref<512xf32, #tpu.memory_space<hbm>>) target_semaphore(%run_scoped3A : memref<!tpu.dma_semaphore, #tpu.memory_space<semaphore_mem>>)
      %dma_wait3A_16 = tpu.memref_slice %arg9[%mul3A_2] : memref<16384xf32, #tpu.memory_space<hbm>> -> memref<512xf32, #tpu.memory_space<hbm>>
      %dma_wait3A_17 = tpu.memref_slice %arg9[%mul3A_2] : memref<16384xf32, #tpu.memory_space<hbm>> -> memref<512xf32, #tpu.memory_space<hbm>>
      tpu.wait_dma2 semaphore(%run_scoped3A : memref<!tpu.dma_semaphore, #tpu.memory_space<semaphore_mem>>) src(%arg17 : memref<512xf32, #tpu.memory_space<vmem>>) dst(%dma_wait3A_17 : memref<512xf32, #tpu.memory_space<hbm>>)
      tpu.yield
    }) : () -> ()
    return
  }
}

</mosaic_0001>

<sc_bundles>
// kernel: _cdcf.3.cloned.1.call-start
scs
__scs_entry_jumppad:
0x0: {  	(pc) =	sbr.rel $0x88, $3  }
0x1: {  	(tag) =	ssettag $0x0;
	lr =	simm.s32 $0x1  }
0x2: {  	[smem:$0x3F9A] =	sst lr;
	_ =	strace $0xD0000000  }
0x3: {  	_ = 	snop  }
0x4: {  	_ = 	snop  }
0x5: {  	_ = 	snop  }
0x6: {  	_ = 	snop  }
0x7: {  	_ = 	snop  }
__scs_overlays_trampoline_lowered:
0x8: {  	[smem:$0x3FA9] =	sst s0  }
0x9: {  	[smem:$0x3FAA] =	sst s1  }
0xa: {  	[smem:$0x3FAB] =	sst s2  }
0xb: {  	[smem:$0x3FAC] =	sst s3  }
0xc: {  	[smem:$0x3FAD] =	sst s4  }
0xd: {  	[smem:$0x3FAE] =	sst s5  }
0xe: {  	[smem:$0x3FAF] =	sst s6  }
0xf: {  	[smem:$0x3FB0] =	sst s7  }
0x10: {  	[smem:$0x3FB1] =	sst s8  }
0x11: {  	[smem:$0x3FB2] =	sst s9;
	s0 =	simm.s32 @!p0 $0x0  }
0x12: {  	s1 =	sld [smem:$0x3F98];
	s0 =	simm.s32 @p0 $0x1  }
0x13: {  	[smem:$0x3FB3] =	sst s0;
	s0 =	simm.s32 @!p1 $0x0  }
0x14: {  	s2 =	sld [smem:$0x3F97];
	s0 =	simm.s32 @p1 $0x1  }
0x15: {  	[smem:$0x3FB4] =	sst s0;
	s0 =	simm.s32 @!p2 $0x0  }
0x16: {  	s3 =	sld [smem:$0x3FDB];
	s0 =	simm.s32 @p2 $0x1  }
0x17: {  	s4 =	simm.s32 $0x1BF5;
	[smem:$0x3FB6] =	sst s0  }
0x18: {  	s0 =	sld [smem:$0x3F99];
	_ =	swait.ge [sflag:s4], $0x0  }
0x19: {  	s7 =	sld [smem:$0x3F9A]  }
0x1a: {  	s8 =	sadd.s32 $0xFFFFE003, lr  }
0x1b: {  	s9 =	sadd.s32 $0xFFFFFEF7, lr;
	s5 =	simm.s32 $0xFFFFFFFF;
	p2 =	slt.u32 s8, $0xFFFFF086  }
0x1c: {  	p1 =	slt.u32 s9, $0xF7A;
	s5 =	simm.s32 @!p2 $0x0  }
0x1d: {  	s5 =	simm.s32 @p1 $0x1;
	p0 =	seq.s32 s7, s2  }
0x1e: {  	s7 =	smul.u32 @!p0 $0xF7A, s2;
	p2 =	seq.s32 @!p0 s5, $0x0  }
0x1f: {  	s9 =	smul.u32 $0xF7A, s1;
	s8 =	simm.s32 @!p0 $0x1BF5;
	p2 =	por !p2, p0  }
0x20: {  	[sflag:s8] =	ssyncset.s32 @!p0 $0xFFFFF086;
	s6 =	sadd.s32 @!p0 s3, s7;
	s7 =	simm.s32 @!p0 $0x108  }
0x21: {  	s3 =	sadd.s32 s3, s9;
	s6 =	sadd.s32 @!p0 $0x88, s6;
	s7 =	simm.s32 @p2 $0x1082  }
0x22: {  	[simem:s7], [sflag:s8] =	dma.local @!p0 [hbm:s6], $0xF7A  }
0x23: {  	s9 =	sor.u32 $0xD0000000, s2;
	s6 =	simm.s32 $0x108;
	_ =	swait.ge @!p0 [sflag:s8], $0x0  }
0x24: {  	s3 =	sadd.s32 $0x88, s3;
	s6 =	simm.s32 @!p1 $0x1082;
	[sflag:s4] =	ssyncset.s32 $0xFFFFF086  }
0x25: {  	[simem:s6], [sflag:s4] =	dma.local [hbm:s3], $0xF7A  }
0x26: {  	[smem:$0x3F9A] =	sst s1;
	(tag) =	ssettag s2;
	_ =	strace s9  }
0x27: {  	s1 =	sld [smem:$0x3FAA]  }
0x28: {  	s2 =	sld [smem:$0x3FAB]  }
0x29: {  	s4 =	sld [smem:$0x3FAD]  }
0x2a: {  	p0 =	seq.s32 s5, $0x0;
	s5 =	sld [smem:$0x3FAE]  }
0x2b: {  	s6 =	sld [smem:$0x3FAF]  }
0x2c: {  	s7 =	sld [smem:$0x3FB0]  }
0x2d: {  	s3 =	simm.s32 $0x108;
	s8 =	sld [smem:$0x3FB1]  }
0x2e: {  	s3 =	simm.s32 @!p0 $0x1082;
	s9 =	sld [smem:$0x3FB2]  }
0x2f: {  	lr =	sadd.s32 s0, s3;
	s0 =	sld [smem:$0x3FA9]  }
0x30: {  	s3 =	sld [smem:$0x3FAC]  }
0x31: {  	[smem:$0x3FB5] =	sst s10  }
0x32: {  	s10 =	sld [smem:$0x3FB3];
	_ =	sdelay $0x3  }
0x33: {  	p0 =	seq.s32 s10, $0x1;
	s10 =	sld [smem:$0x3FB5];
	_ =	sdelay $0x3  }
0x34: {  	[smem:$0x3FB5] =	sst s10  }
0x35: {  	s10 =	sld [smem:$0x3FB4];
	_ =	sdelay $0x3  }
0x36: {  	p1 =	seq.s32 s10, $0x1;
	s10 =	sld [smem:$0x3FB5];
	_ =	sdelay $0x3  }
0x37: {  	[smem:$0x3FB5] =	sst s10  }
0x38: {  	s10 =	sld [smem:$0x3FB6]  }
0x39: {  	_ = 	snop;
	(pc) =	sbr.ind lr, $3  }
0x3a: {  	_ = 	snop  }
0x3b: {  	_ = 	snop  }
0x3c: {  	p2 =	seq.s32 s10, $0x1;
	s10 =	sld [smem:$0x3FB5]  }
0x3d: {  	_ =	shalt  }
0x3e: {  	_ =	shalt  }
0x3f: {  	_ =	shalt  }
0x40: {  	_ =	shalt  }
0x41: {  	_ =	shalt  }
0x42: {  	_ =	shalt  }
0x43: {  	_ =	shalt  }
0x44: {  	_ =	shalt  }
0x45: {  	_ =	shalt  }
0x46: {  	_ =	shalt  }
0x47: {  	_ =	shalt  }
0x48: {  	_ =	shalt  }
0x49: {  	_ =	shalt  }
0x4a: {  	_ =	shalt  }
0x4b: {  	_ =	shalt  }
0x4c: {  	_ =	shalt  }
0x4d: {  	_ =	shalt  }
0x4e: {  	_ =	shalt  }
0x4f: {  	_ =	shalt  }
0x50: {  	_ =	shalt  }
0x51: {  	_ =	shalt  }
0x52: {  	_ =	shalt  }
0x53: {  	_ =	shalt  }
0x54: {  	_ =	shalt  }
0x55: {  	_ =	shalt  }
0x56: {  	_ =	shalt  }
0x57: {  	_ =	shalt  }
0x58: {  	_ =	shalt  }
0x59: {  	_ =	shalt  }
0x5a: {  	_ =	shalt  }
0x5b: {  	_ =	shalt  }
0x5c: {  	_ =	shalt  }
0x5d: {  	_ =	shalt  }
0x5e: {  	_ =	shalt  }
0x5f: {  	_ =	shalt  }
0x60: {  	_ =	shalt  }
0x61: {  	_ =	shalt  }
0x62: {  	_ =	shalt  }
0x63: {  	_ =	shalt  }
0x64: {  	_ =	shalt  }
0x65: {  	_ =	shalt  }
0x66: {  	_ =	shalt  }
0x67: {  	_ =	shalt  }
0x68: {  	_ =	shalt  }
0x69: {  	_ =	shalt  }
0x6a: {  	_ =	shalt  }
0x6b: {  	_ =	shalt  }
0x6c: {  	_ =	shalt  }
0x6d: {  	_ =	shalt  }
0x6e: {  	_ =	shalt  }
0x6f: {  	_ =	shalt  }
0x70: {  	_ =	shalt  }
0x71: {  	_ =	shalt  }
0x72: {  	_ =	shalt  }
0x73: {  	_ =	shalt  }
0x74: {  	_ =	shalt  }
0x75: {  	_ =	shalt  }
0x76: {  	_ =	shalt  }
0x77: {  	_ =	shalt  }
0x78: {  	_ =	shalt  }
0x79: {  	_ =	shalt  }
0x7a: {  	_ =	shalt  }
0x7b: {  	_ =	shalt  }
0x7c: {  	_ =	shalt  }
0x7d: {  	_ =	shalt  }
0x7e: {  	_ =	shalt  }
0x7f: {  	_ =	shalt  }
0x80: {  	_ =	shalt  }
0x81: {  	_ =	shalt  }
0x82: {  	_ =	shalt  }
0x83: {  	_ =	shalt  }
0x84: {  	_ =	shalt  }
0x85: {  	_ =	shalt  }
0x86: {  	_ =	shalt  }
0x87: {  	_ =	shalt  }
.Lfunc_end0:
.L_simem_size_0:
called_computation_lowered:
.L_overlay_start_0:
0x88: {  	s2 =	sld [smem:$0x3FD9]  }
0x89: {  	s3 =	sld [smem:$0x3FFE];
	_ =	sdelay $0x1  }
0x8a: {  	s1 =	srdreg.scid  }
0x8b: {  	s0 =	sand.u32 $0x1, s1  }
0x8c: {  	s18 =	sshll.u32 s0, $0xA;
	s2 =	sadd.s32 s3, s2  }
0x8d: {  	s2 =	sadd.s32 s2, s18  }
0x8e: {  	[smem:$0x3FC1] =	sst s2  }
0x8f: {  	_ = 	snop  }
0x90: {  	s2 =	sld [smem:$0x3FC9]  }
0x91: {  	s19 =	sld [smem:$0x3FC8]  }
0x92: {  	s4 =	sld [smem:$0x3FC7]  }
0x93: {  	s5 =	sld [smem:$0x3FC6]  }
0x94: {  	s6 =	sld [smem:$0x3FC5]  }
0x95: {  	s7 =	sld [smem:$0x3FC4]  }
0x96: {  	s8 =	sld [smem:$0x3FC3]  }
0x97: {  	s9 =	sld [smem:$0x3FD0];
	(tm) =	ssettm $0x1  }
0x98: {  	s10 =	sld [smem:$0x3FFB];
	_ =	sdelay $0x3  }
0x99: {  	_ =	strace s10  }
0x9a: {  	s10 =	sld [smem:$0x3FFC];
	_ =	sdelay $0x3  }
0x9b: {  	_ =	strace s10  }
0x9c: {  	s10 =	sld [smem:$0x3FFD];
	_ =	sdelay $0x3  }
0x9d: {  	_ =	strace s10  }
0x9e: {  	_ =	strace $0x8FFFFFFF  }
0x9f: {  	s20 =	sld [smem:$0x3FDB];
	_ =	sdelay $0x1  }
0xa0: {  	s11 =	simm.s32 $_scs_section_size  }
0xa1: {  	s12 =	simm.s32 $_size__tile_overlayer_lowered;
	s13 =	simm.s32 $_tile_overlayer_lowered  }
0xa2: {  	s23 =	simm.s32 $0x1BFF;
	s22 =	sshll.u32 s13, $0x1;
	s10 =	sadd.s32 s11, s20  }
0xa3: {  	s14 =	simm.s32 $0x0;
	s21 =	sshll.u32 s12, $0x1;
	s12 =	sadd.s32 s22, s10  }
0xa4: {  	[timem:s14], [sflag:s23] =	dma.local [hbm:s12], s21  }
0xa5: {  	_ =	swait.ge [sflag:s23], s21  }
0xa6: {  	s11 =	ssub.s32 $0x0, s21;
	[sflag:s23] =	ssyncset.done $0x0  }
0xa7: {  	[sflag:s23] =	ssyncadd.s32 s11;
	_ =	sdelay $0x1  }
0xa8: {  	s24 =	simm.s32 $0x1B8B  }
0xa9: {  	_ =	swait.ge [sflag:s24], $0x1  }
0xaa: {  	[sflag:s24] =	ssyncset.done $0x0  }
0xab: {  	s25 =	simm.s32 $0x1B8E;
	[sflag:s24] =	ssyncadd.s32 $0xFFFFFFFF  }
0xac: {  	s26 =	simm.s32 $execute0_lowered;
	[smem:$0x3FD2] =	sst s25  }
0xad: {  	s11 =	sshll.u32 s26, $0x1;
	_ =	strace $0x80000046;
	[dreg:$0x1] =	wrdreg $0xFFFFFFFF  }
0xae: {  	s28 =	simm.s32 $_size_execute0_lowered;
	s10 =	sadd.s32 s10, s11;
	[dreg:$0x0] =	wrdreg $0x0  }
0xaf: {  	s11 =	sshll.u32 s28, $0x1;
	[dreg:$0x2] =	wrdreg s10  }
0xb0: {  	[dreg:$0x3] =	wrdreg s11  }
0xb1: {  	[dreg:$0x4] =	wrdreg $0xC0  }
0xb2: {  	_ =	task [dreg:s14], $0x5FFFF  }
0xb3: {  	[dreg:$0x1] =	wrdreg $0xFFFFFFFF  }
0xb4: {  	[dreg:$0x0] =	wrdreg $0x60  }
0xb5: {  	[dreg:$0x2] =	wrdreg s2  }
0xb6: {  	[dreg:$0x3] =	wrdreg s19  }
0xb7: {  	[dreg:$0x4] =	wrdreg s4  }
0xb8: {  	[dreg:$0x5] =	wrdreg s5  }
0xb9: {  	[dreg:$0x6] =	wrdreg s6  }
0xba: {  	[dreg:$0x7] =	wrdreg s7  }
0xbb: {  	[dreg:$0x8] =	wrdreg s8  }
0xbc: {  	[dreg:$0x9] =	wrdreg s9  }
0xbd: {  	[dreg:$0xa] =	wrdreg $0x9  }
0xbe: {  	_ =	task.clear_ibuf [dreg:s14], $0xBFFFF;
	_ =	strace $0x90000046  }
0xbf: {  	s29 =	simm.s32 $0x9;
	_ =	strace $0x80000048  }
0xc0: {  	_ =	swait.ge [sflag:s29], $0x1  }
0xc1: {  	[sflag:s29] =	ssyncadd.s32 $0xFFFFFFFF  }
0xc2: {  	_ =	strace $0x90000048  }
0xc3: {  	_ =	sfence  }
0xc4: {  	s30 =	sld [smem:$0x0];
	_ =	sdelay $0x2  }
0xc5: {  	s31 =	sshll.u32 s1, $0xD;
	s1 =	sshrl.u32 s1, $0x2  }
0xc6: {  	s3 =	sand.u32 $0x4000, s31;
	s1 =	sadd.s32 s1, s30  }
0xc7: {  	s0 =	sor.u32 s3, s0;
	s1 =	sshll.u32 s1, $0x11  }
0xc8: {  	s0 =	sor.u32 s1, s0  }
0xc9: {  	s0 =	sadd.s32 $0x8F2B, s0  }
0xca: {  	[sflag:s0] =	ssyncadd.remote.s32 $0x1  }
0xcb: {  	_ =	sfence.sel $0xFFFF  }
0xcc: {  	[dreg:$0x0] =	wrdreg $0xFFFFFFFF;
	(pc) =	sbr.abs _section_cstart, $3  }
0xcd: {  	[dreg:$0x1] =	wrdreg $0xFFFFFFFF  }
0xce: {  	_ =	task.clear_ibuf [dreg:s14], $0x2FFFF;
	_ =	strace $0x9FFFFFFF  }
0xcf: {  	(tm) =	ssettm $0x7FFFFFFF  }
tec
execute0_lowered:
.L_overlay_start_1:
0x0: {  	(tag) =	ssettag $0x1  }
0x1: {  	s7 =	rddreg [dreg:$0x0]  }
0x2: {  	s8 =	rddreg [dreg:$0x1]  }
0x3: {  	s9 =	rddreg [dreg:$0x2]  }
0x4: {  	s1 =	rddreg [dreg:$0x3]  }
0x5: {  	s2 =	rddreg [dreg:$0x4]  }
0x6: {  	s3 =	rddreg [dreg:$0x5]  }
0x7: {  	s4 =	rddreg [dreg:$0x6]  }
0x8: {  	s10 =	rddreg [dreg:$0x7]  }
0x9: {  	s0 =	rddreg [dreg:$0x8]  }
0xa: {  	s6 =	simm.s32 $0x0;
	s11 =	srdreg.scid;
	s5 =	stileid.u32  }
0xb: {  	s15 =	simm.s32 $0x4600;
	s16 =	simm.s32 $0x4800;
	s17 =	simm.s32 $0x2  }
0xc: {  	s18 =	simm.s32 $0x3;
	s19 =	simm.s32 $0x1;
	s20 =	simm.s32 $0x400  }
0xd: {  	s21 =	simm.s32 $0x2400;
	s22 =	simm.s32 $0x4A00;
	s23 =	simm.s32 $0x0  }
0xe: {  	[smem:$0x7FF] =	sst s6;
	s11 =	sand.u32 $0x1, s11;
	s13 =	sshll.u32 s5, $0x7  }
.Ltmp0:
0xf: {  	s12 =	ssub.s32 $0x2, s11;
	s11 =	sshll.u32 s11, $0x6;
	(pc) =	sbr.rel .LBB2_1-.Ltmp0, $4  }
0x10: {  	_ =	strace $0x80000047;
	s14 =	sshrl.u32 s12, $0x1;
	s11 =	sor.u32 s11, s13  }
0x11: {  	v1 =	vlaneseq.u32;
	s13 =	simm.s32 $0x200;
	s12 =	ssub.s32 s12, s14;
	s7 =	sadd.s32 s7, s11  }
0x12: {  	v0 =	vand.u32 $0x7, v1;
	s8 =	sadd.s32 s8, s11;
	s9 =	sadd.s32 s9, s11;
	s10 =	sadd.s32 s10, s11  }
0x13: {  	v1 =	vmul.u32 $0x80, v1;
	v0 =	vmul.u32 $0x10, v0;
	s14 =	simm.s32 $0x4400;
	s11 =	smax.u32 s12, $0x1;
	s12 =	simm.s32 $0x4  }
.LBB2_6:
0x14: {  	s23 =	sadd.s32 $0x1, s23  }
0x15: {  	p0 =	sne.s32 s23, s11  }
.Ltmp1:
0x16: {  	_ = 	snop;
	(pc) =	sbr.rel @!p0 .LBB2_7-.Ltmp1, $4  }
0x17: {  	[hbm4b:s10+s6] =	stream.linear.scatter [tilespmem:s22], [sflag:$0x4], $0x200, $0x38;
	[tilespmem:$0x4C00] =	vst v63  }
0x18: {  	_ =	swait.ge [sflag:s12], $0x200  }
0x19: {  	[sflag:s12] =	ssyncset.done $0x0  }
0x1a: {  	[sflag:s12] =	ssyncadd.s32 $0xFFFFFE00  }
.LBB2_1:
0x1b: {  	[tilespmem:s6], [sflag:$0x4] =	stream.linear.gather [hbm4b:s7+s6], $0x200, $0x38;
	[tilespmem:$0x4C00] =	vst v63  }
0x1c: {  	_ =	swait.ge [sflag:s12], $0x200  }
0x1d: {  	[sflag:s12] =	ssyncset.done $0x0  }
0x1e: {  	[sflag:s12] =	ssyncadd.s32 $0xFFFFFE00  }
0x1f: {  	[tilespmem:s13], [sflag:$0x4] =	stream.linear.gather [hbm4b:s8+s6], $0x200, $0x38;
	[tilespmem:$0x4C00] =	vst v63  }
0x20: {  	_ =	swait.ge [sflag:s12], $0x200  }
0x21: {  	[sflag:s12] =	ssyncset.done $0x0  }
0x22: {  	[sflag:s12] =	ssyncadd.s32 $0xFFFFFE00  }
0x23: {  	[tilespmem:s14], [sflag:$0x2] =	stream.indirect.gather [hbm4b:s3+s13], $0x1, s6, s13, $0xb8;
	[tilespmem:$0x4C00] =	vst v63  }
0x24: {  	_ = 	snop  }
0x25: {  	[tilespmem:s15], [sflag:$0x3] =	stream.indirect.gather [hbm4b:s4+s13], $0x1, s13, s13, $0xb8;
	[tilespmem:$0x4C00] =	vst v63  }
0x26: {  	_ = 	snop  }
0x27: {  	[tilespmem:s16], [sflag:$0x4] =	stream.linear.gather [hbm4b:s9+s6], $0x200, $0x38;
	[tilespmem:$0x4C00] =	vst v63  }
0x28: {  	_ =	swait.ge [sflag:s12], $0x200  }
0x29: {  	[sflag:s12] =	ssyncset.done $0x0  }
0x2a: {  	[sflag:s12] =	ssyncadd.s32 $0xFFFFFE00  }
0x2b: {  	_ =	swait.ge [sflag:s17], $0x200  }
.Ltmp2:
0x2c: {  	[sflag:s17] =	ssyncset.done $0x0;
	(pc) =	sbr.rel .LBB2_2-.Ltmp2, $4  }
0x2d: {  	[sflag:s17] =	ssyncadd.s32 $0xFFFFFE00  }
0x2e: {  	_ =	swait.ge [sflag:s18], $0x200  }
0x2f: {  	s24 =	simm.s32 $0xFFFFFF00;
	[sflag:s18] =	ssyncset.done $0x0  }
0x30: {  	s25 =	simm.s32 $0x0;
	s26 =	simm.s32 $0x0;
	[sflag:s18] =	ssyncadd.s32 $0xFFFFFE00  }
.LBB2_4:
0x31: {  	_ =	swait.ge [sflag:s19], $0x1000  }
0x32: {  	[sflag:s19] =	ssyncset.done $0x0  }
0x33: {  	[sflag:s19] =	ssyncadd.s32 $0xFFFFF000  }
0x34: {  	_ =	swait.ge [sflag:s19], $0x1000  }
0x35: {  	[sflag:s19] =	ssyncset.done $0x0  }
0x36: {  	s28 =	sshra.s32 s26, $0x2;
	[sflag:s19] =	ssyncadd.s32 $0xFFFFF000  }
0x37: {  	v2 =	vld [tilespmem:s28+$0xFFFFFFF0]  }
0x38: {  	v3 =	vld [tilespmem:s28+$0x1F0]  }
0x39: {  	s29 =	sand.u32 $0x100, s24  }
0x3a: {  	v4 =	vmov s29  }
0x3b: {  	v4 =	vshll.u32 v4, $0x3  }
0x3c: {  	v4 =	vor.u32 v1, v4;
	v2 =	vand.u32 $0xF, v2  }
0x3d: {  	v5 =	vand.u32 $0xC00, v4;
	v3 =	vand.u32 $0xF, v3;
	v2 =	vor.u32 v0, v2  }
0x3e: {  	v3 =	vor.u32 v0, v3;
	v6 =	vor.u32 v5, v2  }
0x3f: {  	v8 =	vor.u32 $0x80, v5;
	v7 =	vor.u32 v5, v3  }
0x40: {  	v9 =	vld [tilespmem:s28+$0x47F0];
	v10 =	vor.u32 v8, v2  }
0x41: {  	v13 =	vor.u32 $0x100, v5;
	v11 =	vld [tilespmem:s28+$0x43F0];
	v8 =	vor.u32 v8, v3  }
0x42: {  	v12 =	vld [tilespmem:s28+$0x45F0];
	v14 =	vor.u32 v13, v2  }
0x43: {  	v15 =	vor.u32 $0x180, v5;
	v13 =	vor.u32 v13, v3;
	v6 =	vld.idx.msk [tilespmem:v6+s20+$0x0], $0xffff  }
0x44: {  	v16 =	vor.u32 v15, v2;
	v7 =	vld.idx.msk [tilespmem:v7+s21+$0x0], $0xffff  }
0x45: {  	v17 =	vor.u32 $0x200, v5;
	v15 =	vor.u32 v15, v3;
	v10 =	vld.idx.msk [tilespmem:v10+s20+$0x0], $0xffff  }
0x46: {  	v57 =	vor.u32 v17, v2;
	v8 =	vld.idx.msk [tilespmem:v8+s21+$0x0], $0xffff  }
0x47: {  	v18 =	vor.u32 $0x280, v5;
	v9 =	vadd.f32 v11, v9;
	v17 =	vor.u32 v17, v3;
	v14 =	vld.idx.msk [tilespmem:v14+s20+$0x0], $0xffff  }
0x48: {  	v62 =	vor.u32 $0x300, v5;
	v59 =	vor.u32 v18, v2;
	v58 =	vld.idx.msk [tilespmem:v13+s21+$0x0], $0xffff  }
0x49: {  	v9 =	vadd.f32 v12, v9;
	v61 =	vor.u32 v18, v3;
	v60 =	vld.idx.msk [tilespmem:v16+s20+$0x0], $0xffff;
	v6 =	vmul.f32 v7, v6  }
0x4a: {  	v23 =	vor.u32 $0x380, v4;
	v21 =	vor.u32 v62, v2;
	v63 =	vld.idx.msk [tilespmem:v15+s21+$0x0], $0xffff  }
0x4b: {  	v22 =	vor.u32 v62, v3;
	v11 =	vld.idx.msk [tilespmem:v57+s20+$0x0], $0xffff;
	v8 =	vmul.f32 v8, v10;
	v6 =	vadd.f32 v6, v9  }
0x4c: {  	v27 =	vor.u32 $0x1000, v5;
	v25 =	vor.u32 v23, v2;
	v24 =	vld.idx.msk [tilespmem:v17+s21+$0x0], $0xffff  }
0x4d: {  	v26 =	vor.u32 v23, v3;
	v12 =	vld.idx.msk [tilespmem:v59+s20+$0x0], $0xffff;
	v7 =	vmul.f32 v58, v14;
	v6 =	vadd.f32 v8, v6  }
0x4e: {  	v32 =	vor.u32 $0x1080, v5;
	v19 =	vor.u32 v27, v2;
	v16 =	vld.idx.msk [tilespmem:v61+s21+$0x0], $0xffff  }
0x4f: {  	v30 =	vor.u32 v27, v3;
	v29 =	vld.idx.msk [tilespmem:v21+s20+$0x0], $0xffff;
	v28 =	vmul.f32 v63, v60;
	v6 =	vadd.f32 v7, v6  }
0x50: {  	v36 =	vor.u32 $0x1100, v5;
	v35 =	vor.u32 v32, v2;
	v31 =	vld.idx.msk [tilespmem:v22+s21+$0x0], $0xffff  }
0x51: {  	v34 =	vld.idx.msk [tilespmem:v25+s20+$0x0], $0xffff;
	v15 =	vor.u32 v32, v3;
	v33 =	vmul.f32 v24, v11;
	v6 =	vadd.f32 v28, v6  }
0x52: {  	v40 =	vor.u32 $0x1180, v5;
	v39 =	vor.u32 v36, v2;
	v14 =	vld.idx.msk [tilespmem:v26+s21+$0x0], $0xffff  }
0x53: {  	v38 =	vld.idx.msk [tilespmem:v19+s20+$0x0], $0xffff;
	v17 =	vor.u32 v36, v3;
	v37 =	vmul.f32 v16, v12;
	v6 =	vadd.f32 v33, v6  }
0x54: {  	v44 =	vor.u32 $0x1200, v5;
	v43 =	vor.u32 v40, v3;
	v10 =	vld.idx.msk [tilespmem:v30+s21+$0x0], $0xffff  }
0x55: {  	v42 =	vor.u32 v40, v2;
	v41 =	vmul.f32 v31, v29;
	v11 =	vld.idx.msk [tilespmem:v35+s20+$0x0], $0xffff;
	v6 =	vadd.f32 v37, v6  }
0x56: {  	v50 =	vor.u32 $0x1280, v5;
	v47 =	vor.u32 v44, v2;
	v46 =	vld.idx.msk [tilespmem:v15+s21+$0x0], $0xffff  }
0x57: {  	v49 =	vor.u32 v44, v3;
	v48 =	vld.idx.msk [tilespmem:v39+s20+$0x0], $0xffff;
	v45 =	vmul.f32 v14, v34;
	v6 =	vadd.f32 v41, v6  }
0x58: {  	v53 =	vor.u32 v50, v2;
	v54 =	vor.u32 v50, v3;
	v52 =	vld.idx.msk [tilespmem:v17+s21+$0x0], $0xffff  }
0x59: {  	v5 =	vor.u32 $0x1300, v5;
	v55 =	vld.idx.msk [tilespmem:v43+s21+$0x0], $0xffff;
	v51 =	vmul.f32 v10, v38;
	v6 =	vadd.f32 v45, v6  }
0x5a: {  	v4 =	vor.u32 $0x1380, v4;
	v56 =	vor.u32 v5, v2;
	v9 =	vld.idx.msk [tilespmem:v42+s20+$0x0], $0xffff  }
0x5b: {  	v5 =	vor.u32 v5, v3;
	v57 =	vld.idx.msk [tilespmem:v47+s20+$0x0], $0xffff;
	v8 =	vmul.f32 v46, v11;
	v6 =	vadd.f32 v51, v6  }
0x5c: {  	v2 =	vor.u32 v4, v2;
	v58 =	vld.idx.msk [tilespmem:v49+s21+$0x0], $0xffff  }
0x5d: {  	v3 =	vor.u32 v4, v3;
	v61 =	vld.idx.msk [tilespmem:v54+s21+$0x0], $0xffff;
	v59 =	vmul.f32 v52, v48;
	v6 =	vadd.f32 v8, v6  }
0x5e: {  	v60 =	vld.idx.msk [tilespmem:v53+s20+$0x0], $0xffff  }
0x5f: {  	v62 =	vld.idx.msk [tilespmem:v56+s20+$0x0], $0xffff;
	v7 =	vmul.f32 v55, v9;
	v6 =	vadd.f32 v59, v6  }
0x60: {  	v5 =	vld.idx.msk [tilespmem:v5+s21+$0x0], $0xffff  }
0x61: {  	v2 =	vld.idx.msk [tilespmem:v2+s20+$0x0], $0xffff;
	v63 =	vmul.f32 v58, v57;
	v6 =	vadd.f32 v7, v6  }
0x62: {  	v3 =	vld.idx.msk [tilespmem:v3+s21+$0x0], $0xffff  }
0x63: {  	v4 =	vmul.f32 v61, v60;
	v6 =	vadd.f32 v63, v6;
	_ =	sdelay $0x1  }
0x64: {  	v5 =	vmul.f32 v5, v62;
	v4 =	vadd.f32 v4, v6;
	_ =	sdelay $0x1  }
0x65: {  	v2 =	vmul.f32 v3, v2;
	v4 =	vadd.f32 v5, v4;
	_ =	sdelay $0x1  }
0x66: {  	v2 =	vadd.f32 v2, v4;
	_ =	sdelay $0x1  }
0x67: {  	[tilespmem:s28+$0x49F0] =	vst v2  }
.LBB2_5:
0x68: {  	s26 =	sadd.s32 $0x40, s26  }
0x69: {  	p0 =	sne.s32 s26, $0x840  }
.Ltmp3:
0x6a: {  	_ = 	snop;
	(pc) =	sbr.rel @!p0 .LBB2_6-.Ltmp3, $2  }
0x6b: {  	_ =	sdelay $0x2  }
0x6c: {  	s25 =	sadd.s32 $0x800, s25;
	s24 =	sadd.s32 $0x100, s24  }
.LBB2_2:
0x6d: {  	p0 =	seq.s32 s26, $0x800  }
.Ltmp4:
0x6e: {  	_ = 	snop;
	(pc) =	sbr.rel @p0 .LBB2_4-.Ltmp4, $1  }
0x6f: {  	_ =	sdelay $0x3  }
0x70: {  	s29 =	sshra.s32 s26, $0x2  }
0x71: {  	v3 =	vld [tilespmem:s29+$0x0];
	_ =	sdelay $0x4  }
0x72: {  	(v2sf) =	vpush v3, $0x0;
	_ =	sdelay $0xe  }
0x73: {  	s28 =	spop (v2sf)  }
0x74: {  	s30 =	sshll.u32 s28, $0x3  }
0x75: {  	s28 =	sand.u32 $0x70, s28;
	s30 =	sand.u32 $0xFFFFFC00, s30  }
0x76: {  	s30 =	sor.u32 s28, s30  }
0x77: {  	s28 =	sand.u32 $0x800, s25;
	s30 =	sshrl.u32 s30, $0x3  }
0x78: {  	s31 =	sor.u32 $0x400, s28;
	s30 =	sadd.s32 s1, s30  }
0x79: {  	v2 =	vld [tilespmem:s29+$0x200];
	[tilespmem:s31], [sflag:$0x1] =	stream.linear.gather [hbm4b:s30+s6], $0x10, $0x38  }
0x7a: {  	s29 =	sadd.s32 $0x10, s30;
	s31 =	sor.u32 $0x480, s28  }
0x7b: {  	[tilespmem:s31], [sflag:$0x1] =	stream.linear.gather [hbm4b:s29+s6], $0x10, $0x38;
	[tilespmem:$0x4C00] =	vst v63  }
0x7c: {  	s29 =	sadd.s32 $0x20, s30;
	s31 =	sor.u32 $0x500, s28  }
0x7d: {  	[tilespmem:s31], [sflag:$0x1] =	stream.linear.gather [hbm4b:s29+s6], $0x10, $0x38;
	[tilespmem:$0x4C00] =	vst v63  }
0x7e: {  	s29 =	sadd.s32 $0x30, s30;
	s31 =	sor.u32 $0x580, s28  }
0x7f: {  	[tilespmem:s31], [sflag:$0x1] =	stream.linear.gather [hbm4b:s29+s6], $0x10, $0x38;
	[tilespmem:$0x4C00] =	vst v63  }
0x80: {  	s29 =	sadd.s32 $0x40, s30;
	s31 =	sor.u32 $0x600, s28  }
0x81: {  	[tilespmem:s31], [sflag:$0x1] =	stream.linear.gather [hbm4b:s29+s6], $0x10, $0x38;
	[tilespmem:$0x4C00] =	vst v63  }
0x82: {  	s29 =	sadd.s32 $0x50, s30;
	s31 =	sor.u32 $0x680, s28  }
0x83: {  	[tilespmem:s31], [sflag:$0x1] =	stream.linear.gather [hbm4b:s29+s6], $0x10, $0x38;
	[tilespmem:$0x4C00] =	vst v63  }
0x84: {  	s29 =	sadd.s32 $0x60, s30;
	s31 =	sor.u32 $0x700, s28  }
0x85: {  	[tilespmem:s31], [sflag:$0x1] =	stream.linear.gather [hbm4b:s29+s6], $0x10, $0x38;
	[tilespmem:$0x4C00] =	vst v63  }
0x86: {  	s29 =	sadd.s32 $0x70, s30;
	s31 =	sor.u32 $0x780, s28  }
0x87: {  	[tilespmem:s31], [sflag:$0x1] =	stream.linear.gather [hbm4b:s29+s6], $0x10, $0x38;
	[tilespmem:$0x4C00] =	vst v63  }
0x88: {  	s29 =	sadd.s32 $0xF4280, s30;
	s31 =	sor.u32 $0x1400, s28  }
0x89: {  	(v2sf) =	vpush v2, $0x0;
	[tilespmem:s31], [sflag:$0x1] =	stream.linear.gather [hbm4b:s29+s6], $0x10, $0x38;
	[tilespmem:$0x4C00] =	vst v63  }
0x8a: {  	s30 =	sadd.s32 $0x10, s29;
	s31 =	sor.u32 $0x1480, s28  }
0x8b: {  	[tilespmem:s31], [sflag:$0x1] =	stream.linear.gather [hbm4b:s30+s6], $0x10, $0x38;
	[tilespmem:$0x4C00] =	vst v63  }
0x8c: {  	s30 =	sadd.s32 $0x20, s29;
	s31 =	sor.u32 $0x1500, s28  }
0x8d: {  	[tilespmem:s31], [sflag:$0x1] =	stream.linear.gather [hbm4b:s30+s6], $0x10, $0x38;
	[tilespmem:$0x4C00] =	vst v63  }
0x8e: {  	s30 =	sadd.s32 $0x30, s29;
	s31 =	sor.u32 $0x1580, s28  }
0x8f: {  	[tilespmem:s31], [sflag:$0x1] =	stream.linear.gather [hbm4b:s30+s6], $0x10, $0x38;
	[tilespmem:$0x4C00] =	vst v63  }
0x90: {  	s30 =	sadd.s32 $0x40, s29;
	s31 =	sor.u32 $0x1600, s28  }
0x91: {  	[tilespmem:s31], [sflag:$0x1] =	stream.linear.gather [hbm4b:s30+s6], $0x10, $0x38;
	[tilespmem:$0x4C00] =	vst v63  }
0x92: {  	s30 =	sadd.s32 $0x50, s29;
	s31 =	sor.u32 $0x1680, s28  }
0x93: {  	[tilespmem:s31], [sflag:$0x1] =	stream.linear.gather [hbm4b:s30+s6], $0x10, $0x38;
	[tilespmem:$0x4C00] =	vst v63  }
0x94: {  	s30 =	sadd.s32 $0x60, s29;
	s31 =	sor.u32 $0x1700, s28  }
0x95: {  	[tilespmem:s31], [sflag:$0x1] =	stream.linear.gather [hbm4b:s30+s6], $0x10, $0x38;
	[tilespmem:$0x4C00] =	vst v63  }
0x96: {  	s29 =	sadd.s32 $0x70, s29;
	s31 =	sor.u32 $0x1780, s28  }
0x97: {  	[tilespmem:s31], [sflag:$0x1] =	stream.linear.gather [hbm4b:s29+s6], $0x10, $0x38;
	[tilespmem:$0x4C00] =	vst v63  }
0x98: {  	s29 =	spop (v2sf)  }
0x99: {  	s31 =	sshll.u32 s29, $0x3  }
0x9a: {  	s29 =	sand.u32 $0x70, s29;
	s30 =	sand.u32 $0xFFFFFC00, s31  }
0x9b: {  	s29 =	sor.u32 s29, s30  }
0x9c: {  	s29 =	sshrl.u32 s29, $0x3  }
0x9d: {  	s31 =	sor.u32 $0x2400, s28;
	s29 =	sadd.s32 s2, s29  }
0x9e: {  	[tilespmem:s31], [sflag:$0x1] =	stream.linear.gather [hbm4b:s29+s6], $0x10, $0x38;
	[tilespmem:$0x4C00] =	vst v63  }
0x9f: {  	s30 =	sadd.s32 $0x10, s29;
	s31 =	sor.u32 $0x2480, s28  }
0xa0: {  	[tilespmem:s31], [sflag:$0x1] =	stream.linear.gather [hbm4b:s30+s6], $0x10, $0x38;
	[tilespmem:$0x4C00] =	vst v63  }
0xa1: {  	s30 =	sadd.s32 $0x20, s29;
	s31 =	sor.u32 $0x2500, s28  }
0xa2: {  	[tilespmem:s31], [sflag:$0x1] =	stream.linear.gather [hbm4b:s30+s6], $0x10, $0x38;
	[tilespmem:$0x4C00] =	vst v63  }
0xa3: {  	s30 =	sadd.s32 $0x30, s29;
	s31 =	sor.u32 $0x2580, s28  }
0xa4: {  	[tilespmem:s31], [sflag:$0x1] =	stream.linear.gather [hbm4b:s30+s6], $0x10, $0x38;
	[tilespmem:$0x4C00] =	vst v63  }
0xa5: {  	s30 =	sadd.s32 $0x40, s29;
	s31 =	sor.u32 $0x2600, s28  }
0xa6: {  	[tilespmem:s31], [sflag:$0x1] =	stream.linear.gather [hbm4b:s30+s6], $0x10, $0x38;
	[tilespmem:$0x4C00] =	vst v63  }
0xa7: {  	s30 =	sadd.s32 $0x50, s29;
	s31 =	sor.u32 $0x2680, s28  }
0xa8: {  	[tilespmem:s31], [sflag:$0x1] =	stream.linear.gather [hbm4b:s30+s6], $0x10, $0x38;
	[tilespmem:$0x4C00] =	vst v63  }
0xa9: {  	s30 =	sadd.s32 $0x60, s29;
	s31 =	sor.u32 $0x2700, s28  }
0xaa: {  	[tilespmem:s31], [sflag:$0x1] =	stream.linear.gather [hbm4b:s30+s6], $0x10, $0x38;
	[tilespmem:$0x4C00] =	vst v63  }
0xab: {  	s30 =	sadd.s32 $0x70, s29;
	s31 =	sor.u32 $0x2780, s28  }
0xac: {  	[tilespmem:s31], [sflag:$0x1] =	stream.linear.gather [hbm4b:s30+s6], $0x10, $0x38;
	[tilespmem:$0x4C00] =	vst v63  }
0xad: {  	s29 =	sadd.s32 $0xF4280, s29;
	s31 =	sor.u32 $0x3400, s28  }
0xae: {  	(v2sf) =	vpush v3, $0x1;
	[tilespmem:s31], [sflag:$0x1] =	stream.linear.gather [hbm4b:s29+s6], $0x10, $0x38;
	[tilespmem:$0x4C00] =	vst v63  }
0xaf: {  	s30 =	sadd.s32 $0x10, s29;
	s31 =	sor.u32 $0x3480, s28  }
0xb0: {  	[tilespmem:s31], [sflag:$0x1] =	stream.linear.gather [hbm4b:s30+s6], $0x10, $0x38;
	[tilespmem:$0x4C00] =	vst v63  }
0xb1: {  	s30 =	sadd.s32 $0x20, s29;
	s31 =	sor.u32 $0x3500, s28  }
0xb2: {  	[tilespmem:s31], [sflag:$0x1] =	stream.linear.gather [hbm4b:s30+s6], $0x10, $0x38;
	[tilespmem:$0x4C00] =	vst v63  }
0xb3: {  	s30 =	sadd.s32 $0x30, s29;
	s31 =	sor.u32 $0x3580, s28  }
0xb4: {  	[tilespmem:s31], [sflag:$0x1] =	stream.linear.gather [hbm4b:s30+s6], $0x10, $0x38;
	[tilespmem:$0x4C00] =	vst v63  }
0xb5: {  	s30 =	sadd.s32 $0x40, s29;
	s31 =	sor.u32 $0x3600, s28  }
0xb6: {  	[tilespmem:s31], [sflag:$0x1] =	stream.linear.gather [hbm4b:s30+s6], $0x10, $0x38;
	[tilespmem:$0x4C00] =	vst v63  }
0xb7: {  	s30 =	sadd.s32 $0x50, s29;
	s31 =	sor.u32 $0x3680, s28  }
0xb8: {  	[tilespmem:s31], [sflag:$0x1] =	stream.linear.gather [hbm4b:s30+s6], $0x10, $0x38;
	[tilespmem:$0x4C00] =	vst v63  }
0xb9: {  	s30 =	sadd.s32 $0x60, s29;
	s31 =	sor.u32 $0x3700, s28  }
0xba: {  	[tilespmem:s31], [sflag:$0x1] =	stream.linear.gather [hbm4b:s30+s6], $0x10, $0x38;
	[tilespmem:$0x4C00] =	vst v63  }
0xbb: {  	s29 =	sadd.s32 $0x70, s29;
	s31 =	sor.u32 $0x3780, s28  }
0xbc: {  	[tilespmem:s31], [sflag:$0x1] =	stream.linear.gather [hbm4b:s29+s6], $0x10, $0x38;
	[tilespmem:$0x4C00] =	vst v63  }
0xbd: {  	s29 =	spop (v2sf)  }
0xbe: {  	s31 =	sshll.u32 s29, $0x3  }
0xbf: {  	s29 =	sand.u32 $0x70, s29;
	s30 =	sand.u32 $0xFFFFFC00, s31  }
0xc0: {  	s29 =	sor.u32 s29, s30  }
0xc1: {  	s29 =	sshrl.u32 s29, $0x3  }
0xc2: {  	s31 =	sor.u32 $0x410, s28;
	s29 =	sadd.s32 s1, s29  }
0xc3: {  	[tilespmem:s31], [sflag:$0x1] =	stream.linear.gather [hbm4b:s29+s6], $0x10, $0x38;
	[tilespmem:$0x4C00] =	vst v63  }
0xc4: {  	s30 =	sadd.s32 $0x10, s29;
	s31 =	sor.u32 $0x490, s28  }
0xc5: {  	[tilespmem:s31], [sflag:$0x1] =	stream.linear.gather [hbm4b:s30+s6], $0x10, $0x38;
	[tilespmem:$0x4C00] =	vst v63  }
0xc6: {  	s30 =	sadd.s32 $0x20, s29;
	s31 =	sor.u32 $0x510, s28  }
0xc7: {  	[tilespmem:s31], [sflag:$0x1] =	stream.linear.gather [hbm4b:s30+s6], $0x10, $0x38;
	[tilespmem:$0x4C00] =	vst v63  }
0xc8: {  	s30 =	sadd.s32 $0x30, s29;
	s31 =	sor.u32 $0x590, s28  }
0xc9: {  	[tilespmem:s31], [sflag:$0x1] =	stream.linear.gather [hbm4b:s30+s6], $0x10, $0x38;
	[tilespmem:$0x4C00] =	vst v63  }
0xca: {  	s30 =	sadd.s32 $0x40, s29;
	s31 =	sor.u32 $0x610, s28  }
0xcb: {  	[tilespmem:s31], [sflag:$0x1] =	stream.linear.gather [hbm4b:s30+s6], $0x10, $0x38;
	[tilespmem:$0x4C00] =	vst v63  }
0xcc: {  	s30 =	sadd.s32 $0x50, s29;
	s31 =	sor.u32 $0x690, s28  }
0xcd: {  	[tilespmem:s31], [sflag:$0x1] =	stream.linear.gather [hbm4b:s30+s6], $0x10, $0x38;
	[tilespmem:$0x4C00] =	vst v63  }
0xce: {  	s30 =	sadd.s32 $0x60, s29;
	s31 =	sor.u32 $0x710, s28  }
0xcf: {  	[tilespmem:s31], [sflag:$0x1] =	stream.linear.gather [hbm4b:s30+s6], $0x10, $0x38;
	[tilespmem:$0x4C00] =	vst v63  }
0xd0: {  	s30 =	sadd.s32 $0x70, s29;
	s31 =	sor.u32 $0x790, s28  }
0xd1: {  	[tilespmem:s31], [sflag:$0x1] =	stream.linear.gather [hbm4b:s30+s6], $0x10, $0x38;
	[tilespmem:$0x4C00] =	vst v63  }
0xd2: {  	s29 =	sadd.s32 $0xF4280, s29;
	s31 =	sor.u32 $0x1410, s28  }
0xd3: {  	(v2sf) =	vpush v2, $0x1;
	[tilespmem:s31], [sflag:$0x1] =	stream.linear.gather [hbm4b:s29+s6], $0x10, $0x38;
	[tilespmem:$0x4C00] =	vst v63  }
0xd4: {  	s30 =	sadd.s32 $0x10, s29;
	s31 =	sor.u32 $0x1490, s28  }
0xd5: {  	[tilespmem:s31], [sflag:$0x1] =	stream.linear.gather [hbm4b:s30+s6], $0x10, $0x38;
	[tilespmem:$0x4C00] =	vst v63  }
0xd6: {  	s30 =	sadd.s32 $0x20, s29;
	s31 =	sor.u32 $0x1510, s28  }
0xd7: {  	[tilespmem:s31], [sflag:$0x1] =	stream.linear.gather [hbm4b:s30+s6], $0x10, $0x38;
	[tilespmem:$0x4C00] =	vst v63  }
0xd8: {  	s30 =	sadd.s32 $0x30, s29;
	s31 =	sor.u32 $0x1590, s28  }
0xd9: {  	[tilespmem:s31], [sflag:$0x1] =	stream.linear.gather [hbm4b:s30+s6], $0x10, $0x38;
	[tilespmem:$0x4C00] =	vst v63  }
0xda: {  	s30 =	sadd.s32 $0x40, s29;
	s31 =	sor.u32 $0x1610, s28  }
0xdb: {  	[tilespmem:s31], [sflag:$0x1] =	stream.linear.gather [hbm4b:s30+s6], $0x10, $0x38;
	[tilespmem:$0x4C00] =	vst v63  }
0xdc: {  	s30 =	sadd.s32 $0x50, s29;
	s31 =	sor.u32 $0x1690, s28  }
0xdd: {  	[tilespmem:s31], [sflag:$0x1] =	stream.linear.gather [hbm4b:s30+s6], $0x10, $0x38;
	[tilespmem:$0x4C00] =	vst v63  }
0xde: {  	s30 =	sadd.s32 $0x60, s29;
	s31 =	sor.u32 $0x1710, s28  }
0xdf: {  	[tilespmem:s31], [sflag:$0x1] =	stream.linear.gather [hbm4b:s30+s6], $0x10, $0x38;
	[tilespmem:$0x4C00] =	vst v63  }
0xe0: {  	s29 =	sadd.s32 $0x70, s29;
	s31 =	sor.u32 $0x1790, s28  }
0xe1: {  	[tilespmem:s31], [sflag:$0x1] =	stream.linear.gather [hbm4b:s29+s6], $0x10, $0x38;
	[tilespmem:$0x4C00] =	vst v63  }
0xe2: {  	s29 =	spop (v2sf)  }
0xe3: {  	s31 =	sshll.u32 s29, $0x3  }
0xe4: {  	s29 =	sand.u32 $0x70, s29;
	s30 =	sand.u32 $0xFFFFFC00, s31  }
0xe5: {  	s29 =	sor.u32 s29, s30  }
0xe6: {  	s29 =	sshrl.u32 s29, $0x3  }
0xe7: {  	s31 =	sor.u32 $0x2410, s28;
	s29 =	sadd.s32 s2, s29  }
0xe8: {  	[tilespmem:s31], [sflag:$0x1] =	stream.linear.gather [hbm4b:s29+s6], $0x10, $0x38;
	[tilespmem:$0x4C00] =	vst v63  }
0xe9: {  	s30 =	sadd.s32 $0x10, s29;
	s31 =	sor.u32 $0x2490, s28  }
0xea: {  	[tilespmem:s31], [sflag:$0x1] =	stream.linear.gather [hbm4b:s30+s6], $0x10, $0x38;
	[tilespmem:$0x4C00] =	vst v63  }
0xeb: {  	s30 =	sadd.s32 $0x20, s29;
	s31 =	sor.u32 $0x2510, s28  }
0xec: {  	[tilespmem:s31], [sflag:$0x1] =	stream.linear.gather [hbm4b:s30+s6], $0x10, $0x38;
	[tilespmem:$0x4C00] =	vst v63  }
0xed: {  	s30 =	sadd.s32 $0x30, s29;
	s31 =	sor.u32 $0x2590, s28  }
0xee: {  	[tilespmem:s31], [sflag:$0x1] =	stream.linear.gather [hbm4b:s30+s6], $0x10, $0x38;
	[tilespmem:$0x4C00] =	vst v63  }
0xef: {  	s30 =	sadd.s32 $0x40, s29;
	s31 =	sor.u32 $0x2610, s28  }
0xf0: {  	[tilespmem:s31], [sflag:$0x1] =	stream.linear.gather [hbm4b:s30+s6], $0x10, $0x38;
	[tilespmem:$0x4C00] =	vst v63  }
0xf1: {  	s30 =	sadd.s32 $0x50, s29;
	s31 =	sor.u32 $0x2690, s28  }
0xf2: {  	[tilespmem:s31], [sflag:$0x1] =	stream.linear.gather [hbm4b:s30+s6], $0x10, $0x38;
	[tilespmem:$0x4C00] =	vst v63  }
0xf3: {  	s30 =	sadd.s32 $0x60, s29;
	s31 =	sor.u32 $0x2710, s28  }
0xf4: {  	[tilespmem:s31], [sflag:$0x1] =	stream.linear.gather [hbm4b:s30+s6], $0x10, $0x38;
	[tilespmem:$0x4C00] =	vst v63  }
0xf5: {  	s30 =	sadd.s32 $0x70, s29;
	s31 =	sor.u32 $0x2790, s28  }
0xf6: {  	[tilespmem:s31], [sflag:$0x1] =	stream.linear.gather [hbm4b:s30+s6], $0x10, $0x38;
	[tilespmem:$0x4C00] =	vst v63  }
0xf7: {  	s29 =	sadd.s32 $0xF4280, s29;
	s31 =	sor.u32 $0x3410, s28  }
0xf8: {  	(v2sf) =	vpush v3, $0x2;
	[tilespmem:s31], [sflag:$0x1] =	stream.linear.gather [hbm4b:s29+s6], $0x10, $0x38;
	[tilespmem:$0x4C00] =	vst v63  }
0xf9: {  	s30 =	sadd.s32 $0x10, s29;
	s31 =	sor.u32 $0x3490, s28  }
0xfa: {  	[tilespmem:s31], [sflag:$0x1] =	stream.linear.gather [hbm4b:s30+s6], $0x10, $0x38;
	[tilespmem:$0x4C00] =	vst v63  }
0xfb: {  	s30 =	sadd.s32 $0x20, s29;
	s31 =	sor.u32 $0x3510, s28  }
0xfc: {  	[tilespmem:s31], [sflag:$0x1] =	stream.linear.gather [hbm4b:s30+s6], $0x10, $0x38;
	[tilespmem:$0x4C00] =	vst v63  }
0xfd: {  	s30 =	sadd.s32 $0x30, s29;
	s31 =	sor.u32 $0x3590, s28  }
0xfe: {  	[tilespmem:s31], [sflag:$0x1] =	stream.linear.gather [hbm4b:s30+s6], $0x10, $0x38;
	[tilespmem:$0x4C00] =	vst v63  }
0xff: {  	s30 =	sadd.s32 $0x40, s29;
	s31 =	sor.u32 $0x3610, s28  }
0x100: {  	[tilespmem:s31], [sflag:$0x1] =	stream.linear.gather [hbm4b:s30+s6], $0x10, $0x38;
	[tilespmem:$0x4C00] =	vst v63  }
0x101: {  	s30 =	sadd.s32 $0x50, s29;
	s31 =	sor.u32 $0x3690, s28  }
0x102: {  	[tilespmem:s31], [sflag:$0x1] =	stream.linear.gather [hbm4b:s30+s6], $0x10, $0x38;
	[tilespmem:$0x4C00] =	vst v63  }
0x103: {  	s30 =	sadd.s32 $0x60, s29;
	s31 =	sor.u32 $0x3710, s28  }
0x104: {  	[tilespmem:s31], [sflag:$0x1] =	stream.linear.gather [hbm4b:s30+s6], $0x10, $0x38;
	[tilespmem:$0x4C00] =	vst v63  }
0x105: {  	s29 =	sadd.s32 $0x70, s29;
	s31 =	sor.u32 $0x3790, s28  }
0x106: {  	[tilespmem:s31], [sflag:$0x1] =	stream.linear.gather [hbm4b:s29+s6], $0x10, $0x38;
	[tilespmem:$0x4C00] =	vst v63  }
0x107: {  	s29 =	spop (v2sf)  }
0x108: {  	s31 =	sshll.u32 s29, $0x3  }
0x109: {  	s29 =	sand.u32 $0x70, s29;
	s30 =	sand.u32 $0xFFFFFC00, s31  }
0x10a: {  	s29 =	sor.u32 s29, s30  }
0x10b: {  	s29 =	sshrl.u32 s29, $0x3  }
0x10c: {  	s31 =	sor.u32 $0x420, s28;
	s29 =	sadd.s32 s1, s29  }
0x10d: {  	[tilespmem:s31], [sflag:$0x1] =	stream.linear.gather [hbm4b:s29+s6], $0x10, $0x38;
	[tilespmem:$0x4C00] =	vst v63  }
0x10e: {  	s30 =	sadd.s32 $0x10, s29;
	s31 =	sor.u32 $0x4A0, s28  }
0x10f: {  	[tilespmem:s31], [sflag:$0x1] =	stream.linear.gather [hbm4b:s30+s6], $0x10, $0x38;
	[tilespmem:$0x4C00] =	vst v63  }
0x110: {  	s30 =	sadd.s32 $0x20, s29;
	s31 =	sor.u32 $0x520, s28  }
0x111: {  	[tilespmem:s31], [sflag:$0x1] =	stream.linear.gather [hbm4b:s30+s6], $0x10, $0x38;
	[tilespmem:$0x4C00] =	vst v63  }
0x112: {  	s30 =	sadd.s32 $0x30, s29;
	s31 =	sor.u32 $0x5A0, s28  }
0x113: {  	[tilespmem:s31], [sflag:$0x1] =	stream.linear.gather [hbm4b:s30+s6], $0x10, $0x38;
	[tilespmem:$0x4C00] =	vst v63  }
0x114: {  	s30 =	sadd.s32 $0x40, s29;
	s31 =	sor.u32 $0x620, s28  }
0x115: {  	[tilespmem:s31], [sflag:$0x1] =	stream.linear.gather [hbm4b:s30+s6], $0x10, $0x38;
	[tilespmem:$0x4C00] =	vst v63  }
0x116: {  	s30 =	sadd.s32 $0x50, s29;
	s31 =	sor.u32 $0x6A0, s28  }
0x117: {  	[tilespmem:s31], [sflag:$0x1] =	stream.linear.gather [hbm4b:s30+s6], $0x10, $0x38;
	[tilespmem:$0x4C00] =	vst v63  }
0x118: {  	s30 =	sadd.s32 $0x60, s29;
	s31 =	sor.u32 $0x720, s28  }
0x119: {  	[tilespmem:s31], [sflag:$0x1] =	stream.linear.gather [hbm4b:s30+s6], $0x10, $0x38;
	[tilespmem:$0x4C00] =	vst v63  }
0x11a: {  	s30 =	sadd.s32 $0x70, s29;
	s31 =	sor.u32 $0x7A0, s28  }
0x11b: {  	[tilespmem:s31], [sflag:$0x1] =	stream.linear.gather [hbm4b:s30+s6], $0x10, $0x38;
	[tilespmem:$0x4C00] =	vst v63  }
0x11c: {  	s29 =	sadd.s32 $0xF4280, s29;
	s31 =	sor.u32 $0x1420, s28  }
0x11d: {  	(v2sf) =	vpush v2, $0x2;
	[tilespmem:s31], [sflag:$0x1] =	stream.linear.gather [hbm4b:s29+s6], $0x10, $0x38;
	[tilespmem:$0x4C00] =	vst v63  }
0x11e: {  	s30 =	sadd.s32 $0x10, s29;
	s31 =	sor.u32 $0x14A0, s28  }
0x11f: {  	[tilespmem:s31], [sflag:$0x1] =	stream.linear.gather [hbm4b:s30+s6], $0x10, $0x38;
	[tilespmem:$0x4C00] =	vst v63  }
0x120: {  	s30 =	sadd.s32 $0x20, s29;
	s31 =	sor.u32 $0x1520, s28  }
0x121: {  	[tilespmem:s31], [sflag:$0x1] =	stream.linear.gather [hbm4b:s30+s6], $0x10, $0x38;
	[tilespmem:$0x4C00] =	vst v63  }
0x122: {  	s30 =	sadd.s32 $0x30, s29;
	s31 =	sor.u32 $0x15A0, s28  }
0x123: {  	[tilespmem:s31], [sflag:$0x1] =	stream.linear.gather [hbm4b:s30+s6], $0x10, $0x38;
	[tilespmem:$0x4C00] =	vst v63  }
0x124: {  	s30 =	sadd.s32 $0x40, s29;
	s31 =	sor.u32 $0x1620, s28  }
0x125: {  	[tilespmem:s31], [sflag:$0x1] =	stream.linear.gather [hbm4b:s30+s6], $0x10, $0x38;
	[tilespmem:$0x4C00] =	vst v63  }
0x126: {  	s30 =	sadd.s32 $0x50, s29;
	s31 =	sor.u32 $0x16A0, s28  }
0x127: {  	[tilespmem:s31], [sflag:$0x1] =	stream.linear.gather [hbm4b:s30+s6], $0x10, $0x38;
	[tilespmem:$0x4C00] =	vst v63  }
0x128: {  	s30 =	sadd.s32 $0x60, s29;
	s31 =	sor.u32 $0x1720, s28  }
0x129: {  	[tilespmem:s31], [sflag:$0x1] =	stream.linear.gather [hbm4b:s30+s6], $0x10, $0x38;
	[tilespmem:$0x4C00] =	vst v63  }
0x12a: {  	s29 =	sadd.s32 $0x70, s29;
	s31 =	sor.u32 $0x17A0, s28  }
0x12b: {  	[tilespmem:s31], [sflag:$0x1] =	stream.linear.gather [hbm4b:s29+s6], $0x10, $0x38;
	[tilespmem:$0x4C00] =	vst v63  }
0x12c: {  	s29 =	spop (v2sf)  }
0x12d: {  	s31 =	sshll.u32 s29, $0x3  }
0x12e: {  	s29 =	sand.u32 $0x70, s29;
	s30 =	sand.u32 $0xFFFFFC00, s31  }
0x12f: {  	s29 =	sor.u32 s29, s30  }
0x130: {  	s29 =	sshrl.u32 s29, $0x3  }
0x131: {  	s31 =	sor.u32 $0x2420, s28;
	s29 =	sadd.s32 s2, s29  }
0x132: {  	[tilespmem:s31], [sflag:$0x1] =	stream.linear.gather [hbm4b:s29+s6], $0x10, $0x38;
	[tilespmem:$0x4C00] =	vst v63  }
0x133: {  	s30 =	sadd.s32 $0x10, s29;
	s31 =	sor.u32 $0x24A0, s28  }
0x134: {  	[tilespmem:s31], [sflag:$0x1] =	stream.linear.gather [hbm4b:s30+s6], $0x10, $0x38;
	[tilespmem:$0x4C00] =	vst v63  }
0x135: {  	s30 =	sadd.s32 $0x20, s29;
	s31 =	sor.u32 $0x2520, s28  }
0x136: {  	[tilespmem:s31], [sflag:$0x1] =	stream.linear.gather [hbm4b:s30+s6], $0x10, $0x38;
	[tilespmem:$0x4C00] =	vst v63  }
0x137: {  	s30 =	sadd.s32 $0x30, s29;
	s31 =	sor.u32 $0x25A0, s28  }
0x138: {  	[tilespmem:s31], [sflag:$0x1] =	stream.linear.gather [hbm4b:s30+s6], $0x10, $0x38;
	[tilespmem:$0x4C00] =	vst v63  }
0x139: {  	s30 =	sadd.s32 $0x40, s29;
	s31 =	sor.u32 $0x2620, s28  }
0x13a: {  	[tilespmem:s31], [sflag:$0x1] =	stream.linear.gather [hbm4b:s30+s6], $0x10, $0x38;
	[tilespmem:$0x4C00] =	vst v63  }
0x13b: {  	s30 =	sadd.s32 $0x50, s29;
	s31 =	sor.u32 $0x26A0, s28  }
0x13c: {  	[tilespmem:s31], [sflag:$0x1] =	stream.linear.gather [hbm4b:s30+s6], $0x10, $0x38;
	[tilespmem:$0x4C00] =	vst v63  }
0x13d: {  	s30 =	sadd.s32 $0x60, s29;
	s31 =	sor.u32 $0x2720, s28  }
0x13e: {  	[tilespmem:s31], [sflag:$0x1] =	stream.linear.gather [hbm4b:s30+s6], $0x10, $0x38;
	[tilespmem:$0x4C00] =	vst v63  }
0x13f: {  	s30 =	sadd.s32 $0x70, s29;
	s31 =	sor.u32 $0x27A0, s28  }
0x140: {  	[tilespmem:s31], [sflag:$0x1] =	stream.linear.gather [hbm4b:s30+s6], $0x10, $0x38;
	[tilespmem:$0x4C00] =	vst v63  }
0x141: {  	s29 =	sadd.s32 $0xF4280, s29;
	s31 =	sor.u32 $0x3420, s28  }
0x142: {  	(v2sf) =	vpush v3, $0x3;
	[tilespmem:s31], [sflag:$0x1] =	stream.linear.gather [hbm4b:s29+s6], $0x10, $0x38;
	[tilespmem:$0x4C00] =	vst v63  }
0x143: {  	s30 =	sadd.s32 $0x10, s29;
	s31 =	sor.u32 $0x34A0, s28  }
0x144: {  	[tilespmem:s31], [sflag:$0x1] =	stream.linear.gather [hbm4b:s30+s6], $0x10, $0x38;
	[tilespmem:$0x4C00] =	vst v63  }
0x145: {  	s30 =	sadd.s32 $0x20, s29;
	s31 =	sor.u32 $0x3520, s28  }
0x146: {  	[tilespmem:s31], [sflag:$0x1] =	stream.linear.gather [hbm4b:s30+s6], $0x10, $0x38;
	[tilespmem:$0x4C00] =	vst v63  }
0x147: {  	s30 =	sadd.s32 $0x30, s29;
	s31 =	sor.u32 $0x35A0, s28  }
0x148: {  	[tilespmem:s31], [sflag:$0x1] =	stream.linear.gather [hbm4b:s30+s6], $0x10, $0x38;
	[tilespmem:$0x4C00] =	vst v63  }
0x149: {  	s30 =	sadd.s32 $0x40, s29;
	s31 =	sor.u32 $0x3620, s28  }
0x14a: {  	[tilespmem:s31], [sflag:$0x1] =	stream.linear.gather [hbm4b:s30+s6], $0x10, $0x38;
	[tilespmem:$0x4C00] =	vst v63  }
0x14b: {  	s30 =	sadd.s32 $0x50, s29;
	s31 =	sor.u32 $0x36A0, s28  }
0x14c: {  	[tilespmem:s31], [sflag:$0x1] =	stream.linear.gather [hbm4b:s30+s6], $0x10, $0x38;
	[tilespmem:$0x4C00] =	vst v63  }
0x14d: {  	s30 =	sadd.s32 $0x60, s29;
	s31 =	sor.u32 $0x3720, s28  }
0x14e: {  	[tilespmem:s31], [sflag:$0x1] =	stream.linear.gather [hbm4b:s30+s6], $0x10, $0x38;
	[tilespmem:$0x4C00] =	vst v63  }
0x14f: {  	s29 =	sadd.s32 $0x70, s29;
	s31 =	sor.u32 $0x37A0, s28  }
0x150: {  	[tilespmem:s31], [sflag:$0x1] =	stream.linear.gather [hbm4b:s29+s6], $0x10, $0x38;
	[tilespmem:$0x4C00] =	vst v63  }
0x151: {  	s29 =	spop (v2sf)  }
0x152: {  	s31 =	sshll.u32 s29, $0x3  }
0x153: {  	s29 =	sand.u32 $0x70, s29;
	s30 =	sand.u32 $0xFFFFFC00, s31  }
0x154: {  	s29 =	sor.u32 s29, s30  }
0x155: {  	s29 =	sshrl.u32 s29, $0x3  }
0x156: {  	s31 =	sor.u32 $0x430, s28;
	s29 =	sadd.s32 s1, s29  }
0x157: {  	[tilespmem:s31], [sflag:$0x1] =	stream.linear.gather [hbm4b:s29+s6], $0x10, $0x38;
	[tilespmem:$0x4C00] =	vst v63  }
0x158: {  	s30 =	sadd.s32 $0x10, s29;
	s31 =	sor.u32 $0x4B0, s28  }
0x159: {  	[tilespmem:s31], [sflag:$0x1] =	stream.linear.gather [hbm4b:s30+s6], $0x10, $0x38;
	[tilespmem:$0x4C00] =	vst v63  }
0x15a: {  	s30 =	sadd.s32 $0x20, s29;
	s31 =	sor.u32 $0x530, s28  }
0x15b: {  	[tilespmem:s31], [sflag:$0x1] =	stream.linear.gather [hbm4b:s30+s6], $0x10, $0x38;
	[tilespmem:$0x4C00] =	vst v63  }
0x15c: {  	s30 =	sadd.s32 $0x30, s29;
	s31 =	sor.u32 $0x5B0, s28  }
0x15d: {  	[tilespmem:s31], [sflag:$0x1] =	stream.linear.gather [hbm4b:s30+s6], $0x10, $0x38;
	[tilespmem:$0x4C00] =	vst v63  }
0x15e: {  	s30 =	sadd.s32 $0x40, s29;
	s31 =	sor.u32 $0x630, s28  }
0x15f: {  	[tilespmem:s31], [sflag:$0x1] =	stream.linear.gather [hbm4b:s30+s6], $0x10, $0x38;
	[tilespmem:$0x4C00] =	vst v63  }
0x160: {  	s30 =	sadd.s32 $0x50, s29;
	s31 =	sor.u32 $0x6B0, s28  }
0x161: {  	[tilespmem:s31], [sflag:$0x1] =	stream.linear.gather [hbm4b:s30+s6], $0x10, $0x38;
	[tilespmem:$0x4C00] =	vst v63  }
0x162: {  	s30 =	sadd.s32 $0x60, s29;
	s31 =	sor.u32 $0x730, s28  }
0x163: {  	[tilespmem:s31], [sflag:$0x1] =	stream.linear.gather [hbm4b:s30+s6], $0x10, $0x38;
	[tilespmem:$0x4C00] =	vst v63  }
0x164: {  	s30 =	sadd.s32 $0x70, s29;
	s31 =	sor.u32 $0x7B0, s28  }
0x165: {  	[tilespmem:s31], [sflag:$0x1] =	stream.linear.gather [hbm4b:s30+s6], $0x10, $0x38;
	[tilespmem:$0x4C00] =	vst v63  }
0x166: {  	s29 =	sadd.s32 $0xF4280, s29;
	s31 =	sor.u32 $0x1430, s28  }
0x167: {  	(v2sf) =	vpush v2, $0x3;
	[tilespmem:s31], [sflag:$0x1] =	stream.linear.gather [hbm4b:s29+s6], $0x10, $0x38;
	[tilespmem:$0x4C00] =	vst v63  }
0x168: {  	s30 =	sadd.s32 $0x10, s29;
	s31 =	sor.u32 $0x14B0, s28  }
0x169: {  	[tilespmem:s31], [sflag:$0x1] =	stream.linear.gather [hbm4b:s30+s6], $0x10, $0x38;
	[tilespmem:$0x4C00] =	vst v63  }
0x16a: {  	s30 =	sadd.s32 $0x20, s29;
	s31 =	sor.u32 $0x1530, s28  }
0x16b: {  	[tilespmem:s31], [sflag:$0x1] =	stream.linear.gather [hbm4b:s30+s6], $0x10, $0x38;
	[tilespmem:$0x4C00] =	vst v63  }
0x16c: {  	s30 =	sadd.s32 $0x30, s29;
	s31 =	sor.u32 $0x15B0, s28  }
0x16d: {  	[tilespmem:s31], [sflag:$0x1] =	stream.linear.gather [hbm4b:s30+s6], $0x10, $0x38;
	[tilespmem:$0x4C00] =	vst v63  }
0x16e: {  	s30 =	sadd.s32 $0x40, s29;
	s31 =	sor.u32 $0x1630, s28  }
0x16f: {  	[tilespmem:s31], [sflag:$0x1] =	stream.linear.gather [hbm4b:s30+s6], $0x10, $0x38;
	[tilespmem:$0x4C00] =	vst v63  }
0x170: {  	s30 =	sadd.s32 $0x50, s29;
	s31 =	sor.u32 $0x16B0, s28  }
0x171: {  	[tilespmem:s31], [sflag:$0x1] =	stream.linear.gather [hbm4b:s30+s6], $0x10, $0x38;
	[tilespmem:$0x4C00] =	vst v63  }
0x172: {  	s30 =	sadd.s32 $0x60, s29;
	s31 =	sor.u32 $0x1730, s28  }
0x173: {  	[tilespmem:s31], [sflag:$0x1] =	stream.linear.gather [hbm4b:s30+s6], $0x10, $0x38;
	[tilespmem:$0x4C00] =	vst v63  }
0x174: {  	s29 =	sadd.s32 $0x70, s29;
	s31 =	sor.u32 $0x17B0, s28  }
0x175: {  	[tilespmem:s31], [sflag:$0x1] =	stream.linear.gather [hbm4b:s29+s6], $0x10, $0x38;
	[tilespmem:$0x4C00] =	vst v63  }
0x176: {  	s29 =	spop (v2sf)  }
0x177: {  	s31 =	sshll.u32 s29, $0x3  }
0x178: {  	s29 =	sand.u32 $0x70, s29;
	s30 =	sand.u32 $0xFFFFFC00, s31  }
0x179: {  	s29 =	sor.u32 s29, s30  }
0x17a: {  	s29 =	sshrl.u32 s29, $0x3  }
0x17b: {  	s31 =	sor.u32 $0x2430, s28;
	s29 =	sadd.s32 s2, s29  }
0x17c: {  	[tilespmem:s31], [sflag:$0x1] =	stream.linear.gather [hbm4b:s29+s6], $0x10, $0x38;
	[tilespmem:$0x4C00] =	vst v63  }
0x17d: {  	s30 =	sadd.s32 $0x10, s29;
	s31 =	sor.u32 $0x24B0, s28  }
0x17e: {  	[tilespmem:s31], [sflag:$0x1] =	stream.linear.gather [hbm4b:s30+s6], $0x10, $0x38;
	[tilespmem:$0x4C00] =	vst v63  }
0x17f: {  	s30 =	sadd.s32 $0x20, s29;
	s31 =	sor.u32 $0x2530, s28  }
0x180: {  	[tilespmem:s31], [sflag:$0x1] =	stream.linear.gather [hbm4b:s30+s6], $0x10, $0x38;
	[tilespmem:$0x4C00] =	vst v63  }
0x181: {  	s30 =	sadd.s32 $0x30, s29;
	s31 =	sor.u32 $0x25B0, s28  }
0x182: {  	[tilespmem:s31], [sflag:$0x1] =	stream.linear.gather [hbm4b:s30+s6], $0x10, $0x38;
	[tilespmem:$0x4C00] =	vst v63  }
0x183: {  	s30 =	sadd.s32 $0x40, s29;
	s31 =	sor.u32 $0x2630, s28  }
0x184: {  	[tilespmem:s31], [sflag:$0x1] =	stream.linear.gather [hbm4b:s30+s6], $0x10, $0x38;
	[tilespmem:$0x4C00] =	vst v63  }
0x185: {  	s30 =	sadd.s32 $0x50, s29;
	s31 =	sor.u32 $0x26B0, s28  }
0x186: {  	[tilespmem:s31], [sflag:$0x1] =	stream.linear.gather [hbm4b:s30+s6], $0x10, $0x38;
	[tilespmem:$0x4C00] =	vst v63  }
0x187: {  	s30 =	sadd.s32 $0x60, s29;
	s31 =	sor.u32 $0x2730, s28  }
0x188: {  	[tilespmem:s31], [sflag:$0x1] =	stream.linear.gather [hbm4b:s30+s6], $0x10, $0x38;
	[tilespmem:$0x4C00] =	vst v63  }
0x189: {  	s30 =	sadd.s32 $0x70, s29;
	s31 =	sor.u32 $0x27B0, s28  }
0x18a: {  	[tilespmem:s31], [sflag:$0x1] =	stream.linear.gather [hbm4b:s30+s6], $0x10, $0x38;
	[tilespmem:$0x4C00] =	vst v63  }
0x18b: {  	s29 =	sadd.s32 $0xF4280, s29;
	s31 =	sor.u32 $0x3430, s28  }
0x18c: {  	(v2sf) =	vpush v3, $0x4;
	[tilespmem:s31], [sflag:$0x1] =	stream.linear.gather [hbm4b:s29+s6], $0x10, $0x38;
	[tilespmem:$0x4C00] =	vst v63  }
0x18d: {  	s30 =	sadd.s32 $0x10, s29;
	s31 =	sor.u32 $0x34B0, s28  }
0x18e: {  	[tilespmem:s31], [sflag:$0x1] =	stream.linear.gather [hbm4b:s30+s6], $0x10, $0x38;
	[tilespmem:$0x4C00] =	vst v63  }
0x18f: {  	s30 =	sadd.s32 $0x20, s29;
	s31 =	sor.u32 $0x3530, s28  }
0x190: {  	[tilespmem:s31], [sflag:$0x1] =	stream.linear.gather [hbm4b:s30+s6], $0x10, $0x38;
	[tilespmem:$0x4C00] =	vst v63  }
0x191: {  	s30 =	sadd.s32 $0x30, s29;
	s31 =	sor.u32 $0x35B0, s28  }
0x192: {  	[tilespmem:s31], [sflag:$0x1] =	stream.linear.gather [hbm4b:s30+s6], $0x10, $0x38;
	[tilespmem:$0x4C00] =	vst v63  }
0x193: {  	s30 =	sadd.s32 $0x40, s29;
	s31 =	sor.u32 $0x3630, s28  }
0x194: {  	[tilespmem:s31], [sflag:$0x1] =	stream.linear.gather [hbm4b:s30+s6], $0x10, $0x38;
	[tilespmem:$0x4C00] =	vst v63  }
0x195: {  	s30 =	sadd.s32 $0x50, s29;
	s31 =	sor.u32 $0x36B0, s28  }
0x196: {  	[tilespmem:s31], [sflag:$0x1] =	stream.linear.gather [hbm4b:s30+s6], $0x10, $0x38;
	[tilespmem:$0x4C00] =	vst v63  }
0x197: {  	s30 =	sadd.s32 $0x60, s29;
	s31 =	sor.u32 $0x3730, s28  }
0x198: {  	[tilespmem:s31], [sflag:$0x1] =	stream.linear.gather [hbm4b:s30+s6], $0x10, $0x38;
	[tilespmem:$0x4C00] =	vst v63  }
0x199: {  	s29 =	sadd.s32 $0x70, s29;
	s31 =	sor.u32 $0x37B0, s28  }
0x19a: {  	[tilespmem:s31], [sflag:$0x1] =	stream.linear.gather [hbm4b:s29+s6], $0x10, $0x38;
	[tilespmem:$0x4C00] =	vst v63  }
0x19b: {  	s29 =	spop (v2sf)  }
0x19c: {  	s31 =	sshll.u32 s29, $0x3  }
0x19d: {  	s29 =	sand.u32 $0x70, s29;
	s30 =	sand.u32 $0xFFFFFC00, s31  }
0x19e: {  	s29 =	sor.u32 s29, s30  }
0x19f: {  	s29 =	sshrl.u32 s29, $0x3  }
0x1a0: {  	s31 =	sor.u32 $0x440, s28;
	s29 =	sadd.s32 s1, s29  }
0x1a1: {  	[tilespmem:s31], [sflag:$0x1] =	stream.linear.gather [hbm4b:s29+s6], $0x10, $0x38;
	[tilespmem:$0x4C00] =	vst v63  }
0x1a2: {  	s30 =	sadd.s32 $0x10, s29;
	s31 =	sor.u32 $0x4C0, s28  }
0x1a3: {  	[tilespmem:s31], [sflag:$0x1] =	stream.linear.gather [hbm4b:s30+s6], $0x10, $0x38;
	[tilespmem:$0x4C00] =	vst v63  }
0x1a4: {  	s30 =	sadd.s32 $0x20, s29;
	s31 =	sor.u32 $0x540, s28  }
0x1a5: {  	[tilespmem:s31], [sflag:$0x1] =	stream.linear.gather [hbm4b:s30+s6], $0x10, $0x38;
	[tilespmem:$0x4C00] =	vst v63  }
0x1a6: {  	s30 =	sadd.s32 $0x30, s29;
	s31 =	sor.u32 $0x5C0, s28  }
0x1a7: {  	[tilespmem:s31], [sflag:$0x1] =	stream.linear.gather [hbm4b:s30+s6], $0x10, $0x38;
	[tilespmem:$0x4C00] =	vst v63  }
0x1a8: {  	s30 =	sadd.s32 $0x40, s29;
	s31 =	sor.u32 $0x640, s28  }
0x1a9: {  	[tilespmem:s31], [sflag:$0x1] =	stream.linear.gather [hbm4b:s30+s6], $0x10, $0x38;
	[tilespmem:$0x4C00] =	vst v63  }
0x1aa: {  	s30 =	sadd.s32 $0x50, s29;
	s31 =	sor.u32 $0x6C0, s28  }
0x1ab: {  	[tilespmem:s31], [sflag:$0x1] =	stream.linear.gather [hbm4b:s30+s6], $0x10, $0x38;
	[tilespmem:$0x4C00] =	vst v63  }
0x1ac: {  	s30 =	sadd.s32 $0x60, s29;
	s31 =	sor.u32 $0x740, s28  }
0x1ad: {  	[tilespmem:s31], [sflag:$0x1] =	stream.linear.gather [hbm4b:s30+s6], $0x10, $0x38;
	[tilespmem:$0x4C00] =	vst v63  }
0x1ae: {  	s30 =	sadd.s32 $0x70, s29;
	s31 =	sor.u32 $0x7C0, s28  }
0x1af: {  	[tilespmem:s31], [sflag:$0x1] =	stream.linear.gather [hbm4b:s30+s6], $0x10, $0x38;
	[tilespmem:$0x4C00] =	vst v63  }
0x1b0: {  	s29 =	sadd.s32 $0xF4280, s29;
	s31 =	sor.u32 $0x1440, s28  }
0x1b1: {  	(v2sf) =	vpush v2, $0x4;
	[tilespmem:s31], [sflag:$0x1] =	stream.linear.gather [hbm4b:s29+s6], $0x10, $0x38;
	[tilespmem:$0x4C00] =	vst v63  }
0x1b2: {  	s30 =	sadd.s32 $0x10, s29;
	s31 =	sor.u32 $0x14C0, s28  }
0x1b3: {  	[tilespmem:s31], [sflag:$0x1] =	stream.linear.gather [hbm4b:s30+s6], $0x10, $0x38;
	[tilespmem:$0x4C00] =	vst v63  }
0x1b4: {  	s30 =	sadd.s32 $0x20, s29;
	s31 =	sor.u32 $0x1540, s28  }
0x1b5: {  	[tilespmem:s31], [sflag:$0x1] =	stream.linear.gather [hbm4b:s30+s6], $0x10, $0x38;
	[tilespmem:$0x4C00] =	vst v63  }
0x1b6: {  	s30 =	sadd.s32 $0x30, s29;
	s31 =	sor.u32 $0x15C0, s28  }
0x1b7: {  	[tilespmem:s31], [sflag:$0x1] =	stream.linear.gather [hbm4b:s30+s6], $0x10, $0x38;
	[tilespmem:$0x4C00] =	vst v63  }
0x1b8: {  	s30 =	sadd.s32 $0x40, s29;
	s31 =	sor.u32 $0x1640, s28  }
0x1b9: {  	[tilespmem:s31], [sflag:$0x1] =	stream.linear.gather [hbm4b:s30+s6], $0x10, $0x38;
	[tilespmem:$0x4C00] =	vst v63  }
0x1ba: {  	s30 =	sadd.s32 $0x50, s29;
	s31 =	sor.u32 $0x16C0, s28  }
0x1bb: {  	[tilespmem:s31], [sflag:$0x1] =	stream.linear.gather [hbm4b:s30+s6], $0x10, $0x38;
	[tilespmem:$0x4C00] =	vst v63  }
0x1bc: {  	s30 =	sadd.s32 $0x60, s29;
	s31 =	sor.u32 $0x1740, s28  }
0x1bd: {  	[tilespmem:s31], [sflag:$0x1] =	stream.linear.gather [hbm4b:s30+s6], $0x10, $0x38;
	[tilespmem:$0x4C00] =	vst v63  }
0x1be: {  	s29 =	sadd.s32 $0x70, s29;
	s31 =	sor.u32 $0x17C0, s28  }
0x1bf: {  	[tilespmem:s31], [sflag:$0x1] =	stream.linear.gather [hbm4b:s29+s6], $0x10, $0x38;
	[tilespmem:$0x4C00] =	vst v63  }
0x1c0: {  	s29 =	spop (v2sf)  }
0x1c1: {  	s31 =	sshll.u32 s29, $0x3  }
0x1c2: {  	s29 =	sand.u32 $0x70, s29;
	s30 =	sand.u32 $0xFFFFFC00, s31  }
0x1c3: {  	s29 =	sor.u32 s29, s30  }
0x1c4: {  	s29 =	sshrl.u32 s29, $0x3  }
0x1c5: {  	s31 =	sor.u32 $0x2440, s28;
	s29 =	sadd.s32 s2, s29  }
0x1c6: {  	[tilespmem:s31], [sflag:$0x1] =	stream.linear.gather [hbm4b:s29+s6], $0x10, $0x38;
	[tilespmem:$0x4C00] =	vst v63  }
0x1c7: {  	s30 =	sadd.s32 $0x10, s29;
	s31 =	sor.u32 $0x24C0, s28  }
0x1c8: {  	[tilespmem:s31], [sflag:$0x1] =	stream.linear.gather [hbm4b:s30+s6], $0x10, $0x38;
	[tilespmem:$0x4C00] =	vst v63  }
0x1c9: {  	s30 =	sadd.s32 $0x20, s29;
	s31 =	sor.u32 $0x2540, s28  }
0x1ca: {  	[tilespmem:s31], [sflag:$0x1] =	stream.linear.gather [hbm4b:s30+s6], $0x10, $0x38;
	[tilespmem:$0x4C00] =	vst v63  }
0x1cb: {  	s30 =	sadd.s32 $0x30, s29;
	s31 =	sor.u32 $0x25C0, s28  }
0x1cc: {  	[tilespmem:s31], [sflag:$0x1] =	stream.linear.gather [hbm4b:s30+s6], $0x10, $0x38;
	[tilespmem:$0x4C00] =	vst v63  }
0x1cd: {  	s30 =	sadd.s32 $0x40, s29;
	s31 =	sor.u32 $0x2640, s28  }
0x1ce: {  	[tilespmem:s31], [sflag:$0x1] =	stream.linear.gather [hbm4b:s30+s6], $0x10, $0x38;
	[tilespmem:$0x4C00] =	vst v63  }
0x1cf: {  	s30 =	sadd.s32 $0x50, s29;
	s31 =	sor.u32 $0x26C0, s28  }
0x1d0: {  	[tilespmem:s31], [sflag:$0x1] =	stream.linear.gather [hbm4b:s30+s6], $0x10, $0x38;
	[tilespmem:$0x4C00] =	vst v63  }
0x1d1: {  	s30 =	sadd.s32 $0x60, s29;
	s31 =	sor.u32 $0x2740, s28  }
0x1d2: {  	[tilespmem:s31], [sflag:$0x1] =	stream.linear.gather [hbm4b:s30+s6], $0x10, $0x38;
	[tilespmem:$0x4C00] =	vst v63  }
0x1d3: {  	s30 =	sadd.s32 $0x70, s29;
	s31 =	sor.u32 $0x27C0, s28  }
0x1d4: {  	[tilespmem:s31], [sflag:$0x1] =	stream.linear.gather [hbm4b:s30+s6], $0x10, $0x38;
	[tilespmem:$0x4C00] =	vst v63  }
0x1d5: {  	s29 =	sadd.s32 $0xF4280, s29;
	s31 =	sor.u32 $0x3440, s28  }
0x1d6: {  	(v2sf) =	vpush v3, $0x5;
	[tilespmem:s31], [sflag:$0x1] =	stream.linear.gather [hbm4b:s29+s6], $0x10, $0x38;
	[tilespmem:$0x4C00] =	vst v63  }
0x1d7: {  	s30 =	sadd.s32 $0x10, s29;
	s31 =	sor.u32 $0x34C0, s28  }
0x1d8: {  	[tilespmem:s31], [sflag:$0x1] =	stream.linear.gather [hbm4b:s30+s6], $0x10, $0x38;
	[tilespmem:$0x4C00] =	vst v63  }
0x1d9: {  	s30 =	sadd.s32 $0x20, s29;
	s31 =	sor.u32 $0x3540, s28  }
0x1da: {  	[tilespmem:s31], [sflag:$0x1] =	stream.linear.gather [hbm4b:s30+s6], $0x10, $0x38;
	[tilespmem:$0x4C00] =	vst v63  }
0x1db: {  	s30 =	sadd.s32 $0x30, s29;
	s31 =	sor.u32 $0x35C0, s28  }
0x1dc: {  	[tilespmem:s31], [sflag:$0x1] =	stream.linear.gather [hbm4b:s30+s6], $0x10, $0x38;
	[tilespmem:$0x4C00] =	vst v63  }
0x1dd: {  	s30 =	sadd.s32 $0x40, s29;
	s31 =	sor.u32 $0x3640, s28  }
0x1de: {  	[tilespmem:s31], [sflag:$0x1] =	stream.linear.gather [hbm4b:s30+s6], $0x10, $0x38;
	[tilespmem:$0x4C00] =	vst v63  }
0x1df: {  	s30 =	sadd.s32 $0x50, s29;
	s31 =	sor.u32 $0x36C0, s28  }
0x1e0: {  	[tilespmem:s31], [sflag:$0x1] =	stream.linear.gather [hbm4b:s30+s6], $0x10, $0x38;
	[tilespmem:$0x4C00] =	vst v63  }
0x1e1: {  	s30 =	sadd.s32 $0x60, s29;
	s31 =	sor.u32 $0x3740, s28  }
0x1e2: {  	[tilespmem:s31], [sflag:$0x1] =	stream.linear.gather [hbm4b:s30+s6], $0x10, $0x38;
	[tilespmem:$0x4C00] =	vst v63  }
0x1e3: {  	s29 =	sadd.s32 $0x70, s29;
	s31 =	sor.u32 $0x37C0, s28  }
0x1e4: {  	[tilespmem:s31], [sflag:$0x1] =	stream.linear.gather [hbm4b:s29+s6], $0x10, $0x38;
	[tilespmem:$0x4C00] =	vst v63  }
0x1e5: {  	s29 =	spop (v2sf)  }
0x1e6: {  	s31 =	sshll.u32 s29, $0x3  }
0x1e7: {  	s29 =	sand.u32 $0x70, s29;
	s30 =	sand.u32 $0xFFFFFC00, s31  }
0x1e8: {  	s29 =	sor.u32 s29, s30  }
0x1e9: {  	s29 =	sshrl.u32 s29, $0x3  }
0x1ea: {  	s31 =	sor.u32 $0x450, s28;
	s29 =	sadd.s32 s1, s29  }
0x1eb: {  	[tilespmem:s31], [sflag:$0x1] =	stream.linear.gather [hbm4b:s29+s6], $0x10, $0x38;
	[tilespmem:$0x4C00] =	vst v63  }
0x1ec: {  	s30 =	sadd.s32 $0x10, s29;
	s31 =	sor.u32 $0x4D0, s28  }
0x1ed: {  	[tilespmem:s31], [sflag:$0x1] =	stream.linear.gather [hbm4b:s30+s6], $0x10, $0x38;
	[tilespmem:$0x4C00] =	vst v63  }
0x1ee: {  	s30 =	sadd.s32 $0x20, s29;
	s31 =	sor.u32 $0x550, s28  }
0x1ef: {  	[tilespmem:s31], [sflag:$0x1] =	stream.linear.gather [hbm4b:s30+s6], $0x10, $0x38;
	[tilespmem:$0x4C00] =	vst v63  }
0x1f0: {  	s30 =	sadd.s32 $0x30, s29;
	s31 =	sor.u32 $0x5D0, s28  }
0x1f1: {  	[tilespmem:s31], [sflag:$0x1] =	stream.linear.gather [hbm4b:s30+s6], $0x10, $0x38;
	[tilespmem:$0x4C00] =	vst v63  }
0x1f2: {  	s30 =	sadd.s32 $0x40, s29;
	s31 =	sor.u32 $0x650, s28  }
0x1f3: {  	[tilespmem:s31], [sflag:$0x1] =	stream.linear.gather [hbm4b:s30+s6], $0x10, $0x38;
	[tilespmem:$0x4C00] =	vst v63  }
0x1f4: {  	s30 =	sadd.s32 $0x50, s29;
	s31 =	sor.u32 $0x6D0, s28  }
0x1f5: {  	[tilespmem:s31], [sflag:$0x1] =	stream.linear.gather [hbm4b:s30+s6], $0x10, $0x38;
	[tilespmem:$0x4C00] =	vst v63  }
0x1f6: {  	s30 =	sadd.s32 $0x60, s29;
	s31 =	sor.u32 $0x750, s28  }
0x1f7: {  	[tilespmem:s31], [sflag:$0x1] =	stream.linear.gather [hbm4b:s30+s6], $0x10, $0x38;
	[tilespmem:$0x4C00] =	vst v63  }
0x1f8: {  	s30 =	sadd.s32 $0x70, s29;
	s31 =	sor.u32 $0x7D0, s28  }
0x1f9: {  	[tilespmem:s31], [sflag:$0x1] =	stream.linear.gather [hbm4b:s30+s6], $0x10, $0x38;
	[tilespmem:$0x4C00] =	vst v63  }
0x1fa: {  	s29 =	sadd.s32 $0xF4280, s29;
	s31 =	sor.u32 $0x1450, s28  }
0x1fb: {  	(v2sf) =	vpush v2, $0x5;
	[tilespmem:s31], [sflag:$0x1] =	stream.linear.gather [hbm4b:s29+s6], $0x10, $0x38;
	[tilespmem:$0x4C00] =	vst v63  }
0x1fc: {  	s30 =	sadd.s32 $0x10, s29;
	s31 =	sor.u32 $0x14D0, s28  }
0x1fd: {  	[tilespmem:s31], [sflag:$0x1] =	stream.linear.gather [hbm4b:s30+s6], $0x10, $0x38;
	[tilespmem:$0x4C00] =	vst v63  }
0x1fe: {  	s30 =	sadd.s32 $0x20, s29;
	s31 =	sor.u32 $0x1550, s28  }
0x1ff: {  	[tilespmem:s31], [sflag:$0x1] =	stream.linear.gather [hbm4b:s30+s6], $0x10, $0x38;
	[tilespmem:$0x4C00] =	vst v63  }
0x200: {  	s30 =	sadd.s32 $0x30, s29;
	s31 =	sor.u32 $0x15D0, s28  }
0x201: {  	[tilespmem:s31], [sflag:$0x1] =	stream.linear.gather [hbm4b:s30+s6], $0x10, $0x38;
	[tilespmem:$0x4C00] =	vst v63  }
0x202: {  	s30 =	sadd.s32 $0x40, s29;
	s31 =	sor.u32 $0x1650, s28  }
0x203: {  	[tilespmem:s31], [sflag:$0x1] =	stream.linear.gather [hbm4b:s30+s6], $0x10, $0x38;
	[tilespmem:$0x4C00] =	vst v63  }
0x204: {  	s30 =	sadd.s32 $0x50, s29;
	s31 =	sor.u32 $0x16D0, s28  }
0x205: {  	[tilespmem:s31], [sflag:$0x1] =	stream.linear.gather [hbm4b:s30+s6], $0x10, $0x38;
	[tilespmem:$0x4C00] =	vst v63  }
0x206: {  	s30 =	sadd.s32 $0x60, s29;
	s31 =	sor.u32 $0x1750, s28  }
0x207: {  	[tilespmem:s31], [sflag:$0x1] =	stream.linear.gather [hbm4b:s30+s6], $0x10, $0x38;
	[tilespmem:$0x4C00] =	vst v63  }
0x208: {  	s29 =	sadd.s32 $0x70, s29;
	s31 =	sor.u32 $0x17D0, s28  }
0x209: {  	[tilespmem:s31], [sflag:$0x1] =	stream.linear.gather [hbm4b:s29+s6], $0x10, $0x38;
	[tilespmem:$0x4C00] =	vst v63  }
0x20a: {  	s29 =	spop (v2sf)  }
0x20b: {  	s31 =	sshll.u32 s29, $0x3  }
0x20c: {  	s29 =	sand.u32 $0x70, s29;
	s30 =	sand.u32 $0xFFFFFC00, s31  }
0x20d: {  	s29 =	sor.u32 s29, s30  }
0x20e: {  	s29 =	sshrl.u32 s29, $0x3  }
0x20f: {  	s31 =	sor.u32 $0x2450, s28;
	s29 =	sadd.s32 s2, s29  }
0x210: {  	[tilespmem:s31], [sflag:$0x1] =	stream.linear.gather [hbm4b:s29+s6], $0x10, $0x38;
	[tilespmem:$0x4C00] =	vst v63  }
0x211: {  	s30 =	sadd.s32 $0x10, s29;
	s31 =	sor.u32 $0x24D0, s28  }
0x212: {  	[tilespmem:s31], [sflag:$0x1] =	stream.linear.gather [hbm4b:s30+s6], $0x10, $0x38;
	[tilespmem:$0x4C00] =	vst v63  }
0x213: {  	s30 =	sadd.s32 $0x20, s29;
	s31 =	sor.u32 $0x2550, s28  }
0x214: {  	[tilespmem:s31], [sflag:$0x1] =	stream.linear.gather [hbm4b:s30+s6], $0x10, $0x38;
	[tilespmem:$0x4C00] =	vst v63  }
0x215: {  	s30 =	sadd.s32 $0x30, s29;
	s31 =	sor.u32 $0x25D0, s28  }
0x216: {  	[tilespmem:s31], [sflag:$0x1] =	stream.linear.gather [hbm4b:s30+s6], $0x10, $0x38;
	[tilespmem:$0x4C00] =	vst v63  }
0x217: {  	s30 =	sadd.s32 $0x40, s29;
	s31 =	sor.u32 $0x2650, s28  }
0x218: {  	[tilespmem:s31], [sflag:$0x1] =	stream.linear.gather [hbm4b:s30+s6], $0x10, $0x38;
	[tilespmem:$0x4C00] =	vst v63  }
0x219: {  	s30 =	sadd.s32 $0x50, s29;
	s31 =	sor.u32 $0x26D0, s28  }
0x21a: {  	[tilespmem:s31], [sflag:$0x1] =	stream.linear.gather [hbm4b:s30+s6], $0x10, $0x38;
	[tilespmem:$0x4C00] =	vst v63  }
0x21b: {  	s30 =	sadd.s32 $0x60, s29;
	s31 =	sor.u32 $0x2750, s28  }
0x21c: {  	[tilespmem:s31], [sflag:$0x1] =	stream.linear.gather [hbm4b:s30+s6], $0x10, $0x38;
	[tilespmem:$0x4C00] =	vst v63  }
0x21d: {  	s30 =	sadd.s32 $0x70, s29;
	s31 =	sor.u32 $0x27D0, s28  }
0x21e: {  	[tilespmem:s31], [sflag:$0x1] =	stream.linear.gather [hbm4b:s30+s6], $0x10, $0x38;
	[tilespmem:$0x4C00] =	vst v63  }
0x21f: {  	s29 =	sadd.s32 $0xF4280, s29;
	s31 =	sor.u32 $0x3450, s28  }
0x220: {  	(v2sf) =	vpush v3, $0x6;
	[tilespmem:s31], [sflag:$0x1] =	stream.linear.gather [hbm4b:s29+s6], $0x10, $0x38;
	[tilespmem:$0x4C00] =	vst v63  }
0x221: {  	s30 =	sadd.s32 $0x10, s29;
	s31 =	sor.u32 $0x34D0, s28  }
0x222: {  	[tilespmem:s31], [sflag:$0x1] =	stream.linear.gather [hbm4b:s30+s6], $0x10, $0x38;
	[tilespmem:$0x4C00] =	vst v63  }
0x223: {  	s30 =	sadd.s32 $0x20, s29;
	s31 =	sor.u32 $0x3550, s28  }
0x224: {  	[tilespmem:s31], [sflag:$0x1] =	stream.linear.gather [hbm4b:s30+s6], $0x10, $0x38;
	[tilespmem:$0x4C00] =	vst v63  }
0x225: {  	s30 =	sadd.s32 $0x30, s29;
	s31 =	sor.u32 $0x35D0, s28  }
0x226: {  	[tilespmem:s31], [sflag:$0x1] =	stream.linear.gather [hbm4b:s30+s6], $0x10, $0x38;
	[tilespmem:$0x4C00] =	vst v63  }
0x227: {  	s30 =	sadd.s32 $0x40, s29;
	s31 =	sor.u32 $0x3650, s28  }
0x228: {  	[tilespmem:s31], [sflag:$0x1] =	stream.linear.gather [hbm4b:s30+s6], $0x10, $0x38;
	[tilespmem:$0x4C00] =	vst v63  }
0x229: {  	s30 =	sadd.s32 $0x50, s29;
	s31 =	sor.u32 $0x36D0, s28  }
0x22a: {  	[tilespmem:s31], [sflag:$0x1] =	stream.linear.gather [hbm4b:s30+s6], $0x10, $0x38;
	[tilespmem:$0x4C00] =	vst v63  }
0x22b: {  	s30 =	sadd.s32 $0x60, s29;
	s31 =	sor.u32 $0x3750, s28  }
0x22c: {  	[tilespmem:s31], [sflag:$0x1] =	stream.linear.gather [hbm4b:s30+s6], $0x10, $0x38;
	[tilespmem:$0x4C00] =	vst v63  }
0x22d: {  	s29 =	sadd.s32 $0x70, s29;
	s31 =	sor.u32 $0x37D0, s28  }
0x22e: {  	[tilespmem:s31], [sflag:$0x1] =	stream.linear.gather [hbm4b:s29+s6], $0x10, $0x38;
	[tilespmem:$0x4C00] =	vst v63  }
0x22f: {  	s29 =	spop (v2sf)  }
0x230: {  	s31 =	sshll.u32 s29, $0x3  }
0x231: {  	s29 =	sand.u32 $0x70, s29;
	s30 =	sand.u32 $0xFFFFFC00, s31  }
0x232: {  	s29 =	sor.u32 s29, s30  }
0x233: {  	s29 =	sshrl.u32 s29, $0x3  }
0x234: {  	s31 =	sor.u32 $0x460, s28;
	s29 =	sadd.s32 s1, s29  }
0x235: {  	[tilespmem:s31], [sflag:$0x1] =	stream.linear.gather [hbm4b:s29+s6], $0x10, $0x38;
	[tilespmem:$0x4C00] =	vst v63  }
0x236: {  	s30 =	sadd.s32 $0x10, s29;
	s31 =	sor.u32 $0x4E0, s28  }
0x237: {  	[tilespmem:s31], [sflag:$0x1] =	stream.linear.gather [hbm4b:s30+s6], $0x10, $0x38;
	[tilespmem:$0x4C00] =	vst v63  }
0x238: {  	s30 =	sadd.s32 $0x20, s29;
	s31 =	sor.u32 $0x560, s28  }
0x239: {  	[tilespmem:s31], [sflag:$0x1] =	stream.linear.gather [hbm4b:s30+s6], $0x10, $0x38;
	[tilespmem:$0x4C00] =	vst v63  }
0x23a: {  	s30 =	sadd.s32 $0x30, s29;
	s31 =	sor.u32 $0x5E0, s28  }
0x23b: {  	[tilespmem:s31], [sflag:$0x1] =	stream.linear.gather [hbm4b:s30+s6], $0x10, $0x38;
	[tilespmem:$0x4C00] =	vst v63  }
0x23c: {  	s30 =	sadd.s32 $0x40, s29;
	s31 =	sor.u32 $0x660, s28  }
0x23d: {  	[tilespmem:s31], [sflag:$0x1] =	stream.linear.gather [hbm4b:s30+s6], $0x10, $0x38;
	[tilespmem:$0x4C00] =	vst v63  }
0x23e: {  	s30 =	sadd.s32 $0x50, s29;
	s31 =	sor.u32 $0x6E0, s28  }
0x23f: {  	[tilespmem:s31], [sflag:$0x1] =	stream.linear.gather [hbm4b:s30+s6], $0x10, $0x38;
	[tilespmem:$0x4C00] =	vst v63  }
0x240: {  	s30 =	sadd.s32 $0x60, s29;
	s31 =	sor.u32 $0x760, s28  }
0x241: {  	[tilespmem:s31], [sflag:$0x1] =	stream.linear.gather [hbm4b:s30+s6], $0x10, $0x38;
	[tilespmem:$0x4C00] =	vst v63  }
0x242: {  	s30 =	sadd.s32 $0x70, s29;
	s31 =	sor.u32 $0x7E0, s28  }
0x243: {  	[tilespmem:s31], [sflag:$0x1] =	stream.linear.gather [hbm4b:s30+s6], $0x10, $0x38;
	[tilespmem:$0x4C00] =	vst v63  }
0x244: {  	s29 =	sadd.s32 $0xF4280, s29;
	s31 =	sor.u32 $0x1460, s28  }
0x245: {  	(v2sf) =	vpush v2, $0x6;
	[tilespmem:s31], [sflag:$0x1] =	stream.linear.gather [hbm4b:s29+s6], $0x10, $0x38;
	[tilespmem:$0x4C00] =	vst v63  }
0x246: {  	s30 =	sadd.s32 $0x10, s29;
	s31 =	sor.u32 $0x14E0, s28  }
0x247: {  	[tilespmem:s31], [sflag:$0x1] =	stream.linear.gather [hbm4b:s30+s6], $0x10, $0x38;
	[tilespmem:$0x4C00] =	vst v63  }
0x248: {  	s30 =	sadd.s32 $0x20, s29;
	s31 =	sor.u32 $0x1560, s28  }
0x249: {  	[tilespmem:s31], [sflag:$0x1] =	stream.linear.gather [hbm4b:s30+s6], $0x10, $0x38;
	[tilespmem:$0x4C00] =	vst v63  }
0x24a: {  	s30 =	sadd.s32 $0x30, s29;
	s31 =	sor.u32 $0x15E0, s28  }
0x24b: {  	[tilespmem:s31], [sflag:$0x1] =	stream.linear.gather [hbm4b:s30+s6], $0x10, $0x38;
	[tilespmem:$0x4C00] =	vst v63  }
0x24c: {  	s30 =	sadd.s32 $0x40, s29;
	s31 =	sor.u32 $0x1660, s28  }
0x24d: {  	[tilespmem:s31], [sflag:$0x1] =	stream.linear.gather [hbm4b:s30+s6], $0x10, $0x38;
	[tilespmem:$0x4C00] =	vst v63  }
0x24e: {  	s30 =	sadd.s32 $0x50, s29;
	s31 =	sor.u32 $0x16E0, s28  }
0x24f: {  	[tilespmem:s31], [sflag:$0x1] =	stream.linear.gather [hbm4b:s30+s6], $0x10, $0x38;
	[tilespmem:$0x4C00] =	vst v63  }
0x250: {  	s30 =	sadd.s32 $0x60, s29;
	s31 =	sor.u32 $0x1760, s28  }
0x251: {  	[tilespmem:s31], [sflag:$0x1] =	stream.linear.gather [hbm4b:s30+s6], $0x10, $0x38;
	[tilespmem:$0x4C00] =	vst v63  }
0x252: {  	s29 =	sadd.s32 $0x70, s29;
	s31 =	sor.u32 $0x17E0, s28  }
0x253: {  	[tilespmem:s31], [sflag:$0x1] =	stream.linear.gather [hbm4b:s29+s6], $0x10, $0x38;
	[tilespmem:$0x4C00] =	vst v63  }
0x254: {  	s29 =	spop (v2sf)  }
0x255: {  	s31 =	sshll.u32 s29, $0x3  }
0x256: {  	s29 =	sand.u32 $0x70, s29;
	s30 =	sand.u32 $0xFFFFFC00, s31  }
0x257: {  	s29 =	sor.u32 s29, s30  }
0x258: {  	s29 =	sshrl.u32 s29, $0x3  }
0x259: {  	s31 =	sor.u32 $0x2460, s28;
	s29 =	sadd.s32 s2, s29  }
0x25a: {  	[tilespmem:s31], [sflag:$0x1] =	stream.linear.gather [hbm4b:s29+s6], $0x10, $0x38;
	[tilespmem:$0x4C00] =	vst v63  }
0x25b: {  	s30 =	sadd.s32 $0x10, s29;
	s31 =	sor.u32 $0x24E0, s28  }
0x25c: {  	[tilespmem:s31], [sflag:$0x1] =	stream.linear.gather [hbm4b:s30+s6], $0x10, $0x38;
	[tilespmem:$0x4C00] =	vst v63  }
0x25d: {  	s30 =	sadd.s32 $0x20, s29;
	s31 =	sor.u32 $0x2560, s28  }
0x25e: {  	[tilespmem:s31], [sflag:$0x1] =	stream.linear.gather [hbm4b:s30+s6], $0x10, $0x38;
	[tilespmem:$0x4C00] =	vst v63  }
0x25f: {  	s30 =	sadd.s32 $0x30, s29;
	s31 =	sor.u32 $0x25E0, s28  }
0x260: {  	[tilespmem:s31], [sflag:$0x1] =	stream.linear.gather [hbm4b:s30+s6], $0x10, $0x38;
	[tilespmem:$0x4C00] =	vst v63  }
0x261: {  	s30 =	sadd.s32 $0x40, s29;
	s31 =	sor.u32 $0x2660, s28  }
0x262: {  	[tilespmem:s31], [sflag:$0x1] =	stream.linear.gather [hbm4b:s30+s6], $0x10, $0x38;
	[tilespmem:$0x4C00] =	vst v63  }
0x263: {  	s30 =	sadd.s32 $0x50, s29;
	s31 =	sor.u32 $0x26E0, s28  }
0x264: {  	[tilespmem:s31], [sflag:$0x1] =	stream.linear.gather [hbm4b:s30+s6], $0x10, $0x38;
	[tilespmem:$0x4C00] =	vst v63  }
0x265: {  	s30 =	sadd.s32 $0x60, s29;
	s31 =	sor.u32 $0x2760, s28  }
0x266: {  	[tilespmem:s31], [sflag:$0x1] =	stream.linear.gather [hbm4b:s30+s6], $0x10, $0x38;
	[tilespmem:$0x4C00] =	vst v63  }
0x267: {  	s30 =	sadd.s32 $0x70, s29;
	s31 =	sor.u32 $0x27E0, s28  }
0x268: {  	[tilespmem:s31], [sflag:$0x1] =	stream.linear.gather [hbm4b:s30+s6], $0x10, $0x38;
	[tilespmem:$0x4C00] =	vst v63  }
0x269: {  	s29 =	sadd.s32 $0xF4280, s29;
	s31 =	sor.u32 $0x3460, s28  }
0x26a: {  	(v2sf) =	vpush v3, $0x7;
	[tilespmem:s31], [sflag:$0x1] =	stream.linear.gather [hbm4b:s29+s6], $0x10, $0x38;
	[tilespmem:$0x4C00] =	vst v63  }
0x26b: {  	s30 =	sadd.s32 $0x10, s29;
	s31 =	sor.u32 $0x34E0, s28  }
0x26c: {  	[tilespmem:s31], [sflag:$0x1] =	stream.linear.gather [hbm4b:s30+s6], $0x10, $0x38;
	[tilespmem:$0x4C00] =	vst v63  }
0x26d: {  	s30 =	sadd.s32 $0x20, s29;
	s31 =	sor.u32 $0x3560, s28  }
0x26e: {  	[tilespmem:s31], [sflag:$0x1] =	stream.linear.gather [hbm4b:s30+s6], $0x10, $0x38;
	[tilespmem:$0x4C00] =	vst v63  }
0x26f: {  	s30 =	sadd.s32 $0x30, s29;
	s31 =	sor.u32 $0x35E0, s28  }
0x270: {  	[tilespmem:s31], [sflag:$0x1] =	stream.linear.gather [hbm4b:s30+s6], $0x10, $0x38;
	[tilespmem:$0x4C00] =	vst v63  }
0x271: {  	s30 =	sadd.s32 $0x40, s29;
	s31 =	sor.u32 $0x3660, s28  }
0x272: {  	[tilespmem:s31], [sflag:$0x1] =	stream.linear.gather [hbm4b:s30+s6], $0x10, $0x38;
	[tilespmem:$0x4C00] =	vst v63  }
0x273: {  	s30 =	sadd.s32 $0x50, s29;
	s31 =	sor.u32 $0x36E0, s28  }
0x274: {  	[tilespmem:s31], [sflag:$0x1] =	stream.linear.gather [hbm4b:s30+s6], $0x10, $0x38;
	[tilespmem:$0x4C00] =	vst v63  }
0x275: {  	s30 =	sadd.s32 $0x60, s29;
	s31 =	sor.u32 $0x3760, s28  }
0x276: {  	[tilespmem:s31], [sflag:$0x1] =	stream.linear.gather [hbm4b:s30+s6], $0x10, $0x38;
	[tilespmem:$0x4C00] =	vst v63  }
0x277: {  	s29 =	sadd.s32 $0x70, s29;
	s31 =	sor.u32 $0x37E0, s28  }
0x278: {  	[tilespmem:s31], [sflag:$0x1] =	stream.linear.gather [hbm4b:s29+s6], $0x10, $0x38;
	[tilespmem:$0x4C00] =	vst v63  }
0x279: {  	s29 =	spop (v2sf)  }
0x27a: {  	s31 =	sshll.u32 s29, $0x3  }
0x27b: {  	s29 =	sand.u32 $0x70, s29;
	s30 =	sand.u32 $0xFFFFFC00, s31  }
0x27c: {  	s29 =	sor.u32 s29, s30  }
0x27d: {  	s29 =	sshrl.u32 s29, $0x3  }
0x27e: {  	s31 =	sor.u32 $0x470, s28;
	s29 =	sadd.s32 s1, s29  }
0x27f: {  	[tilespmem:s31], [sflag:$0x1] =	stream.linear.gather [hbm4b:s29+s6], $0x10, $0x38;
	[tilespmem:$0x4C00] =	vst v63  }
0x280: {  	s30 =	sadd.s32 $0x10, s29;
	s31 =	sor.u32 $0x4F0, s28  }
0x281: {  	[tilespmem:s31], [sflag:$0x1] =	stream.linear.gather [hbm4b:s30+s6], $0x10, $0x38;
	[tilespmem:$0x4C00] =	vst v63  }
0x282: {  	s30 =	sadd.s32 $0x20, s29;
	s31 =	sor.u32 $0x570, s28  }
0x283: {  	[tilespmem:s31], [sflag:$0x1] =	stream.linear.gather [hbm4b:s30+s6], $0x10, $0x38;
	[tilespmem:$0x4C00] =	vst v63  }
0x284: {  	s30 =	sadd.s32 $0x30, s29;
	s31 =	sor.u32 $0x5F0, s28  }
0x285: {  	[tilespmem:s31], [sflag:$0x1] =	stream.linear.gather [hbm4b:s30+s6], $0x10, $0x38;
	[tilespmem:$0x4C00] =	vst v63  }
0x286: {  	s30 =	sadd.s32 $0x40, s29;
	s31 =	sor.u32 $0x670, s28  }
0x287: {  	[tilespmem:s31], [sflag:$0x1] =	stream.linear.gather [hbm4b:s30+s6], $0x10, $0x38;
	[tilespmem:$0x4C00] =	vst v63  }
0x288: {  	s30 =	sadd.s32 $0x50, s29;
	s31 =	sor.u32 $0x6F0, s28  }
0x289: {  	[tilespmem:s31], [sflag:$0x1] =	stream.linear.gather [hbm4b:s30+s6], $0x10, $0x38;
	[tilespmem:$0x4C00] =	vst v63  }
0x28a: {  	s30 =	sadd.s32 $0x60, s29;
	s31 =	sor.u32 $0x770, s28  }
0x28b: {  	[tilespmem:s31], [sflag:$0x1] =	stream.linear.gather [hbm4b:s30+s6], $0x10, $0x38;
	[tilespmem:$0x4C00] =	vst v63  }
0x28c: {  	s30 =	sadd.s32 $0x70, s29;
	s31 =	sor.u32 $0x7F0, s28  }
0x28d: {  	[tilespmem:s31], [sflag:$0x1] =	stream.linear.gather [hbm4b:s30+s6], $0x10, $0x38;
	[tilespmem:$0x4C00] =	vst v63  }
0x28e: {  	s29 =	sadd.s32 $0xF4280, s29;
	s31 =	sor.u32 $0x1470, s28  }
0x28f: {  	(v2sf) =	vpush v2, $0x7;
	[tilespmem:s31], [sflag:$0x1] =	stream.linear.gather [hbm4b:s29+s6], $0x10, $0x38;
	[tilespmem:$0x4C00] =	vst v63  }
0x290: {  	s30 =	sadd.s32 $0x10, s29;
	s31 =	sor.u32 $0x14F0, s28  }
0x291: {  	[tilespmem:s31], [sflag:$0x1] =	stream.linear.gather [hbm4b:s30+s6], $0x10, $0x38;
	[tilespmem:$0x4C00] =	vst v63  }
0x292: {  	s30 =	sadd.s32 $0x20, s29;
	s31 =	sor.u32 $0x1570, s28  }
0x293: {  	[tilespmem:s31], [sflag:$0x1] =	stream.linear.gather [hbm4b:s30+s6], $0x10, $0x38;
	[tilespmem:$0x4C00] =	vst v63  }
0x294: {  	s30 =	sadd.s32 $0x30, s29;
	s31 =	sor.u32 $0x15F0, s28  }
0x295: {  	[tilespmem:s31], [sflag:$0x1] =	stream.linear.gather [hbm4b:s30+s6], $0x10, $0x38;
	[tilespmem:$0x4C00] =	vst v63  }
0x296: {  	s30 =	sadd.s32 $0x40, s29;
	s31 =	sor.u32 $0x1670, s28  }
0x297: {  	[tilespmem:s31], [sflag:$0x1] =	stream.linear.gather [hbm4b:s30+s6], $0x10, $0x38;
	[tilespmem:$0x4C00] =	vst v63  }
0x298: {  	s30 =	sadd.s32 $0x50, s29;
	s31 =	sor.u32 $0x16F0, s28  }
0x299: {  	[tilespmem:s31], [sflag:$0x1] =	stream.linear.gather [hbm4b:s30+s6], $0x10, $0x38;
	[tilespmem:$0x4C00] =	vst v63  }
0x29a: {  	s30 =	sadd.s32 $0x60, s29;
	s31 =	sor.u32 $0x1770, s28  }
0x29b: {  	[tilespmem:s31], [sflag:$0x1] =	stream.linear.gather [hbm4b:s30+s6], $0x10, $0x38;
	[tilespmem:$0x4C00] =	vst v63  }
0x29c: {  	s29 =	sadd.s32 $0x70, s29;
	s31 =	sor.u32 $0x17F0, s28  }
0x29d: {  	[tilespmem:s31], [sflag:$0x1] =	stream.linear.gather [hbm4b:s29+s6], $0x10, $0x38;
	[tilespmem:$0x4C00] =	vst v63  }
0x29e: {  	s29 =	spop (v2sf)  }
0x29f: {  	s31 =	sshll.u32 s29, $0x3  }
0x2a0: {  	s29 =	sand.u32 $0x70, s29;
	s30 =	sand.u32 $0xFFFFFC00, s31  }
0x2a1: {  	s29 =	sor.u32 s29, s30  }
0x2a2: {  	s29 =	sshrl.u32 s29, $0x3  }
0x2a3: {  	s31 =	sor.u32 $0x2470, s28;
	s29 =	sadd.s32 s2, s29  }
0x2a4: {  	[tilespmem:s31], [sflag:$0x1] =	stream.linear.gather [hbm4b:s29+s6], $0x10, $0x38;
	[tilespmem:$0x4C00] =	vst v63  }
0x2a5: {  	s30 =	sadd.s32 $0x10, s29;
	s31 =	sor.u32 $0x24F0, s28  }
0x2a6: {  	[tilespmem:s31], [sflag:$0x1] =	stream.linear.gather [hbm4b:s30+s6], $0x10, $0x38;
	[tilespmem:$0x4C00] =	vst v63  }
0x2a7: {  	s30 =	sadd.s32 $0x20, s29;
	s31 =	sor.u32 $0x2570, s28  }
0x2a8: {  	[tilespmem:s31], [sflag:$0x1] =	stream.linear.gather [hbm4b:s30+s6], $0x10, $0x38;
	[tilespmem:$0x4C00] =	vst v63  }
0x2a9: {  	s30 =	sadd.s32 $0x30, s29;
	s31 =	sor.u32 $0x25F0, s28  }
0x2aa: {  	[tilespmem:s31], [sflag:$0x1] =	stream.linear.gather [hbm4b:s30+s6], $0x10, $0x38;
	[tilespmem:$0x4C00] =	vst v63  }
0x2ab: {  	s30 =	sadd.s32 $0x40, s29;
	s31 =	sor.u32 $0x2670, s28  }
0x2ac: {  	[tilespmem:s31], [sflag:$0x1] =	stream.linear.gather [hbm4b:s30+s6], $0x10, $0x38;
	[tilespmem:$0x4C00] =	vst v63  }
0x2ad: {  	s30 =	sadd.s32 $0x50, s29;
	s31 =	sor.u32 $0x26F0, s28  }
0x2ae: {  	[tilespmem:s31], [sflag:$0x1] =	stream.linear.gather [hbm4b:s30+s6], $0x10, $0x38;
	[tilespmem:$0x4C00] =	vst v63  }
0x2af: {  	s30 =	sadd.s32 $0x60, s29;
	s31 =	sor.u32 $0x2770, s28  }
0x2b0: {  	[tilespmem:s31], [sflag:$0x1] =	stream.linear.gather [hbm4b:s30+s6], $0x10, $0x38;
	[tilespmem:$0x4C00] =	vst v63  }
0x2b1: {  	s30 =	sadd.s32 $0x70, s29;
	s31 =	sor.u32 $0x27F0, s28  }
0x2b2: {  	[tilespmem:s31], [sflag:$0x1] =	stream.linear.gather [hbm4b:s30+s6], $0x10, $0x38;
	[tilespmem:$0x4C00] =	vst v63  }
0x2b3: {  	s29 =	sadd.s32 $0xF4280, s29;
	s31 =	sor.u32 $0x3470, s28  }
0x2b4: {  	(v2sf) =	vpush v3, $0x8;
	[tilespmem:s31], [sflag:$0x1] =	stream.linear.gather [hbm4b:s29+s6], $0x10, $0x38;
	[tilespmem:$0x4C00] =	vst v63  }
0x2b5: {  	s30 =	sadd.s32 $0x10, s29;
	s31 =	sor.u32 $0x34F0, s28  }
0x2b6: {  	[tilespmem:s31], [sflag:$0x1] =	stream.linear.gather [hbm4b:s30+s6], $0x10, $0x38;
	[tilespmem:$0x4C00] =	vst v63  }
0x2b7: {  	s30 =	sadd.s32 $0x20, s29;
	s31 =	sor.u32 $0x3570, s28  }
0x2b8: {  	[tilespmem:s31], [sflag:$0x1] =	stream.linear.gather [hbm4b:s30+s6], $0x10, $0x38;
	[tilespmem:$0x4C00] =	vst v63  }
0x2b9: {  	s30 =	sadd.s32 $0x30, s29;
	s31 =	sor.u32 $0x35F0, s28  }
0x2ba: {  	[tilespmem:s31], [sflag:$0x1] =	stream.linear.gather [hbm4b:s30+s6], $0x10, $0x38;
	[tilespmem:$0x4C00] =	vst v63  }
0x2bb: {  	s30 =	sadd.s32 $0x40, s29;
	s31 =	sor.u32 $0x3670, s28  }
0x2bc: {  	[tilespmem:s31], [sflag:$0x1] =	stream.linear.gather [hbm4b:s30+s6], $0x10, $0x38;
	[tilespmem:$0x4C00] =	vst v63  }
0x2bd: {  	s30 =	sadd.s32 $0x50, s29;
	s31 =	sor.u32 $0x36F0, s28  }
0x2be: {  	[tilespmem:s31], [sflag:$0x1] =	stream.linear.gather [hbm4b:s30+s6], $0x10, $0x38;
	[tilespmem:$0x4C00] =	vst v63  }
0x2bf: {  	s30 =	sadd.s32 $0x60, s29;
	s31 =	sor.u32 $0x3770, s28  }
0x2c0: {  	[tilespmem:s31], [sflag:$0x1] =	stream.linear.gather [hbm4b:s30+s6], $0x10, $0x38;
	[tilespmem:$0x4C00] =	vst v63  }
0x2c1: {  	s29 =	sadd.s32 $0x70, s29;
	s31 =	sor.u32 $0x37F0, s28  }
0x2c2: {  	[tilespmem:s31], [sflag:$0x1] =	stream.linear.gather [hbm4b:s29+s6], $0x10, $0x38;
	[tilespmem:$0x4C00] =	vst v63  }
0x2c3: {  	s29 =	spop (v2sf)  }
0x2c4: {  	s31 =	sshll.u32 s29, $0x3  }
0x2c5: {  	s29 =	sand.u32 $0x70, s29;
	s30 =	sand.u32 $0xFFFFFC00, s31  }
0x2c6: {  	s29 =	sor.u32 s29, s30  }
0x2c7: {  	s29 =	sshrl.u32 s29, $0x3  }
0x2c8: {  	s31 =	sadd.s32 $0x800, s28;
	s29 =	sadd.s32 s1, s29  }
0x2c9: {  	[tilespmem:s31], [sflag:$0x1] =	stream.linear.gather [hbm4b:s29+s6], $0x10, $0x38;
	[tilespmem:$0x4C00] =	vst v63  }
0x2ca: {  	s30 =	sadd.s32 $0x10, s29;
	s31 =	sadd.s32 $0x880, s28  }
0x2cb: {  	[tilespmem:s31], [sflag:$0x1] =	stream.linear.gather [hbm4b:s30+s6], $0x10, $0x38;
	[tilespmem:$0x4C00] =	vst v63  }
0x2cc: {  	s30 =	sadd.s32 $0x20, s29;
	s31 =	sadd.s32 $0x900, s28  }
0x2cd: {  	[tilespmem:s31], [sflag:$0x1] =	stream.linear.gather [hbm4b:s30+s6], $0x10, $0x38;
	[tilespmem:$0x4C00] =	vst v63  }
0x2ce: {  	s30 =	sadd.s32 $0x30, s29;
	s31 =	sadd.s32 $0x980, s28  }
0x2cf: {  	[tilespmem:s31], [sflag:$0x1] =	stream.linear.gather [hbm4b:s30+s6], $0x10, $0x38;
	[tilespmem:$0x4C00] =	vst v63  }
0x2d0: {  	s30 =	sadd.s32 $0x40, s29;
	s31 =	sadd.s32 $0xA00, s28  }
0x2d1: {  	[tilespmem:s31], [sflag:$0x1] =	stream.linear.gather [hbm4b:s30+s6], $0x10, $0x38;
	[tilespmem:$0x4C00] =	vst v63  }
0x2d2: {  	s30 =	sadd.s32 $0x50, s29;
	s31 =	sadd.s32 $0xA80, s28  }
0x2d3: {  	[tilespmem:s31], [sflag:$0x1] =	stream.linear.gather [hbm4b:s30+s6], $0x10, $0x38;
	[tilespmem:$0x4C00] =	vst v63  }
0x2d4: {  	s30 =	sadd.s32 $0x60, s29;
	s31 =	sadd.s32 $0xB00, s28  }
0x2d5: {  	[tilespmem:s31], [sflag:$0x1] =	stream.linear.gather [hbm4b:s30+s6], $0x10, $0x38;
	[tilespmem:$0x4C00] =	vst v63  }
0x2d6: {  	s30 =	sadd.s32 $0x70, s29;
	s31 =	sadd.s32 $0xB80, s28  }
0x2d7: {  	[tilespmem:s31], [sflag:$0x1] =	stream.linear.gather [hbm4b:s30+s6], $0x10, $0x38;
	[tilespmem:$0x4C00] =	vst v63  }
0x2d8: {  	s29 =	sadd.s32 $0xF4280, s29;
	s31 =	sadd.s32 $0x1800, s28  }
0x2d9: {  	(v2sf) =	vpush v2, $0x8;
	[tilespmem:s31], [sflag:$0x1] =	stream.linear.gather [hbm4b:s29+s6], $0x10, $0x38;
	[tilespmem:$0x4C00] =	vst v63  }
0x2da: {  	s30 =	sadd.s32 $0x10, s29;
	s31 =	sadd.s32 $0x1880, s28  }
0x2db: {  	[tilespmem:s31], [sflag:$0x1] =	stream.linear.gather [hbm4b:s30+s6], $0x10, $0x38;
	[tilespmem:$0x4C00] =	vst v63  }
0x2dc: {  	s30 =	sadd.s32 $0x20, s29;
	s31 =	sadd.s32 $0x1900, s28  }
0x2dd: {  	[tilespmem:s31], [sflag:$0x1] =	stream.linear.gather [hbm4b:s30+s6], $0x10, $0x38;
	[tilespmem:$0x4C00] =	vst v63  }
0x2de: {  	s30 =	sadd.s32 $0x30, s29;
	s31 =	sadd.s32 $0x1980, s28  }
0x2df: {  	[tilespmem:s31], [sflag:$0x1] =	stream.linear.gather [hbm4b:s30+s6], $0x10, $0x38;
	[tilespmem:$0x4C00] =	vst v63  }
0x2e0: {  	s30 =	sadd.s32 $0x40, s29;
	s31 =	sadd.s32 $0x1A00, s28  }
0x2e1: {  	[tilespmem:s31], [sflag:$0x1] =	stream.linear.gather [hbm4b:s30+s6], $0x10, $0x38;
	[tilespmem:$0x4C00] =	vst v63  }
0x2e2: {  	s30 =	sadd.s32 $0x50, s29;
	s31 =	sadd.s32 $0x1A80, s28  }
0x2e3: {  	[tilespmem:s31], [sflag:$0x1] =	stream.linear.gather [hbm4b:s30+s6], $0x10, $0x38;
	[tilespmem:$0x4C00] =	vst v63  }
0x2e4: {  	s30 =	sadd.s32 $0x60, s29;
	s31 =	sadd.s32 $0x1B00, s28  }
0x2e5: {  	[tilespmem:s31], [sflag:$0x1] =	stream.linear.gather [hbm4b:s30+s6], $0x10, $0x38;
	[tilespmem:$0x4C00] =	vst v63  }
0x2e6: {  	s29 =	sadd.s32 $0x70, s29;
	s31 =	sadd.s32 $0x1B80, s28  }
0x2e7: {  	[tilespmem:s31], [sflag:$0x1] =	stream.linear.gather [hbm4b:s29+s6], $0x10, $0x38;
	[tilespmem:$0x4C00] =	vst v63  }
0x2e8: {  	s29 =	spop (v2sf)  }
0x2e9: {  	s31 =	sshll.u32 s29, $0x3  }
0x2ea: {  	s29 =	sand.u32 $0x70, s29;
	s30 =	sand.u32 $0xFFFFFC00, s31  }
0x2eb: {  	s29 =	sor.u32 s29, s30  }
0x2ec: {  	s29 =	sshrl.u32 s29, $0x3  }
0x2ed: {  	s31 =	sadd.s32 $0x2800, s28;
	s29 =	sadd.s32 s2, s29  }
0x2ee: {  	[tilespmem:s31], [sflag:$0x1] =	stream.linear.gather [hbm4b:s29+s6], $0x10, $0x38;
	[tilespmem:$0x4C00] =	vst v63  }
0x2ef: {  	s30 =	sadd.s32 $0x10, s29;
	s31 =	sadd.s32 $0x2880, s28  }
0x2f0: {  	[tilespmem:s31], [sflag:$0x1] =	stream.linear.gather [hbm4b:s30+s6], $0x10, $0x38;
	[tilespmem:$0x4C00] =	vst v63  }
0x2f1: {  	s30 =	sadd.s32 $0x20, s29;
	s31 =	sadd.s32 $0x2900, s28  }
0x2f2: {  	[tilespmem:s31], [sflag:$0x1] =	stream.linear.gather [hbm4b:s30+s6], $0x10, $0x38;
	[tilespmem:$0x4C00] =	vst v63  }
0x2f3: {  	s30 =	sadd.s32 $0x30, s29;
	s31 =	sadd.s32 $0x2980, s28  }
0x2f4: {  	[tilespmem:s31], [sflag:$0x1] =	stream.linear.gather [hbm4b:s30+s6], $0x10, $0x38;
	[tilespmem:$0x4C00] =	vst v63  }
0x2f5: {  	s30 =	sadd.s32 $0x40, s29;
	s31 =	sadd.s32 $0x2A00, s28  }
0x2f6: {  	[tilespmem:s31], [sflag:$0x1] =	stream.linear.gather [hbm4b:s30+s6], $0x10, $0x38;
	[tilespmem:$0x4C00] =	vst v63  }
0x2f7: {  	s30 =	sadd.s32 $0x50, s29;
	s31 =	sadd.s32 $0x2A80, s28  }
0x2f8: {  	[tilespmem:s31], [sflag:$0x1] =	stream.linear.gather [hbm4b:s30+s6], $0x10, $0x38;
	[tilespmem:$0x4C00] =	vst v63  }
0x2f9: {  	s30 =	sadd.s32 $0x60, s29;
	s31 =	sadd.s32 $0x2B00, s28  }
0x2fa: {  	[tilespmem:s31], [sflag:$0x1] =	stream.linear.gather [hbm4b:s30+s6], $0x10, $0x38;
	[tilespmem:$0x4C00] =	vst v63  }
0x2fb: {  	s30 =	sadd.s32 $0x70, s29;
	s31 =	sadd.s32 $0x2B80, s28  }
0x2fc: {  	[tilespmem:s31], [sflag:$0x1] =	stream.linear.gather [hbm4b:s30+s6], $0x10, $0x38;
	[tilespmem:$0x4C00] =	vst v63  }
0x2fd: {  	s29 =	sadd.s32 $0xF4280, s29;
	s31 =	sadd.s32 $0x3800, s28  }
0x2fe: {  	(v2sf) =	vpush v3, $0x9;
	[tilespmem:s31], [sflag:$0x1] =	stream.linear.gather [hbm4b:s29+s6], $0x10, $0x38;
	[tilespmem:$0x4C00] =	vst v63  }
0x2ff: {  	s30 =	sadd.s32 $0x10, s29;
	s31 =	sadd.s32 $0x3880, s28  }
0x300: {  	[tilespmem:s31], [sflag:$0x1] =	stream.linear.gather [hbm4b:s30+s6], $0x10, $0x38;
	[tilespmem:$0x4C00] =	vst v63  }
0x301: {  	s30 =	sadd.s32 $0x20, s29;
	s31 =	sadd.s32 $0x3900, s28  }
0x302: {  	[tilespmem:s31], [sflag:$0x1] =	stream.linear.gather [hbm4b:s30+s6], $0x10, $0x38;
	[tilespmem:$0x4C00] =	vst v63  }
0x303: {  	s30 =	sadd.s32 $0x30, s29;
	s31 =	sadd.s32 $0x3980, s28  }
0x304: {  	[tilespmem:s31], [sflag:$0x1] =	stream.linear.gather [hbm4b:s30+s6], $0x10, $0x38;
	[tilespmem:$0x4C00] =	vst v63  }
0x305: {  	s30 =	sadd.s32 $0x40, s29;
	s31 =	sadd.s32 $0x3A00, s28  }
0x306: {  	[tilespmem:s31], [sflag:$0x1] =	stream.linear.gather [hbm4b:s30+s6], $0x10, $0x38;
	[tilespmem:$0x4C00] =	vst v63  }
0x307: {  	s30 =	sadd.s32 $0x50, s29;
	s31 =	sadd.s32 $0x3A80, s28  }
0x308: {  	[tilespmem:s31], [sflag:$0x1] =	stream.linear.gather [hbm4b:s30+s6], $0x10, $0x38;
	[tilespmem:$0x4C00] =	vst v63  }
0x309: {  	s30 =	sadd.s32 $0x60, s29;
	s31 =	sadd.s32 $0x3B00, s28  }
0x30a: {  	[tilespmem:s31], [sflag:$0x1] =	stream.linear.gather [hbm4b:s30+s6], $0x10, $0x38;
	[tilespmem:$0x4C00] =	vst v63  }
0x30b: {  	s29 =	sadd.s32 $0x70, s29;
	s31 =	sadd.s32 $0x3B80, s28  }
0x30c: {  	[tilespmem:s31], [sflag:$0x1] =	stream.linear.gather [hbm4b:s29+s6], $0x10, $0x38;
	[tilespmem:$0x4C00] =	vst v63  }
0x30d: {  	s29 =	spop (v2sf)  }
0x30e: {  	s31 =	sshll.u32 s29, $0x3  }
0x30f: {  	s29 =	sand.u32 $0x70, s29;
	s30 =	sand.u32 $0xFFFFFC00, s31  }
0x310: {  	s29 =	sor.u32 s29, s30  }
0x311: {  	s29 =	sshrl.u32 s29, $0x3  }
0x312: {  	s31 =	sadd.s32 $0x810, s28;
	s29 =	sadd.s32 s1, s29  }
0x313: {  	[tilespmem:s31], [sflag:$0x1] =	stream.linear.gather [hbm4b:s29+s6], $0x10, $0x38;
	[tilespmem:$0x4C00] =	vst v63  }
0x314: {  	s30 =	sadd.s32 $0x10, s29;
	s31 =	sadd.s32 $0x890, s28  }
0x315: {  	[tilespmem:s31], [sflag:$0x1] =	stream.linear.gather [hbm4b:s30+s6], $0x10, $0x38;
	[tilespmem:$0x4C00] =	vst v63  }
0x316: {  	s30 =	sadd.s32 $0x20, s29;
	s31 =	sadd.s32 $0x910, s28  }
0x317: {  	[tilespmem:s31], [sflag:$0x1] =	stream.linear.gather [hbm4b:s30+s6], $0x10, $0x38;
	[tilespmem:$0x4C00] =	vst v63  }
0x318: {  	s30 =	sadd.s32 $0x30, s29;
	s31 =	sadd.s32 $0x990, s28  }
0x319: {  	[tilespmem:s31], [sflag:$0x1] =	stream.linear.gather [hbm4b:s30+s6], $0x10, $0x38;
	[tilespmem:$0x4C00] =	vst v63  }
0x31a: {  	s30 =	sadd.s32 $0x40, s29;
	s31 =	sadd.s32 $0xA10, s28  }
0x31b: {  	[tilespmem:s31], [sflag:$0x1] =	stream.linear.gather [hbm4b:s30+s6], $0x10, $0x38;
	[tilespmem:$0x4C00] =	vst v63  }
0x31c: {  	s30 =	sadd.s32 $0x50, s29;
	s31 =	sadd.s32 $0xA90, s28  }
0x31d: {  	[tilespmem:s31], [sflag:$0x1] =	stream.linear.gather [hbm4b:s30+s6], $0x10, $0x38;
	[tilespmem:$0x4C00] =	vst v63  }
0x31e: {  	s30 =	sadd.s32 $0x60, s29;
	s31 =	sadd.s32 $0xB10, s28  }
0x31f: {  	[tilespmem:s31], [sflag:$0x1] =	stream.linear.gather [hbm4b:s30+s6], $0x10, $0x38;
	[tilespmem:$0x4C00] =	vst v63  }
0x320: {  	s30 =	sadd.s32 $0x70, s29;
	s31 =	sadd.s32 $0xB90, s28  }
0x321: {  	[tilespmem:s31], [sflag:$0x1] =	stream.linear.gather [hbm4b:s30+s6], $0x10, $0x38;
	[tilespmem:$0x4C00] =	vst v63  }
0x322: {  	s29 =	sadd.s32 $0xF4280, s29;
	s31 =	sadd.s32 $0x1810, s28  }
0x323: {  	(v2sf) =	vpush v2, $0x9;
	[tilespmem:s31], [sflag:$0x1] =	stream.linear.gather [hbm4b:s29+s6], $0x10, $0x38;
	[tilespmem:$0x4C00] =	vst v63  }
0x324: {  	s30 =	sadd.s32 $0x10, s29;
	s31 =	sadd.s32 $0x1890, s28  }
0x325: {  	[tilespmem:s31], [sflag:$0x1] =	stream.linear.gather [hbm4b:s30+s6], $0x10, $0x38;
	[tilespmem:$0x4C00] =	vst v63  }
0x326: {  	s30 =	sadd.s32 $0x20, s29;
	s31 =	sadd.s32 $0x1910, s28  }
0x327: {  	[tilespmem:s31], [sflag:$0x1] =	stream.linear.gather [hbm4b:s30+s6], $0x10, $0x38;
	[tilespmem:$0x4C00] =	vst v63  }
0x328: {  	s30 =	sadd.s32 $0x30, s29;
	s31 =	sadd.s32 $0x1990, s28  }
0x329: {  	[tilespmem:s31], [sflag:$0x1] =	stream.linear.gather [hbm4b:s30+s6], $0x10, $0x38;
	[tilespmem:$0x4C00] =	vst v63  }
0x32a: {  	s30 =	sadd.s32 $0x40, s29;
	s31 =	sadd.s32 $0x1A10, s28  }
0x32b: {  	[tilespmem:s31], [sflag:$0x1] =	stream.linear.gather [hbm4b:s30+s6], $0x10, $0x38;
	[tilespmem:$0x4C00] =	vst v63  }
0x32c: {  	s30 =	sadd.s32 $0x50, s29;
	s31 =	sadd.s32 $0x1A90, s28  }
0x32d: {  	[tilespmem:s31], [sflag:$0x1] =	stream.linear.gather [hbm4b:s30+s6], $0x10, $0x38;
	[tilespmem:$0x4C00] =	vst v63  }
0x32e: {  	s30 =	sadd.s32 $0x60, s29;
	s31 =	sadd.s32 $0x1B10, s28  }
0x32f: {  	[tilespmem:s31], [sflag:$0x1] =	stream.linear.gather [hbm4b:s30+s6], $0x10, $0x38;
	[tilespmem:$0x4C00] =	vst v63  }
0x330: {  	s29 =	sadd.s32 $0x70, s29;
	s31 =	sadd.s32 $0x1B90, s28  }
0x331: {  	[tilespmem:s31], [sflag:$0x1] =	stream.linear.gather [hbm4b:s29+s6], $0x10, $0x38;
	[tilespmem:$0x4C00] =	vst v63  }
0x332: {  	s29 =	spop (v2sf)  }
0x333: {  	s31 =	sshll.u32 s29, $0x3  }
0x334: {  	s29 =	sand.u32 $0x70, s29;
	s30 =	sand.u32 $0xFFFFFC00, s31  }
0x335: {  	s29 =	sor.u32 s29, s30  }
0x336: {  	s29 =	sshrl.u32 s29, $0x3  }
0x337: {  	s31 =	sadd.s32 $0x2810, s28;
	s29 =	sadd.s32 s2, s29  }
0x338: {  	[tilespmem:s31], [sflag:$0x1] =	stream.linear.gather [hbm4b:s29+s6], $0x10, $0x38;
	[tilespmem:$0x4C00] =	vst v63  }
0x339: {  	s30 =	sadd.s32 $0x10, s29;
	s31 =	sadd.s32 $0x2890, s28  }
0x33a: {  	[tilespmem:s31], [sflag:$0x1] =	stream.linear.gather [hbm4b:s30+s6], $0x10, $0x38;
	[tilespmem:$0x4C00] =	vst v63  }
0x33b: {  	s30 =	sadd.s32 $0x20, s29;
	s31 =	sadd.s32 $0x2910, s28  }
0x33c: {  	[tilespmem:s31], [sflag:$0x1] =	stream.linear.gather [hbm4b:s30+s6], $0x10, $0x38;
	[tilespmem:$0x4C00] =	vst v63  }
0x33d: {  	s30 =	sadd.s32 $0x30, s29;
	s31 =	sadd.s32 $0x2990, s28  }
0x33e: {  	[tilespmem:s31], [sflag:$0x1] =	stream.linear.gather [hbm4b:s30+s6], $0x10, $0x38;
	[tilespmem:$0x4C00] =	vst v63  }
0x33f: {  	s30 =	sadd.s32 $0x40, s29;
	s31 =	sadd.s32 $0x2A10, s28  }
0x340: {  	[tilespmem:s31], [sflag:$0x1] =	stream.linear.gather [hbm4b:s30+s6], $0x10, $0x38;
	[tilespmem:$0x4C00] =	vst v63  }
0x341: {  	s30 =	sadd.s32 $0x50, s29;
	s31 =	sadd.s32 $0x2A90, s28  }
0x342: {  	[tilespmem:s31], [sflag:$0x1] =	stream.linear.gather [hbm4b:s30+s6], $0x10, $0x38;
	[tilespmem:$0x4C00] =	vst v63  }
0x343: {  	s30 =	sadd.s32 $0x60, s29;
	s31 =	sadd.s32 $0x2B10, s28  }
0x344: {  	[tilespmem:s31], [sflag:$0x1] =	stream.linear.gather [hbm4b:s30+s6], $0x10, $0x38;
	[tilespmem:$0x4C00] =	vst v63  }
0x345: {  	s30 =	sadd.s32 $0x70, s29;
	s31 =	sadd.s32 $0x2B90, s28  }
0x346: {  	[tilespmem:s31], [sflag:$0x1] =	stream.linear.gather [hbm4b:s30+s6], $0x10, $0x38;
	[tilespmem:$0x4C00] =	vst v63  }
0x347: {  	s29 =	sadd.s32 $0xF4280, s29;
	s31 =	sadd.s32 $0x3810, s28  }
0x348: {  	(v2sf) =	vpush v3, $0xA;
	[tilespmem:s31], [sflag:$0x1] =	stream.linear.gather [hbm4b:s29+s6], $0x10, $0x38;
	[tilespmem:$0x4C00] =	vst v63  }
0x349: {  	s30 =	sadd.s32 $0x10, s29;
	s31 =	sadd.s32 $0x3890, s28  }
0x34a: {  	[tilespmem:s31], [sflag:$0x1] =	stream.linear.gather [hbm4b:s30+s6], $0x10, $0x38;
	[tilespmem:$0x4C00] =	vst v63  }
0x34b: {  	s30 =	sadd.s32 $0x20, s29;
	s31 =	sadd.s32 $0x3910, s28  }
0x34c: {  	[tilespmem:s31], [sflag:$0x1] =	stream.linear.gather [hbm4b:s30+s6], $0x10, $0x38;
	[tilespmem:$0x4C00] =	vst v63  }
0x34d: {  	s30 =	sadd.s32 $0x30, s29;
	s31 =	sadd.s32 $0x3990, s28  }
0x34e: {  	[tilespmem:s31], [sflag:$0x1] =	stream.linear.gather [hbm4b:s30+s6], $0x10, $0x38;
	[tilespmem:$0x4C00] =	vst v63  }
0x34f: {  	s30 =	sadd.s32 $0x40, s29;
	s31 =	sadd.s32 $0x3A10, s28  }
0x350: {  	[tilespmem:s31], [sflag:$0x1] =	stream.linear.gather [hbm4b:s30+s6], $0x10, $0x38;
	[tilespmem:$0x4C00] =	vst v63  }
0x351: {  	s30 =	sadd.s32 $0x50, s29;
	s31 =	sadd.s32 $0x3A90, s28  }
0x352: {  	[tilespmem:s31], [sflag:$0x1] =	stream.linear.gather [hbm4b:s30+s6], $0x10, $0x38;
	[tilespmem:$0x4C00] =	vst v63  }
0x353: {  	s30 =	sadd.s32 $0x60, s29;
	s31 =	sadd.s32 $0x3B10, s28  }
0x354: {  	[tilespmem:s31], [sflag:$0x1] =	stream.linear.gather [hbm4b:s30+s6], $0x10, $0x38;
	[tilespmem:$0x4C00] =	vst v63  }
0x355: {  	s29 =	sadd.s32 $0x70, s29;
	s31 =	sadd.s32 $0x3B90, s28  }
0x356: {  	[tilespmem:s31], [sflag:$0x1] =	stream.linear.gather [hbm4b:s29+s6], $0x10, $0x38;
	[tilespmem:$0x4C00] =	vst v63  }
0x357: {  	s29 =	spop (v2sf)  }
0x358: {  	s31 =	sshll.u32 s29, $0x3  }
0x359: {  	s29 =	sand.u32 $0x70, s29;
	s30 =	sand.u32 $0xFFFFFC00, s31  }
0x35a: {  	s29 =	sor.u32 s29, s30  }
0x35b: {  	s29 =	sshrl.u32 s29, $0x3  }
0x35c: {  	s31 =	sadd.s32 $0x820, s28;
	s29 =	sadd.s32 s1, s29  }
0x35d: {  	[tilespmem:s31], [sflag:$0x1] =	stream.linear.gather [hbm4b:s29+s6], $0x10, $0x38;
	[tilespmem:$0x4C00] =	vst v63  }
0x35e: {  	s30 =	sadd.s32 $0x10, s29;
	s31 =	sadd.s32 $0x8A0, s28  }
0x35f: {  	[tilespmem:s31], [sflag:$0x1] =	stream.linear.gather [hbm4b:s30+s6], $0x10, $0x38;
	[tilespmem:$0x4C00] =	vst v63  }
0x360: {  	s30 =	sadd.s32 $0x20, s29;
	s31 =	sadd.s32 $0x920, s28  }
0x361: {  	[tilespmem:s31], [sflag:$0x1] =	stream.linear.gather [hbm4b:s30+s6], $0x10, $0x38;
	[tilespmem:$0x4C00] =	vst v63  }
0x362: {  	s30 =	sadd.s32 $0x30, s29;
	s31 =	sadd.s32 $0x9A0, s28  }
0x363: {  	[tilespmem:s31], [sflag:$0x1] =	stream.linear.gather [hbm4b:s30+s6], $0x10, $0x38;
	[tilespmem:$0x4C00] =	vst v63  }
0x364: {  	s30 =	sadd.s32 $0x40, s29;
	s31 =	sadd.s32 $0xA20, s28  }
0x365: {  	[tilespmem:s31], [sflag:$0x1] =	stream.linear.gather [hbm4b:s30+s6], $0x10, $0x38;
	[tilespmem:$0x4C00] =	vst v63  }
0x366: {  	s30 =	sadd.s32 $0x50, s29;
	s31 =	sadd.s32 $0xAA0, s28  }
0x367: {  	[tilespmem:s31], [sflag:$0x1] =	stream.linear.gather [hbm4b:s30+s6], $0x10, $0x38;
	[tilespmem:$0x4C00] =	vst v63  }
0x368: {  	s30 =	sadd.s32 $0x60, s29;
	s31 =	sadd.s32 $0xB20, s28  }
0x369: {  	[tilespmem:s31], [sflag:$0x1] =	stream.linear.gather [hbm4b:s30+s6], $0x10, $0x38;
	[tilespmem:$0x4C00] =	vst v63  }
0x36a: {  	s30 =	sadd.s32 $0x70, s29;
	s31 =	sadd.s32 $0xBA0, s28  }
0x36b: {  	[tilespmem:s31], [sflag:$0x1] =	stream.linear.gather [hbm4b:s30+s6], $0x10, $0x38;
	[tilespmem:$0x4C00] =	vst v63  }
0x36c: {  	s29 =	sadd.s32 $0xF4280, s29;
	s31 =	sadd.s32 $0x1820, s28  }
0x36d: {  	(v2sf) =	vpush v2, $0xA;
	[tilespmem:s31], [sflag:$0x1] =	stream.linear.gather [hbm4b:s29+s6], $0x10, $0x38;
	[tilespmem:$0x4C00] =	vst v63  }
0x36e: {  	s30 =	sadd.s32 $0x10, s29;
	s31 =	sadd.s32 $0x18A0, s28  }
0x36f: {  	[tilespmem:s31], [sflag:$0x1] =	stream.linear.gather [hbm4b:s30+s6], $0x10, $0x38;
	[tilespmem:$0x4C00] =	vst v63  }
0x370: {  	s30 =	sadd.s32 $0x20, s29;
	s31 =	sadd.s32 $0x1920, s28  }
0x371: {  	[tilespmem:s31], [sflag:$0x1] =	stream.linear.gather [hbm4b:s30+s6], $0x10, $0x38;
	[tilespmem:$0x4C00] =	vst v63  }
0x372: {  	s30 =	sadd.s32 $0x30, s29;
	s31 =	sadd.s32 $0x19A0, s28  }
0x373: {  	[tilespmem:s31], [sflag:$0x1] =	stream.linear.gather [hbm4b:s30+s6], $0x10, $0x38;
	[tilespmem:$0x4C00] =	vst v63  }
0x374: {  	s30 =	sadd.s32 $0x40, s29;
	s31 =	sadd.s32 $0x1A20, s28  }
0x375: {  	[tilespmem:s31], [sflag:$0x1] =	stream.linear.gather [hbm4b:s30+s6], $0x10, $0x38;
	[tilespmem:$0x4C00] =	vst v63  }
0x376: {  	s30 =	sadd.s32 $0x50, s29;
	s31 =	sadd.s32 $0x1AA0, s28  }
0x377: {  	[tilespmem:s31], [sflag:$0x1] =	stream.linear.gather [hbm4b:s30+s6], $0x10, $0x38;
	[tilespmem:$0x4C00] =	vst v63  }
0x378: {  	s30 =	sadd.s32 $0x60, s29;
	s31 =	sadd.s32 $0x1B20, s28  }
0x379: {  	[tilespmem:s31], [sflag:$0x1] =	stream.linear.gather [hbm4b:s30+s6], $0x10, $0x38;
	[tilespmem:$0x4C00] =	vst v63  }
0x37a: {  	s29 =	sadd.s32 $0x70, s29;
	s31 =	sadd.s32 $0x1BA0, s28  }
0x37b: {  	[tilespmem:s31], [sflag:$0x1] =	stream.linear.gather [hbm4b:s29+s6], $0x10, $0x38;
	[tilespmem:$0x4C00] =	vst v63  }
0x37c: {  	s29 =	spop (v2sf)  }
0x37d: {  	s31 =	sshll.u32 s29, $0x3  }
0x37e: {  	s29 =	sand.u32 $0x70, s29;
	s30 =	sand.u32 $0xFFFFFC00, s31  }
0x37f: {  	s29 =	sor.u32 s29, s30  }
0x380: {  	s29 =	sshrl.u32 s29, $0x3  }
0x381: {  	s31 =	sadd.s32 $0x2820, s28;
	s29 =	sadd.s32 s2, s29  }
0x382: {  	[tilespmem:s31], [sflag:$0x1] =	stream.linear.gather [hbm4b:s29+s6], $0x10, $0x38;
	[tilespmem:$0x4C00] =	vst v63  }
0x383: {  	s30 =	sadd.s32 $0x10, s29;
	s31 =	sadd.s32 $0x28A0, s28  }
0x384: {  	[tilespmem:s31], [sflag:$0x1] =	stream.linear.gather [hbm4b:s30+s6], $0x10, $0x38;
	[tilespmem:$0x4C00] =	vst v63  }
0x385: {  	s30 =	sadd.s32 $0x20, s29;
	s31 =	sadd.s32 $0x2920, s28  }
0x386: {  	[tilespmem:s31], [sflag:$0x1] =	stream.linear.gather [hbm4b:s30+s6], $0x10, $0x38;
	[tilespmem:$0x4C00] =	vst v63  }
0x387: {  	s30 =	sadd.s32 $0x30, s29;
	s31 =	sadd.s32 $0x29A0, s28  }
0x388: {  	[tilespmem:s31], [sflag:$0x1] =	stream.linear.gather [hbm4b:s30+s6], $0x10, $0x38;
	[tilespmem:$0x4C00] =	vst v63  }
0x389: {  	s30 =	sadd.s32 $0x40, s29;
	s31 =	sadd.s32 $0x2A20, s28  }
0x38a: {  	[tilespmem:s31], [sflag:$0x1] =	stream.linear.gather [hbm4b:s30+s6], $0x10, $0x38;
	[tilespmem:$0x4C00] =	vst v63  }
0x38b: {  	s30 =	sadd.s32 $0x50, s29;
	s31 =	sadd.s32 $0x2AA0, s28  }
0x38c: {  	[tilespmem:s31], [sflag:$0x1] =	stream.linear.gather [hbm4b:s30+s6], $0x10, $0x38;
	[tilespmem:$0x4C00] =	vst v63  }
0x38d: {  	s30 =	sadd.s32 $0x60, s29;
	s31 =	sadd.s32 $0x2B20, s28  }
0x38e: {  	[tilespmem:s31], [sflag:$0x1] =	stream.linear.gather [hbm4b:s30+s6], $0x10, $0x38;
	[tilespmem:$0x4C00] =	vst v63  }
0x38f: {  	s30 =	sadd.s32 $0x70, s29;
	s31 =	sadd.s32 $0x2BA0, s28  }
0x390: {  	[tilespmem:s31], [sflag:$0x1] =	stream.linear.gather [hbm4b:s30+s6], $0x10, $0x38;
	[tilespmem:$0x4C00] =	vst v63  }
0x391: {  	s29 =	sadd.s32 $0xF4280, s29;
	s31 =	sadd.s32 $0x3820, s28  }
0x392: {  	(v2sf) =	vpush v3, $0xB;
	[tilespmem:s31], [sflag:$0x1] =	stream.linear.gather [hbm4b:s29+s6], $0x10, $0x38;
	[tilespmem:$0x4C00] =	vst v63  }
0x393: {  	s30 =	sadd.s32 $0x10, s29;
	s31 =	sadd.s32 $0x38A0, s28  }
0x394: {  	[tilespmem:s31], [sflag:$0x1] =	stream.linear.gather [hbm4b:s30+s6], $0x10, $0x38;
	[tilespmem:$0x4C00] =	vst v63  }
0x395: {  	s30 =	sadd.s32 $0x20, s29;
	s31 =	sadd.s32 $0x3920, s28  }
0x396: {  	[tilespmem:s31], [sflag:$0x1] =	stream.linear.gather [hbm4b:s30+s6], $0x10, $0x38;
	[tilespmem:$0x4C00] =	vst v63  }
0x397: {  	s30 =	sadd.s32 $0x30, s29;
	s31 =	sadd.s32 $0x39A0, s28  }
0x398: {  	[tilespmem:s31], [sflag:$0x1] =	stream.linear.gather [hbm4b:s30+s6], $0x10, $0x38;
	[tilespmem:$0x4C00] =	vst v63  }
0x399: {  	s30 =	sadd.s32 $0x40, s29;
	s31 =	sadd.s32 $0x3A20, s28  }
0x39a: {  	[tilespmem:s31], [sflag:$0x1] =	stream.linear.gather [hbm4b:s30+s6], $0x10, $0x38;
	[tilespmem:$0x4C00] =	vst v63  }
0x39b: {  	s30 =	sadd.s32 $0x50, s29;
	s31 =	sadd.s32 $0x3AA0, s28  }
0x39c: {  	[tilespmem:s31], [sflag:$0x1] =	stream.linear.gather [hbm4b:s30+s6], $0x10, $0x38;
	[tilespmem:$0x4C00] =	vst v63  }
0x39d: {  	s30 =	sadd.s32 $0x60, s29;
	s31 =	sadd.s32 $0x3B20, s28  }
0x39e: {  	[tilespmem:s31], [sflag:$0x1] =	stream.linear.gather [hbm4b:s30+s6], $0x10, $0x38;
	[tilespmem:$0x4C00] =	vst v63  }
0x39f: {  	s29 =	sadd.s32 $0x70, s29;
	s31 =	sadd.s32 $0x3BA0, s28  }
0x3a0: {  	[tilespmem:s31], [sflag:$0x1] =	stream.linear.gather [hbm4b:s29+s6], $0x10, $0x38;
	[tilespmem:$0x4C00] =	vst v63  }
0x3a1: {  	s29 =	spop (v2sf)  }
0x3a2: {  	s31 =	sshll.u32 s29, $0x3  }
0x3a3: {  	s29 =	sand.u32 $0x70, s29;
	s30 =	sand.u32 $0xFFFFFC00, s31  }
0x3a4: {  	s29 =	sor.u32 s29, s30  }
0x3a5: {  	s29 =	sshrl.u32 s29, $0x3  }
0x3a6: {  	s31 =	sadd.s32 $0x830, s28;
	s29 =	sadd.s32 s1, s29  }
0x3a7: {  	[tilespmem:s31], [sflag:$0x1] =	stream.linear.gather [hbm4b:s29+s6], $0x10, $0x38;
	[tilespmem:$0x4C00] =	vst v63  }
0x3a8: {  	s30 =	sadd.s32 $0x10, s29;
	s31 =	sadd.s32 $0x8B0, s28  }
0x3a9: {  	[tilespmem:s31], [sflag:$0x1] =	stream.linear.gather [hbm4b:s30+s6], $0x10, $0x38;
	[tilespmem:$0x4C00] =	vst v63  }
0x3aa: {  	s30 =	sadd.s32 $0x20, s29;
	s31 =	sadd.s32 $0x930, s28  }
0x3ab: {  	[tilespmem:s31], [sflag:$0x1] =	stream.linear.gather [hbm4b:s30+s6], $0x10, $0x38;
	[tilespmem:$0x4C00] =	vst v63  }
0x3ac: {  	s30 =	sadd.s32 $0x30, s29;
	s31 =	sadd.s32 $0x9B0, s28  }
0x3ad: {  	[tilespmem:s31], [sflag:$0x1] =	stream.linear.gather [hbm4b:s30+s6], $0x10, $0x38;
	[tilespmem:$0x4C00] =	vst v63  }
0x3ae: {  	s30 =	sadd.s32 $0x40, s29;
	s31 =	sadd.s32 $0xA30, s28  }
0x3af: {  	[tilespmem:s31], [sflag:$0x1] =	stream.linear.gather [hbm4b:s30+s6], $0x10, $0x38;
	[tilespmem:$0x4C00] =	vst v63  }
0x3b0: {  	s30 =	sadd.s32 $0x50, s29;
	s31 =	sadd.s32 $0xAB0, s28  }
0x3b1: {  	[tilespmem:s31], [sflag:$0x1] =	stream.linear.gather [hbm4b:s30+s6], $0x10, $0x38;
	[tilespmem:$0x4C00] =	vst v63  }
0x3b2: {  	s30 =	sadd.s32 $0x60, s29;
	s31 =	sadd.s32 $0xB30, s28  }
0x3b3: {  	[tilespmem:s31], [sflag:$0x1] =	stream.linear.gather [hbm4b:s30+s6], $0x10, $0x38;
	[tilespmem:$0x4C00] =	vst v63  }
0x3b4: {  	s30 =	sadd.s32 $0x70, s29;
	s31 =	sadd.s32 $0xBB0, s28  }
0x3b5: {  	[tilespmem:s31], [sflag:$0x1] =	stream.linear.gather [hbm4b:s30+s6], $0x10, $0x38;
	[tilespmem:$0x4C00] =	vst v63  }
0x3b6: {  	s29 =	sadd.s32 $0xF4280, s29;
	s31 =	sadd.s32 $0x1830, s28  }
0x3b7: {  	(v2sf) =	vpush v2, $0xB;
	[tilespmem:s31], [sflag:$0x1] =	stream.linear.gather [hbm4b:s29+s6], $0x10, $0x38;
	[tilespmem:$0x4C00] =	vst v63  }
0x3b8: {  	s30 =	sadd.s32 $0x10, s29;
	s31 =	sadd.s32 $0x18B0, s28  }
0x3b9: {  	[tilespmem:s31], [sflag:$0x1] =	stream.linear.gather [hbm4b:s30+s6], $0x10, $0x38;
	[tilespmem:$0x4C00] =	vst v63  }
0x3ba: {  	s30 =	sadd.s32 $0x20, s29;
	s31 =	sadd.s32 $0x1930, s28  }
0x3bb: {  	[tilespmem:s31], [sflag:$0x1] =	stream.linear.gather [hbm4b:s30+s6], $0x10, $0x38;
	[tilespmem:$0x4C00] =	vst v63  }
0x3bc: {  	s30 =	sadd.s32 $0x30, s29;
	s31 =	sadd.s32 $0x19B0, s28  }
0x3bd: {  	[tilespmem:s31], [sflag:$0x1] =	stream.linear.gather [hbm4b:s30+s6], $0x10, $0x38;
	[tilespmem:$0x4C00] =	vst v63  }
0x3be: {  	s30 =	sadd.s32 $0x40, s29;
	s31 =	sadd.s32 $0x1A30, s28  }
0x3bf: {  	[tilespmem:s31], [sflag:$0x1] =	stream.linear.gather [hbm4b:s30+s6], $0x10, $0x38;
	[tilespmem:$0x4C00] =	vst v63  }
0x3c0: {  	s30 =	sadd.s32 $0x50, s29;
	s31 =	sadd.s32 $0x1AB0, s28  }
0x3c1: {  	[tilespmem:s31], [sflag:$0x1] =	stream.linear.gather [hbm4b:s30+s6], $0x10, $0x38;
	[tilespmem:$0x4C00] =	vst v63  }
0x3c2: {  	s30 =	sadd.s32 $0x60, s29;
	s31 =	sadd.s32 $0x1B30, s28  }
0x3c3: {  	[tilespmem:s31], [sflag:$0x1] =	stream.linear.gather [hbm4b:s30+s6], $0x10, $0x38;
	[tilespmem:$0x4C00] =	vst v63  }
0x3c4: {  	s29 =	sadd.s32 $0x70, s29;
	s31 =	sadd.s32 $0x1BB0, s28  }
0x3c5: {  	[tilespmem:s31], [sflag:$0x1] =	stream.linear.gather [hbm4b:s29+s6], $0x10, $0x38;
	[tilespmem:$0x4C00] =	vst v63  }
0x3c6: {  	s29 =	spop (v2sf)  }
0x3c7: {  	s31 =	sshll.u32 s29, $0x3  }
0x3c8: {  	s29 =	sand.u32 $0x70, s29;
	s30 =	sand.u32 $0xFFFFFC00, s31  }
0x3c9: {  	s29 =	sor.u32 s29, s30  }
0x3ca: {  	s29 =	sshrl.u32 s29, $0x3  }
0x3cb: {  	s31 =	sadd.s32 $0x2830, s28;
	s29 =	sadd.s32 s2, s29  }
0x3cc: {  	[tilespmem:s31], [sflag:$0x1] =	stream.linear.gather [hbm4b:s29+s6], $0x10, $0x38;
	[tilespmem:$0x4C00] =	vst v63  }
0x3cd: {  	s30 =	sadd.s32 $0x10, s29;
	s31 =	sadd.s32 $0x28B0, s28  }
0x3ce: {  	[tilespmem:s31], [sflag:$0x1] =	stream.linear.gather [hbm4b:s30+s6], $0x10, $0x38;
	[tilespmem:$0x4C00] =	vst v63  }
0x3cf: {  	s30 =	sadd.s32 $0x20, s29;
	s31 =	sadd.s32 $0x2930, s28  }
0x3d0: {  	[tilespmem:s31], [sflag:$0x1] =	stream.linear.gather [hbm4b:s30+s6], $0x10, $0x38;
	[tilespmem:$0x4C00] =	vst v63  }
0x3d1: {  	s30 =	sadd.s32 $0x30, s29;
	s31 =	sadd.s32 $0x29B0, s28  }
0x3d2: {  	[tilespmem:s31], [sflag:$0x1] =	stream.linear.gather [hbm4b:s30+s6], $0x10, $0x38;
	[tilespmem:$0x4C00] =	vst v63  }
0x3d3: {  	s30 =	sadd.s32 $0x40, s29;
	s31 =	sadd.s32 $0x2A30, s28  }
0x3d4: {  	[tilespmem:s31], [sflag:$0x1] =	stream.linear.gather [hbm4b:s30+s6], $0x10, $0x38;
	[tilespmem:$0x4C00] =	vst v63  }
0x3d5: {  	s30 =	sadd.s32 $0x50, s29;
	s31 =	sadd.s32 $0x2AB0, s28  }
0x3d6: {  	[tilespmem:s31], [sflag:$0x1] =	stream.linear.gather [hbm4b:s30+s6], $0x10, $0x38;
	[tilespmem:$0x4C00] =	vst v63  }
0x3d7: {  	s30 =	sadd.s32 $0x60, s29;
	s31 =	sadd.s32 $0x2B30, s28  }
0x3d8: {  	[tilespmem:s31], [sflag:$0x1] =	stream.linear.gather [hbm4b:s30+s6], $0x10, $0x38;
	[tilespmem:$0x4C00] =	vst v63  }
0x3d9: {  	s30 =	sadd.s32 $0x70, s29;
	s31 =	sadd.s32 $0x2BB0, s28  }
0x3da: {  	[tilespmem:s31], [sflag:$0x1] =	stream.linear.gather [hbm4b:s30+s6], $0x10, $0x38;
	[tilespmem:$0x4C00] =	vst v63  }
0x3db: {  	s29 =	sadd.s32 $0xF4280, s29;
	s31 =	sadd.s32 $0x3830, s28  }
0x3dc: {  	(v2sf) =	vpush v3, $0xC;
	[tilespmem:s31], [sflag:$0x1] =	stream.linear.gather [hbm4b:s29+s6], $0x10, $0x38;
	[tilespmem:$0x4C00] =	vst v63  }
0x3dd: {  	s30 =	sadd.s32 $0x10, s29;
	s31 =	sadd.s32 $0x38B0, s28  }
0x3de: {  	[tilespmem:s31], [sflag:$0x1] =	stream.linear.gather [hbm4b:s30+s6], $0x10, $0x38;
	[tilespmem:$0x4C00] =	vst v63  }
0x3df: {  	s30 =	sadd.s32 $0x20, s29;
	s31 =	sadd.s32 $0x3930, s28  }
0x3e0: {  	[tilespmem:s31], [sflag:$0x1] =	stream.linear.gather [hbm4b:s30+s6], $0x10, $0x38;
	[tilespmem:$0x4C00] =	vst v63  }
0x3e1: {  	s30 =	sadd.s32 $0x30, s29;
	s31 =	sadd.s32 $0x39B0, s28  }
0x3e2: {  	[tilespmem:s31], [sflag:$0x1] =	stream.linear.gather [hbm4b:s30+s6], $0x10, $0x38;
	[tilespmem:$0x4C00] =	vst v63  }
0x3e3: {  	s30 =	sadd.s32 $0x40, s29;
	s31 =	sadd.s32 $0x3A30, s28  }
0x3e4: {  	[tilespmem:s31], [sflag:$0x1] =	stream.linear.gather [hbm4b:s30+s6], $0x10, $0x38;
	[tilespmem:$0x4C00] =	vst v63  }
0x3e5: {  	s30 =	sadd.s32 $0x50, s29;
	s31 =	sadd.s32 $0x3AB0, s28  }
0x3e6: {  	[tilespmem:s31], [sflag:$0x1] =	stream.linear.gather [hbm4b:s30+s6], $0x10, $0x38;
	[tilespmem:$0x4C00] =	vst v63  }
0x3e7: {  	s30 =	sadd.s32 $0x60, s29;
	s31 =	sadd.s32 $0x3B30, s28  }
0x3e8: {  	[tilespmem:s31], [sflag:$0x1] =	stream.linear.gather [hbm4b:s30+s6], $0x10, $0x38;
	[tilespmem:$0x4C00] =	vst v63  }
0x3e9: {  	s29 =	sadd.s32 $0x70, s29;
	s31 =	sadd.s32 $0x3BB0, s28  }
0x3ea: {  	[tilespmem:s31], [sflag:$0x1] =	stream.linear.gather [hbm4b:s29+s6], $0x10, $0x38;
	[tilespmem:$0x4C00] =	vst v63  }
0x3eb: {  	s29 =	spop (v2sf)  }
0x3ec: {  	s31 =	sshll.u32 s29, $0x3  }
0x3ed: {  	s29 =	sand.u32 $0x70, s29;
	s30 =	sand.u32 $0xFFFFFC00, s31  }
0x3ee: {  	s29 =	sor.u32 s29, s30  }
0x3ef: {  	s29 =	sshrl.u32 s29, $0x3  }
0x3f0: {  	s31 =	sadd.s32 $0x840, s28;
	s29 =	sadd.s32 s1, s29  }
0x3f1: {  	[tilespmem:s31], [sflag:$0x1] =	stream.linear.gather [hbm4b:s29+s6], $0x10, $0x38;
	[tilespmem:$0x4C00] =	vst v63  }
0x3f2: {  	s30 =	sadd.s32 $0x10, s29;
	s31 =	sadd.s32 $0x8C0, s28  }
0x3f3: {  	[tilespmem:s31], [sflag:$0x1] =	stream.linear.gather [hbm4b:s30+s6], $0x10, $0x38;
	[tilespmem:$0x4C00] =	vst v63  }
0x3f4: {  	s30 =	sadd.s32 $0x20, s29;
	s31 =	sadd.s32 $0x940, s28  }
0x3f5: {  	[tilespmem:s31], [sflag:$0x1] =	stream.linear.gather [hbm4b:s30+s6], $0x10, $0x38;
	[tilespmem:$0x4C00] =	vst v63  }
0x3f6: {  	s30 =	sadd.s32 $0x30, s29;
	s31 =	sadd.s32 $0x9C0, s28  }
0x3f7: {  	[tilespmem:s31], [sflag:$0x1] =	stream.linear.gather [hbm4b:s30+s6], $0x10, $0x38;
	[tilespmem:$0x4C00] =	vst v63  }
0x3f8: {  	s30 =	sadd.s32 $0x40, s29;
	s31 =	sadd.s32 $0xA40, s28  }
0x3f9: {  	[tilespmem:s31], [sflag:$0x1] =	stream.linear.gather [hbm4b:s30+s6], $0x10, $0x38;
	[tilespmem:$0x4C00] =	vst v63  }
0x3fa: {  	s30 =	sadd.s32 $0x50, s29;
	s31 =	sadd.s32 $0xAC0, s28  }
0x3fb: {  	[tilespmem:s31], [sflag:$0x1] =	stream.linear.gather [hbm4b:s30+s6], $0x10, $0x38;
	[tilespmem:$0x4C00] =	vst v63  }
0x3fc: {  	s30 =	sadd.s32 $0x60, s29;
	s31 =	sadd.s32 $0xB40, s28  }
0x3fd: {  	[tilespmem:s31], [sflag:$0x1] =	stream.linear.gather [hbm4b:s30+s6], $0x10, $0x38;
	[tilespmem:$0x4C00] =	vst v63  }
0x3fe: {  	s30 =	sadd.s32 $0x70, s29;
	s31 =	sadd.s32 $0xBC0, s28  }
0x3ff: {  	[tilespmem:s31], [sflag:$0x1] =	stream.linear.gather [hbm4b:s30+s6], $0x10, $0x38;
	[tilespmem:$0x4C00] =	vst v63  }
0x400: {  	s29 =	sadd.s32 $0xF4280, s29;
	s31 =	sadd.s32 $0x1840, s28  }
0x401: {  	(v2sf) =	vpush v2, $0xC;
	[tilespmem:s31], [sflag:$0x1] =	stream.linear.gather [hbm4b:s29+s6], $0x10, $0x38;
	[tilespmem:$0x4C00] =	vst v63  }
0x402: {  	s30 =	sadd.s32 $0x10, s29;
	s31 =	sadd.s32 $0x18C0, s28  }
0x403: {  	[tilespmem:s31], [sflag:$0x1] =	stream.linear.gather [hbm4b:s30+s6], $0x10, $0x38;
	[tilespmem:$0x4C00] =	vst v63  }
0x404: {  	s30 =	sadd.s32 $0x20, s29;
	s31 =	sadd.s32 $0x1940, s28  }
0x405: {  	[tilespmem:s31], [sflag:$0x1] =	stream.linear.gather [hbm4b:s30+s6], $0x10, $0x38;
	[tilespmem:$0x4C00] =	vst v63  }
0x406: {  	s30 =	sadd.s32 $0x30, s29;
	s31 =	sadd.s32 $0x19C0, s28  }
0x407: {  	[tilespmem:s31], [sflag:$0x1] =	stream.linear.gather [hbm4b:s30+s6], $0x10, $0x38;
	[tilespmem:$0x4C00] =	vst v63  }
0x408: {  	s30 =	sadd.s32 $0x40, s29;
	s31 =	sadd.s32 $0x1A40, s28  }
0x409: {  	[tilespmem:s31], [sflag:$0x1] =	stream.linear.gather [hbm4b:s30+s6], $0x10, $0x38;
	[tilespmem:$0x4C00] =	vst v63  }
0x40a: {  	s30 =	sadd.s32 $0x50, s29;
	s31 =	sadd.s32 $0x1AC0, s28  }
0x40b: {  	[tilespmem:s31], [sflag:$0x1] =	stream.linear.gather [hbm4b:s30+s6], $0x10, $0x38;
	[tilespmem:$0x4C00] =	vst v63  }
0x40c: {  	s30 =	sadd.s32 $0x60, s29;
	s31 =	sadd.s32 $0x1B40, s28  }
0x40d: {  	[tilespmem:s31], [sflag:$0x1] =	stream.linear.gather [hbm4b:s30+s6], $0x10, $0x38;
	[tilespmem:$0x4C00] =	vst v63  }
0x40e: {  	s29 =	sadd.s32 $0x70, s29;
	s31 =	sadd.s32 $0x1BC0, s28  }
0x40f: {  	[tilespmem:s31], [sflag:$0x1] =	stream.linear.gather [hbm4b:s29+s6], $0x10, $0x38;
	[tilespmem:$0x4C00] =	vst v63  }
0x410: {  	s29 =	spop (v2sf)  }
0x411: {  	s31 =	sshll.u32 s29, $0x3  }
0x412: {  	s29 =	sand.u32 $0x70, s29;
	s30 =	sand.u32 $0xFFFFFC00, s31  }
0x413: {  	s29 =	sor.u32 s29, s30  }
0x414: {  	s29 =	sshrl.u32 s29, $0x3  }
0x415: {  	s31 =	sadd.s32 $0x2840, s28;
	s29 =	sadd.s32 s2, s29  }
0x416: {  	[tilespmem:s31], [sflag:$0x1] =	stream.linear.gather [hbm4b:s29+s6], $0x10, $0x38;
	[tilespmem:$0x4C00] =	vst v63  }
0x417: {  	s30 =	sadd.s32 $0x10, s29;
	s31 =	sadd.s32 $0x28C0, s28  }
0x418: {  	[tilespmem:s31], [sflag:$0x1] =	stream.linear.gather [hbm4b:s30+s6], $0x10, $0x38;
	[tilespmem:$0x4C00] =	vst v63  }
0x419: {  	s30 =	sadd.s32 $0x20, s29;
	s31 =	sadd.s32 $0x2940, s28  }
0x41a: {  	[tilespmem:s31], [sflag:$0x1] =	stream.linear.gather [hbm4b:s30+s6], $0x10, $0x38;
	[tilespmem:$0x4C00] =	vst v63  }
0x41b: {  	s30 =	sadd.s32 $0x30, s29;
	s31 =	sadd.s32 $0x29C0, s28  }
0x41c: {  	[tilespmem:s31], [sflag:$0x1] =	stream.linear.gather [hbm4b:s30+s6], $0x10, $0x38;
	[tilespmem:$0x4C00] =	vst v63  }
0x41d: {  	s30 =	sadd.s32 $0x40, s29;
	s31 =	sadd.s32 $0x2A40, s28  }
0x41e: {  	[tilespmem:s31], [sflag:$0x1] =	stream.linear.gather [hbm4b:s30+s6], $0x10, $0x38;
	[tilespmem:$0x4C00] =	vst v63  }
0x41f: {  	s30 =	sadd.s32 $0x50, s29;
	s31 =	sadd.s32 $0x2AC0, s28  }
0x420: {  	[tilespmem:s31], [sflag:$0x1] =	stream.linear.gather [hbm4b:s30+s6], $0x10, $0x38;
	[tilespmem:$0x4C00] =	vst v63  }
0x421: {  	s30 =	sadd.s32 $0x60, s29;
	s31 =	sadd.s32 $0x2B40, s28  }
0x422: {  	[tilespmem:s31], [sflag:$0x1] =	stream.linear.gather [hbm4b:s30+s6], $0x10, $0x38;
	[tilespmem:$0x4C00] =	vst v63  }
0x423: {  	s30 =	sadd.s32 $0x70, s29;
	s31 =	sadd.s32 $0x2BC0, s28  }
0x424: {  	[tilespmem:s31], [sflag:$0x1] =	stream.linear.gather [hbm4b:s30+s6], $0x10, $0x38;
	[tilespmem:$0x4C00] =	vst v63  }
0x425: {  	s29 =	sadd.s32 $0xF4280, s29;
	s31 =	sadd.s32 $0x3840, s28  }
0x426: {  	(v2sf) =	vpush v3, $0xD;
	[tilespmem:s31], [sflag:$0x1] =	stream.linear.gather [hbm4b:s29+s6], $0x10, $0x38;
	[tilespmem:$0x4C00] =	vst v63  }
0x427: {  	s30 =	sadd.s32 $0x10, s29;
	s31 =	sadd.s32 $0x38C0, s28  }
0x428: {  	[tilespmem:s31], [sflag:$0x1] =	stream.linear.gather [hbm4b:s30+s6], $0x10, $0x38;
	[tilespmem:$0x4C00] =	vst v63  }
0x429: {  	s30 =	sadd.s32 $0x20, s29;
	s31 =	sadd.s32 $0x3940, s28  }
0x42a: {  	[tilespmem:s31], [sflag:$0x1] =	stream.linear.gather [hbm4b:s30+s6], $0x10, $0x38;
	[tilespmem:$0x4C00] =	vst v63  }
0x42b: {  	s30 =	sadd.s32 $0x30, s29;
	s31 =	sadd.s32 $0x39C0, s28  }
0x42c: {  	[tilespmem:s31], [sflag:$0x1] =	stream.linear.gather [hbm4b:s30+s6], $0x10, $0x38;
	[tilespmem:$0x4C00] =	vst v63  }
0x42d: {  	s30 =	sadd.s32 $0x40, s29;
	s31 =	sadd.s32 $0x3A40, s28  }
0x42e: {  	[tilespmem:s31], [sflag:$0x1] =	stream.linear.gather [hbm4b:s30+s6], $0x10, $0x38;
	[tilespmem:$0x4C00] =	vst v63  }
0x42f: {  	s30 =	sadd.s32 $0x50, s29;
	s31 =	sadd.s32 $0x3AC0, s28  }
0x430: {  	[tilespmem:s31], [sflag:$0x1] =	stream.linear.gather [hbm4b:s30+s6], $0x10, $0x38;
	[tilespmem:$0x4C00] =	vst v63  }
0x431: {  	s30 =	sadd.s32 $0x60, s29;
	s31 =	sadd.s32 $0x3B40, s28  }
0x432: {  	[tilespmem:s31], [sflag:$0x1] =	stream.linear.gather [hbm4b:s30+s6], $0x10, $0x38;
	[tilespmem:$0x4C00] =	vst v63  }
0x433: {  	s29 =	sadd.s32 $0x70, s29;
	s31 =	sadd.s32 $0x3BC0, s28  }
0x434: {  	[tilespmem:s31], [sflag:$0x1] =	stream.linear.gather [hbm4b:s29+s6], $0x10, $0x38;
	[tilespmem:$0x4C00] =	vst v63  }
0x435: {  	s29 =	spop (v2sf)  }
0x436: {  	s31 =	sshll.u32 s29, $0x3  }
0x437: {  	s29 =	sand.u32 $0x70, s29;
	s30 =	sand.u32 $0xFFFFFC00, s31  }
0x438: {  	s29 =	sor.u32 s29, s30  }
0x439: {  	s29 =	sshrl.u32 s29, $0x3  }
0x43a: {  	s31 =	sadd.s32 $0x850, s28;
	s29 =	sadd.s32 s1, s29  }
0x43b: {  	[tilespmem:s31], [sflag:$0x1] =	stream.linear.gather [hbm4b:s29+s6], $0x10, $0x38;
	[tilespmem:$0x4C00] =	vst v63  }
0x43c: {  	s30 =	sadd.s32 $0x10, s29;
	s31 =	sadd.s32 $0x8D0, s28  }
0x43d: {  	[tilespmem:s31], [sflag:$0x1] =	stream.linear.gather [hbm4b:s30+s6], $0x10, $0x38;
	[tilespmem:$0x4C00] =	vst v63  }
0x43e: {  	s30 =	sadd.s32 $0x20, s29;
	s31 =	sadd.s32 $0x950, s28  }
0x43f: {  	[tilespmem:s31], [sflag:$0x1] =	stream.linear.gather [hbm4b:s30+s6], $0x10, $0x38;
	[tilespmem:$0x4C00] =	vst v63  }
0x440: {  	s30 =	sadd.s32 $0x30, s29;
	s31 =	sadd.s32 $0x9D0, s28  }
0x441: {  	[tilespmem:s31], [sflag:$0x1] =	stream.linear.gather [hbm4b:s30+s6], $0x10, $0x38;
	[tilespmem:$0x4C00] =	vst v63  }
0x442: {  	s30 =	sadd.s32 $0x40, s29;
	s31 =	sadd.s32 $0xA50, s28  }
0x443: {  	[tilespmem:s31], [sflag:$0x1] =	stream.linear.gather [hbm4b:s30+s6], $0x10, $0x38;
	[tilespmem:$0x4C00] =	vst v63  }
0x444: {  	s30 =	sadd.s32 $0x50, s29;
	s31 =	sadd.s32 $0xAD0, s28  }
0x445: {  	[tilespmem:s31], [sflag:$0x1] =	stream.linear.gather [hbm4b:s30+s6], $0x10, $0x38;
	[tilespmem:$0x4C00] =	vst v63  }
0x446: {  	s30 =	sadd.s32 $0x60, s29;
	s31 =	sadd.s32 $0xB50, s28  }
0x447: {  	[tilespmem:s31], [sflag:$0x1] =	stream.linear.gather [hbm4b:s30+s6], $0x10, $0x38;
	[tilespmem:$0x4C00] =	vst v63  }
0x448: {  	s30 =	sadd.s32 $0x70, s29;
	s31 =	sadd.s32 $0xBD0, s28  }
0x449: {  	[tilespmem:s31], [sflag:$0x1] =	stream.linear.gather [hbm4b:s30+s6], $0x10, $0x38;
	[tilespmem:$0x4C00] =	vst v63  }
0x44a: {  	s29 =	sadd.s32 $0xF4280, s29;
	s31 =	sadd.s32 $0x1850, s28  }
0x44b: {  	(v2sf) =	vpush v2, $0xD;
	[tilespmem:s31], [sflag:$0x1] =	stream.linear.gather [hbm4b:s29+s6], $0x10, $0x38;
	[tilespmem:$0x4C00] =	vst v63  }
0x44c: {  	s30 =	sadd.s32 $0x10, s29;
	s31 =	sadd.s32 $0x18D0, s28  }
0x44d: {  	[tilespmem:s31], [sflag:$0x1] =	stream.linear.gather [hbm4b:s30+s6], $0x10, $0x38;
	[tilespmem:$0x4C00] =	vst v63  }
0x44e: {  	s30 =	sadd.s32 $0x20, s29;
	s31 =	sadd.s32 $0x1950, s28  }
0x44f: {  	[tilespmem:s31], [sflag:$0x1] =	stream.linear.gather [hbm4b:s30+s6], $0x10, $0x38;
	[tilespmem:$0x4C00] =	vst v63  }
0x450: {  	s30 =	sadd.s32 $0x30, s29;
	s31 =	sadd.s32 $0x19D0, s28  }
0x451: {  	[tilespmem:s31], [sflag:$0x1] =	stream.linear.gather [hbm4b:s30+s6], $0x10, $0x38;
	[tilespmem:$0x4C00] =	vst v63  }
0x452: {  	s30 =	sadd.s32 $0x40, s29;
	s31 =	sadd.s32 $0x1A50, s28  }
0x453: {  	[tilespmem:s31], [sflag:$0x1] =	stream.linear.gather [hbm4b:s30+s6], $0x10, $0x38;
	[tilespmem:$0x4C00] =	vst v63  }
0x454: {  	s30 =	sadd.s32 $0x50, s29;
	s31 =	sadd.s32 $0x1AD0, s28  }
0x455: {  	[tilespmem:s31], [sflag:$0x1] =	stream.linear.gather [hbm4b:s30+s6], $0x10, $0x38;
	[tilespmem:$0x4C00] =	vst v63  }
0x456: {  	s30 =	sadd.s32 $0x60, s29;
	s31 =	sadd.s32 $0x1B50, s28  }
0x457: {  	[tilespmem:s31], [sflag:$0x1] =	stream.linear.gather [hbm4b:s30+s6], $0x10, $0x38;
	[tilespmem:$0x4C00] =	vst v63  }
0x458: {  	s29 =	sadd.s32 $0x70, s29;
	s31 =	sadd.s32 $0x1BD0, s28  }
0x459: {  	[tilespmem:s31], [sflag:$0x1] =	stream.linear.gather [hbm4b:s29+s6], $0x10, $0x38;
	[tilespmem:$0x4C00] =	vst v63  }
0x45a: {  	s29 =	spop (v2sf)  }
0x45b: {  	s31 =	sshll.u32 s29, $0x3  }
0x45c: {  	s29 =	sand.u32 $0x70, s29;
	s30 =	sand.u32 $0xFFFFFC00, s31  }
0x45d: {  	s29 =	sor.u32 s29, s30  }
0x45e: {  	s29 =	sshrl.u32 s29, $0x3  }
0x45f: {  	s31 =	sadd.s32 $0x2850, s28;
	s29 =	sadd.s32 s2, s29  }
0x460: {  	[tilespmem:s31], [sflag:$0x1] =	stream.linear.gather [hbm4b:s29+s6], $0x10, $0x38;
	[tilespmem:$0x4C00] =	vst v63  }
0x461: {  	s30 =	sadd.s32 $0x10, s29;
	s31 =	sadd.s32 $0x28D0, s28  }
0x462: {  	[tilespmem:s31], [sflag:$0x1] =	stream.linear.gather [hbm4b:s30+s6], $0x10, $0x38;
	[tilespmem:$0x4C00] =	vst v63  }
0x463: {  	s30 =	sadd.s32 $0x20, s29;
	s31 =	sadd.s32 $0x2950, s28  }
0x464: {  	[tilespmem:s31], [sflag:$0x1] =	stream.linear.gather [hbm4b:s30+s6], $0x10, $0x38;
	[tilespmem:$0x4C00] =	vst v63  }
0x465: {  	s30 =	sadd.s32 $0x30, s29;
	s31 =	sadd.s32 $0x29D0, s28  }
0x466: {  	[tilespmem:s31], [sflag:$0x1] =	stream.linear.gather [hbm4b:s30+s6], $0x10, $0x38;
	[tilespmem:$0x4C00] =	vst v63  }
0x467: {  	s30 =	sadd.s32 $0x40, s29;
	s31 =	sadd.s32 $0x2A50, s28  }
0x468: {  	[tilespmem:s31], [sflag:$0x1] =	stream.linear.gather [hbm4b:s30+s6], $0x10, $0x38;
	[tilespmem:$0x4C00] =	vst v63  }
0x469: {  	s30 =	sadd.s32 $0x50, s29;
	s31 =	sadd.s32 $0x2AD0, s28  }
0x46a: {  	[tilespmem:s31], [sflag:$0x1] =	stream.linear.gather [hbm4b:s30+s6], $0x10, $0x38;
	[tilespmem:$0x4C00] =	vst v63  }
0x46b: {  	s30 =	sadd.s32 $0x60, s29;
	s31 =	sadd.s32 $0x2B50, s28  }
0x46c: {  	[tilespmem:s31], [sflag:$0x1] =	stream.linear.gather [hbm4b:s30+s6], $0x10, $0x38;
	[tilespmem:$0x4C00] =	vst v63  }
0x46d: {  	s30 =	sadd.s32 $0x70, s29;
	s31 =	sadd.s32 $0x2BD0, s28  }
0x46e: {  	[tilespmem:s31], [sflag:$0x1] =	stream.linear.gather [hbm4b:s30+s6], $0x10, $0x38;
	[tilespmem:$0x4C00] =	vst v63  }
0x46f: {  	s29 =	sadd.s32 $0xF4280, s29;
	s31 =	sadd.s32 $0x3850, s28  }
0x470: {  	(v2sf) =	vpush v3, $0xE;
	[tilespmem:s31], [sflag:$0x1] =	stream.linear.gather [hbm4b:s29+s6], $0x10, $0x38;
	[tilespmem:$0x4C00] =	vst v63  }
0x471: {  	s30 =	sadd.s32 $0x10, s29;
	s31 =	sadd.s32 $0x38D0, s28  }
0x472: {  	[tilespmem:s31], [sflag:$0x1] =	stream.linear.gather [hbm4b:s30+s6], $0x10, $0x38;
	[tilespmem:$0x4C00] =	vst v63  }
0x473: {  	s30 =	sadd.s32 $0x20, s29;
	s31 =	sadd.s32 $0x3950, s28  }
0x474: {  	[tilespmem:s31], [sflag:$0x1] =	stream.linear.gather [hbm4b:s30+s6], $0x10, $0x38;
	[tilespmem:$0x4C00] =	vst v63  }
0x475: {  	s30 =	sadd.s32 $0x30, s29;
	s31 =	sadd.s32 $0x39D0, s28  }
0x476: {  	[tilespmem:s31], [sflag:$0x1] =	stream.linear.gather [hbm4b:s30+s6], $0x10, $0x38;
	[tilespmem:$0x4C00] =	vst v63  }
0x477: {  	s30 =	sadd.s32 $0x40, s29;
	s31 =	sadd.s32 $0x3A50, s28  }
0x478: {  	[tilespmem:s31], [sflag:$0x1] =	stream.linear.gather [hbm4b:s30+s6], $0x10, $0x38;
	[tilespmem:$0x4C00] =	vst v63  }
0x479: {  	s30 =	sadd.s32 $0x50, s29;
	s31 =	sadd.s32 $0x3AD0, s28  }
0x47a: {  	[tilespmem:s31], [sflag:$0x1] =	stream.linear.gather [hbm4b:s30+s6], $0x10, $0x38;
	[tilespmem:$0x4C00] =	vst v63  }
0x47b: {  	s30 =	sadd.s32 $0x60, s29;
	s31 =	sadd.s32 $0x3B50, s28  }
0x47c: {  	[tilespmem:s31], [sflag:$0x1] =	stream.linear.gather [hbm4b:s30+s6], $0x10, $0x38;
	[tilespmem:$0x4C00] =	vst v63  }
0x47d: {  	s29 =	sadd.s32 $0x70, s29;
	s31 =	sadd.s32 $0x3BD0, s28  }
0x47e: {  	[tilespmem:s31], [sflag:$0x1] =	stream.linear.gather [hbm4b:s29+s6], $0x10, $0x38;
	[tilespmem:$0x4C00] =	vst v63  }
0x47f: {  	s29 =	spop (v2sf)  }
0x480: {  	s31 =	sshll.u32 s29, $0x3  }
0x481: {  	s29 =	sand.u32 $0x70, s29;
	s30 =	sand.u32 $0xFFFFFC00, s31  }
0x482: {  	s29 =	sor.u32 s29, s30  }
0x483: {  	s29 =	sshrl.u32 s29, $0x3  }
0x484: {  	s31 =	sadd.s32 $0x860, s28;
	s29 =	sadd.s32 s1, s29  }
0x485: {  	[tilespmem:s31], [sflag:$0x1] =	stream.linear.gather [hbm4b:s29+s6], $0x10, $0x38;
	[tilespmem:$0x4C00] =	vst v63  }
0x486: {  	s30 =	sadd.s32 $0x10, s29;
	s31 =	sadd.s32 $0x8E0, s28  }
0x487: {  	[tilespmem:s31], [sflag:$0x1] =	stream.linear.gather [hbm4b:s30+s6], $0x10, $0x38;
	[tilespmem:$0x4C00] =	vst v63  }
0x488: {  	s30 =	sadd.s32 $0x20, s29;
	s31 =	sadd.s32 $0x960, s28  }
0x489: {  	[tilespmem:s31], [sflag:$0x1] =	stream.linear.gather [hbm4b:s30+s6], $0x10, $0x38;
	[tilespmem:$0x4C00] =	vst v63  }
0x48a: {  	s30 =	sadd.s32 $0x30, s29;
	s31 =	sadd.s32 $0x9E0, s28  }
0x48b: {  	[tilespmem:s31], [sflag:$0x1] =	stream.linear.gather [hbm4b:s30+s6], $0x10, $0x38;
	[tilespmem:$0x4C00] =	vst v63  }
0x48c: {  	s30 =	sadd.s32 $0x40, s29;
	s31 =	sadd.s32 $0xA60, s28  }
0x48d: {  	[tilespmem:s31], [sflag:$0x1] =	stream.linear.gather [hbm4b:s30+s6], $0x10, $0x38;
	[tilespmem:$0x4C00] =	vst v63  }
0x48e: {  	s30 =	sadd.s32 $0x50, s29;
	s31 =	sadd.s32 $0xAE0, s28  }
0x48f: {  	[tilespmem:s31], [sflag:$0x1] =	stream.linear.gather [hbm4b:s30+s6], $0x10, $0x38;
	[tilespmem:$0x4C00] =	vst v63  }
0x490: {  	s30 =	sadd.s32 $0x60, s29;
	s31 =	sadd.s32 $0xB60, s28  }
0x491: {  	[tilespmem:s31], [sflag:$0x1] =	stream.linear.gather [hbm4b:s30+s6], $0x10, $0x38;
	[tilespmem:$0x4C00] =	vst v63  }
0x492: {  	s30 =	sadd.s32 $0x70, s29;
	s31 =	sadd.s32 $0xBE0, s28  }
0x493: {  	[tilespmem:s31], [sflag:$0x1] =	stream.linear.gather [hbm4b:s30+s6], $0x10, $0x38;
	[tilespmem:$0x4C00] =	vst v63  }
0x494: {  	s29 =	sadd.s32 $0xF4280, s29;
	s31 =	sadd.s32 $0x1860, s28  }
0x495: {  	(v2sf) =	vpush v2, $0xE;
	[tilespmem:s31], [sflag:$0x1] =	stream.linear.gather [hbm4b:s29+s6], $0x10, $0x38;
	[tilespmem:$0x4C00] =	vst v63  }
0x496: {  	s30 =	sadd.s32 $0x10, s29;
	s31 =	sadd.s32 $0x18E0, s28  }
0x497: {  	[tilespmem:s31], [sflag:$0x1] =	stream.linear.gather [hbm4b:s30+s6], $0x10, $0x38;
	[tilespmem:$0x4C00] =	vst v63  }
0x498: {  	s30 =	sadd.s32 $0x20, s29;
	s31 =	sadd.s32 $0x1960, s28  }
0x499: {  	[tilespmem:s31], [sflag:$0x1] =	stream.linear.gather [hbm4b:s30+s6], $0x10, $0x38;
	[tilespmem:$0x4C00] =	vst v63  }
0x49a: {  	s30 =	sadd.s32 $0x30, s29;
	s31 =	sadd.s32 $0x19E0, s28  }
0x49b: {  	[tilespmem:s31], [sflag:$0x1] =	stream.linear.gather [hbm4b:s30+s6], $0x10, $0x38;
	[tilespmem:$0x4C00] =	vst v63  }
0x49c: {  	s30 =	sadd.s32 $0x40, s29;
	s31 =	sadd.s32 $0x1A60, s28  }
0x49d: {  	[tilespmem:s31], [sflag:$0x1] =	stream.linear.gather [hbm4b:s30+s6], $0x10, $0x38;
	[tilespmem:$0x4C00] =	vst v63  }
0x49e: {  	s30 =	sadd.s32 $0x50, s29;
	s31 =	sadd.s32 $0x1AE0, s28  }
0x49f: {  	[tilespmem:s31], [sflag:$0x1] =	stream.linear.gather [hbm4b:s30+s6], $0x10, $0x38;
	[tilespmem:$0x4C00] =	vst v63  }
0x4a0: {  	s30 =	sadd.s32 $0x60, s29;
	s31 =	sadd.s32 $0x1B60, s28  }
0x4a1: {  	[tilespmem:s31], [sflag:$0x1] =	stream.linear.gather [hbm4b:s30+s6], $0x10, $0x38;
	[tilespmem:$0x4C00] =	vst v63  }
0x4a2: {  	s29 =	sadd.s32 $0x70, s29;
	s31 =	sadd.s32 $0x1BE0, s28  }
0x4a3: {  	[tilespmem:s31], [sflag:$0x1] =	stream.linear.gather [hbm4b:s29+s6], $0x10, $0x38;
	[tilespmem:$0x4C00] =	vst v63  }
0x4a4: {  	s29 =	spop (v2sf)  }
0x4a5: {  	s31 =	sshll.u32 s29, $0x3  }
0x4a6: {  	s29 =	sand.u32 $0x70, s29;
	s30 =	sand.u32 $0xFFFFFC00, s31  }
0x4a7: {  	s29 =	sor.u32 s29, s30  }
0x4a8: {  	s29 =	sshrl.u32 s29, $0x3  }
0x4a9: {  	s31 =	sadd.s32 $0x2860, s28;
	s29 =	sadd.s32 s2, s29  }
0x4aa: {  	[tilespmem:s31], [sflag:$0x1] =	stream.linear.gather [hbm4b:s29+s6], $0x10, $0x38;
	[tilespmem:$0x4C00] =	vst v63  }
0x4ab: {  	s30 =	sadd.s32 $0x10, s29;
	s31 =	sadd.s32 $0x28E0, s28  }
0x4ac: {  	[tilespmem:s31], [sflag:$0x1] =	stream.linear.gather [hbm4b:s30+s6], $0x10, $0x38;
	[tilespmem:$0x4C00] =	vst v63  }
0x4ad: {  	s30 =	sadd.s32 $0x20, s29;
	s31 =	sadd.s32 $0x2960, s28  }
0x4ae: {  	[tilespmem:s31], [sflag:$0x1] =	stream.linear.gather [hbm4b:s30+s6], $0x10, $0x38;
	[tilespmem:$0x4C00] =	vst v63  }
0x4af: {  	s30 =	sadd.s32 $0x30, s29;
	s31 =	sadd.s32 $0x29E0, s28  }
0x4b0: {  	[tilespmem:s31], [sflag:$0x1] =	stream.linear.gather [hbm4b:s30+s6], $0x10, $0x38;
	[tilespmem:$0x4C00] =	vst v63  }
0x4b1: {  	s30 =	sadd.s32 $0x40, s29;
	s31 =	sadd.s32 $0x2A60, s28  }
0x4b2: {  	[tilespmem:s31], [sflag:$0x1] =	stream.linear.gather [hbm4b:s30+s6], $0x10, $0x38;
	[tilespmem:$0x4C00] =	vst v63  }
0x4b3: {  	s30 =	sadd.s32 $0x50, s29;
	s31 =	sadd.s32 $0x2AE0, s28  }
0x4b4: {  	[tilespmem:s31], [sflag:$0x1] =	stream.linear.gather [hbm4b:s30+s6], $0x10, $0x38;
	[tilespmem:$0x4C00] =	vst v63  }
0x4b5: {  	s30 =	sadd.s32 $0x60, s29;
	s31 =	sadd.s32 $0x2B60, s28  }
0x4b6: {  	[tilespmem:s31], [sflag:$0x1] =	stream.linear.gather [hbm4b:s30+s6], $0x10, $0x38;
	[tilespmem:$0x4C00] =	vst v63  }
0x4b7: {  	s30 =	sadd.s32 $0x70, s29;
	s31 =	sadd.s32 $0x2BE0, s28  }
0x4b8: {  	[tilespmem:s31], [sflag:$0x1] =	stream.linear.gather [hbm4b:s30+s6], $0x10, $0x38;
	[tilespmem:$0x4C00] =	vst v63  }
0x4b9: {  	s29 =	sadd.s32 $0xF4280, s29;
	s31 =	sadd.s32 $0x3860, s28  }
0x4ba: {  	(v2sf) =	vpush v3, $0xF;
	[tilespmem:s31], [sflag:$0x1] =	stream.linear.gather [hbm4b:s29+s6], $0x10, $0x38;
	[tilespmem:$0x4C00] =	vst v63  }
0x4bb: {  	s30 =	sadd.s32 $0x10, s29;
	s31 =	sadd.s32 $0x38E0, s28  }
0x4bc: {  	[tilespmem:s31], [sflag:$0x1] =	stream.linear.gather [hbm4b:s30+s6], $0x10, $0x38;
	[tilespmem:$0x4C00] =	vst v63  }
0x4bd: {  	s30 =	sadd.s32 $0x20, s29;
	s31 =	sadd.s32 $0x3960, s28  }
0x4be: {  	[tilespmem:s31], [sflag:$0x1] =	stream.linear.gather [hbm4b:s30+s6], $0x10, $0x38;
	[tilespmem:$0x4C00] =	vst v63  }
0x4bf: {  	s30 =	sadd.s32 $0x30, s29;
	s31 =	sadd.s32 $0x39E0, s28  }
0x4c0: {  	[tilespmem:s31], [sflag:$0x1] =	stream.linear.gather [hbm4b:s30+s6], $0x10, $0x38;
	[tilespmem:$0x4C00] =	vst v63  }
0x4c1: {  	s30 =	sadd.s32 $0x40, s29;
	s31 =	sadd.s32 $0x3A60, s28  }
0x4c2: {  	[tilespmem:s31], [sflag:$0x1] =	stream.linear.gather [hbm4b:s30+s6], $0x10, $0x38;
	[tilespmem:$0x4C00] =	vst v63  }
0x4c3: {  	s30 =	sadd.s32 $0x50, s29;
	s31 =	sadd.s32 $0x3AE0, s28  }
0x4c4: {  	[tilespmem:s31], [sflag:$0x1] =	stream.linear.gather [hbm4b:s30+s6], $0x10, $0x38;
	[tilespmem:$0x4C00] =	vst v63  }
0x4c5: {  	s30 =	sadd.s32 $0x60, s29;
	s31 =	sadd.s32 $0x3B60, s28  }
0x4c6: {  	[tilespmem:s31], [sflag:$0x1] =	stream.linear.gather [hbm4b:s30+s6], $0x10, $0x38;
	[tilespmem:$0x4C00] =	vst v63  }
0x4c7: {  	s29 =	sadd.s32 $0x70, s29;
	s31 =	sadd.s32 $0x3BE0, s28  }
0x4c8: {  	[tilespmem:s31], [sflag:$0x1] =	stream.linear.gather [hbm4b:s29+s6], $0x10, $0x38;
	[tilespmem:$0x4C00] =	vst v63  }
0x4c9: {  	s29 =	spop (v2sf)  }
0x4ca: {  	s31 =	sshll.u32 s29, $0x3  }
0x4cb: {  	s29 =	sand.u32 $0x70, s29;
	s30 =	sand.u32 $0xFFFFFC00, s31  }
0x4cc: {  	s29 =	sor.u32 s29, s30  }
0x4cd: {  	s29 =	sshrl.u32 s29, $0x3  }
0x4ce: {  	s31 =	sadd.s32 $0x870, s28;
	s29 =	sadd.s32 s1, s29  }
0x4cf: {  	[tilespmem:s31], [sflag:$0x1] =	stream.linear.gather [hbm4b:s29+s6], $0x10, $0x38;
	[tilespmem:$0x4C00] =	vst v63  }
0x4d0: {  	s30 =	sadd.s32 $0x10, s29;
	s31 =	sadd.s32 $0x8F0, s28  }
0x4d1: {  	[tilespmem:s31], [sflag:$0x1] =	stream.linear.gather [hbm4b:s30+s6], $0x10, $0x38;
	[tilespmem:$0x4C00] =	vst v63  }
0x4d2: {  	s30 =	sadd.s32 $0x20, s29;
	s31 =	sadd.s32 $0x970, s28  }
0x4d3: {  	[tilespmem:s31], [sflag:$0x1] =	stream.linear.gather [hbm4b:s30+s6], $0x10, $0x38;
	[tilespmem:$0x4C00] =	vst v63  }
0x4d4: {  	s30 =	sadd.s32 $0x30, s29;
	s31 =	sadd.s32 $0x9F0, s28  }
0x4d5: {  	[tilespmem:s31], [sflag:$0x1] =	stream.linear.gather [hbm4b:s30+s6], $0x10, $0x38;
	[tilespmem:$0x4C00] =	vst v63  }
0x4d6: {  	s30 =	sadd.s32 $0x40, s29;
	s31 =	sadd.s32 $0xA70, s28  }
0x4d7: {  	[tilespmem:s31], [sflag:$0x1] =	stream.linear.gather [hbm4b:s30+s6], $0x10, $0x38;
	[tilespmem:$0x4C00] =	vst v63  }
0x4d8: {  	s30 =	sadd.s32 $0x50, s29;
	s31 =	sadd.s32 $0xAF0, s28  }
0x4d9: {  	[tilespmem:s31], [sflag:$0x1] =	stream.linear.gather [hbm4b:s30+s6], $0x10, $0x38;
	[tilespmem:$0x4C00] =	vst v63  }
0x4da: {  	s30 =	sadd.s32 $0x60, s29;
	s31 =	sadd.s32 $0xB70, s28  }
0x4db: {  	[tilespmem:s31], [sflag:$0x1] =	stream.linear.gather [hbm4b:s30+s6], $0x10, $0x38;
	[tilespmem:$0x4C00] =	vst v63  }
0x4dc: {  	s30 =	sadd.s32 $0x70, s29;
	s31 =	sadd.s32 $0xBF0, s28  }
0x4dd: {  	[tilespmem:s31], [sflag:$0x1] =	stream.linear.gather [hbm4b:s30+s6], $0x10, $0x38;
	[tilespmem:$0x4C00] =	vst v63  }
0x4de: {  	s29 =	sadd.s32 $0xF4280, s29;
	s31 =	sadd.s32 $0x1870, s28  }
0x4df: {  	(v2sf) =	vpush v2, $0xF;
	[tilespmem:s31], [sflag:$0x1] =	stream.linear.gather [hbm4b:s29+s6], $0x10, $0x38;
	[tilespmem:$0x4C00] =	vst v63  }
0x4e0: {  	s30 =	sadd.s32 $0x10, s29;
	s31 =	sadd.s32 $0x18F0, s28  }
0x4e1: {  	[tilespmem:s31], [sflag:$0x1] =	stream.linear.gather [hbm4b:s30+s6], $0x10, $0x38;
	[tilespmem:$0x4C00] =	vst v63  }
0x4e2: {  	s30 =	sadd.s32 $0x20, s29;
	s31 =	sadd.s32 $0x1970, s28  }
0x4e3: {  	[tilespmem:s31], [sflag:$0x1] =	stream.linear.gather [hbm4b:s30+s6], $0x10, $0x38;
	[tilespmem:$0x4C00] =	vst v63  }
0x4e4: {  	s30 =	sadd.s32 $0x30, s29;
	s31 =	sadd.s32 $0x19F0, s28  }
0x4e5: {  	[tilespmem:s31], [sflag:$0x1] =	stream.linear.gather [hbm4b:s30+s6], $0x10, $0x38;
	[tilespmem:$0x4C00] =	vst v63  }
0x4e6: {  	s30 =	sadd.s32 $0x40, s29;
	s31 =	sadd.s32 $0x1A70, s28  }
0x4e7: {  	[tilespmem:s31], [sflag:$0x1] =	stream.linear.gather [hbm4b:s30+s6], $0x10, $0x38;
	[tilespmem:$0x4C00] =	vst v63  }
0x4e8: {  	s30 =	sadd.s32 $0x50, s29;
	s31 =	sadd.s32 $0x1AF0, s28  }
0x4e9: {  	[tilespmem:s31], [sflag:$0x1] =	stream.linear.gather [hbm4b:s30+s6], $0x10, $0x38;
	[tilespmem:$0x4C00] =	vst v63  }
0x4ea: {  	s30 =	sadd.s32 $0x60, s29;
	s31 =	sadd.s32 $0x1B70, s28  }
0x4eb: {  	[tilespmem:s31], [sflag:$0x1] =	stream.linear.gather [hbm4b:s30+s6], $0x10, $0x38;
	[tilespmem:$0x4C00] =	vst v63  }
0x4ec: {  	s29 =	sadd.s32 $0x70, s29;
	s31 =	sadd.s32 $0x1BF0, s28  }
0x4ed: {  	[tilespmem:s31], [sflag:$0x1] =	stream.linear.gather [hbm4b:s29+s6], $0x10, $0x38;
	[tilespmem:$0x4C00] =	vst v63  }
0x4ee: {  	s29 =	spop (v2sf)  }
0x4ef: {  	s31 =	sshll.u32 s29, $0x3  }
0x4f0: {  	s29 =	sand.u32 $0x70, s29;
	s30 =	sand.u32 $0xFFFFFC00, s31  }
0x4f1: {  	s29 =	sor.u32 s29, s30  }
0x4f2: {  	s29 =	sshrl.u32 s29, $0x3  }
0x4f3: {  	s31 =	sadd.s32 $0x2870, s28;
	s29 =	sadd.s32 s2, s29  }
0x4f4: {  	[tilespmem:s31], [sflag:$0x1] =	stream.linear.gather [hbm4b:s29+s6], $0x10, $0x38;
	[tilespmem:$0x4C00] =	vst v63  }
0x4f5: {  	s30 =	sadd.s32 $0x10, s29;
	s31 =	sadd.s32 $0x28F0, s28  }
0x4f6: {  	[tilespmem:s31], [sflag:$0x1] =	stream.linear.gather [hbm4b:s30+s6], $0x10, $0x38;
	[tilespmem:$0x4C00] =	vst v63  }
0x4f7: {  	s30 =	sadd.s32 $0x20, s29;
	s31 =	sadd.s32 $0x2970, s28  }
0x4f8: {  	[tilespmem:s31], [sflag:$0x1] =	stream.linear.gather [hbm4b:s30+s6], $0x10, $0x38;
	[tilespmem:$0x4C00] =	vst v63  }
0x4f9: {  	s30 =	sadd.s32 $0x30, s29;
	s31 =	sadd.s32 $0x29F0, s28  }
0x4fa: {  	[tilespmem:s31], [sflag:$0x1] =	stream.linear.gather [hbm4b:s30+s6], $0x10, $0x38;
	[tilespmem:$0x4C00] =	vst v63  }
0x4fb: {  	s30 =	sadd.s32 $0x40, s29;
	s31 =	sadd.s32 $0x2A70, s28  }
0x4fc: {  	[tilespmem:s31], [sflag:$0x1] =	stream.linear.gather [hbm4b:s30+s6], $0x10, $0x38;
	[tilespmem:$0x4C00] =	vst v63  }
0x4fd: {  	s30 =	sadd.s32 $0x50, s29;
	s31 =	sadd.s32 $0x2AF0, s28  }
0x4fe: {  	[tilespmem:s31], [sflag:$0x1] =	stream.linear.gather [hbm4b:s30+s6], $0x10, $0x38;
	[tilespmem:$0x4C00] =	vst v63  }
0x4ff: {  	s30 =	sadd.s32 $0x60, s29;
	s31 =	sadd.s32 $0x2B70, s28  }
0x500: {  	[tilespmem:s31], [sflag:$0x1] =	stream.linear.gather [hbm4b:s30+s6], $0x10, $0x38;
	[tilespmem:$0x4C00] =	vst v63  }
0x501: {  	s30 =	sadd.s32 $0x70, s29;
	s31 =	sadd.s32 $0x2BF0, s28  }
0x502: {  	[tilespmem:s31], [sflag:$0x1] =	stream.linear.gather [hbm4b:s30+s6], $0x10, $0x38;
	[tilespmem:$0x4C00] =	vst v63  }
0x503: {  	s29 =	sadd.s32 $0xF4280, s29;
	s31 =	sadd.s32 $0x3870, s28  }
0x504: {  	[tilespmem:s31], [sflag:$0x1] =	stream.linear.gather [hbm4b:s29+s6], $0x10, $0x38;
	[tilespmem:$0x4C00] =	vst v63  }
0x505: {  	s30 =	sadd.s32 $0x10, s29;
	s31 =	sadd.s32 $0x38F0, s28  }
0x506: {  	[tilespmem:s31], [sflag:$0x1] =	stream.linear.gather [hbm4b:s30+s6], $0x10, $0x38;
	[tilespmem:$0x4C00] =	vst v63  }
0x507: {  	s30 =	sadd.s32 $0x20, s29;
	s31 =	sadd.s32 $0x3970, s28  }
0x508: {  	[tilespmem:s31], [sflag:$0x1] =	stream.linear.gather [hbm4b:s30+s6], $0x10, $0x38;
	[tilespmem:$0x4C00] =	vst v63  }
0x509: {  	s30 =	sadd.s32 $0x30, s29;
	s31 =	sadd.s32 $0x39F0, s28  }
0x50a: {  	[tilespmem:s31], [sflag:$0x1] =	stream.linear.gather [hbm4b:s30+s6], $0x10, $0x38;
	[tilespmem:$0x4C00] =	vst v63  }
0x50b: {  	s30 =	sadd.s32 $0x40, s29;
	s31 =	sadd.s32 $0x3A70, s28  }
0x50c: {  	[tilespmem:s31], [sflag:$0x1] =	stream.linear.gather [hbm4b:s30+s6], $0x10, $0x38;
	[tilespmem:$0x4C00] =	vst v63  }
0x50d: {  	p0 =	seq.s32 s26, $0x0;
	s30 =	sadd.s32 $0x50, s29;
	s31 =	sadd.s32 $0x3AF0, s28  }
0x50e: {  	[tilespmem:s31], [sflag:$0x1] =	stream.linear.gather [hbm4b:s30+s6], $0x10, $0x38;
	[tilespmem:$0x4C00] =	vst v63  }
.Ltmp5:
0x50f: {  	_ = 	snop;
	(pc) =	sbr.rel @!p0 .LBB2_4-.Ltmp5, $4  }
.Ltmp6:
0x510: {  	s30 =	sadd.s32 $0x60, s29;
	s31 =	sadd.s32 $0x3B70, s28;
	(pc) =	sbr.rel @p0 .LBB2_5-.Ltmp6, $4  }
0x511: {  	[tilespmem:s31], [sflag:$0x1] =	stream.linear.gather [hbm4b:s30+s6], $0x10, $0x38;
	[tilespmem:$0x4C00] =	vst v63  }
0x512: {  	s29 =	sadd.s32 $0x70, s29;
	s28 =	sadd.s32 $0x3BF0, s28  }
0x513: {  	[tilespmem:s28], [sflag:$0x1] =	stream.linear.gather [hbm4b:s29+s6], $0x10, $0x38;
	[tilespmem:$0x4C00] =	vst v63  }
0x514: {  	_ = 	snop  }
.LBB2_7:
0x515: {  	_ =	sfence.sel $0x180000  }
0x516: {  	[bflag:$0x0] =	sbarrier.arrive $0xFFFF  }
0x517: {  	p0 =	sne.s32 s5, $0x0;
	_ =	strace $0x90000047  }
0x518: {  	s0 =	sadd.s32 @!p0 $0x100000, s0;
	[bflag:$0x2] =	sbarrier.arrive $0xFFFF  }
0x519: {  	[sflag:s0] =	ssyncadd.tile.s32 @!p0 $0x1;
	_ =	shalt  }
.Lfunc_end2:
_tile_overlayer_lowered:
.L_overlay_start_2:
0x51a: {  	(tag) =	ssettag $0x2  }
0x51b: {  	s0 =	rddreg [dreg:$0x0];
	s2 =	stileid.u32  }
0x51c: {  	s1 =	rddreg [dreg:$0x1];
	p0 =	sne.s32 s2, $0x0  }
0x51d: {  	s3 =	rddreg [dreg:$0x2];
	[bflag:$0x3] =	sbarrier.arrive $0xFFFF;
	s2 =	simm.s32 @!p0 $0x1C04  }
0x51e: {  	[timem:s3], [sflag:s2] =	dma.local @!p0 [hbm:s0], s1  }
0x51f: {  	s0 =	simm.s32 @!p0 $0x4  }
0x520: {  	_ =	swait.ge @!p0 [sflag:s0], s1  }
0x521: {  	s1 =	ssub.s32 @!p0 $0x0, s1;
	[sflag:s0] =	ssyncset.done @!p0 $0x0  }
0x522: {  	[sflag:s0] =	ssyncadd.s32 @!p0 s1  }
0x523: {  	[bflag:$0x3] =	sbarrier.arrive $0xFFFF  }
0x524: {  	_ =	shalt  }

</sc_bundles>
